<compile_context>
chip_gen: v7x
topology: tpu7x:2x2x1
jax: 0.10.2.dev20260603
libtpu: 0.0.44.dev20260713+nightly
codegen_flags: <defaults>
</compile_context>

<pallas_src>
import functools

import jax
import jax.numpy as jnp
from jax import lax
from jax.experimental import pallas as pl
from jax.experimental.pallas import tpu as pltpu
from jax.experimental.pallas import tpu_sc as plsc

_N = 2048
_NW = 32
_RPW = _N // _NW
_L = 16
_K = _N // 2
_NV = _K // _L
_CUTOFF = 5.0

_SEC = _N + _K + _L
_OX, _OY, _OZ = 0 * _SEC, 1 * _SEC, 2 * _SEC
_ORE, _OBE, _OAL = 3 * _SEC, 4 * _SEC, 5 * _SEC
_OFE, _OA, _OB = 6 * _SEC, 7 * _SEC, 8 * _SEC
_OKA, _OLA = 9 * _SEC, 10 * _SEC
_FLAT = 11 * _SEC


def _pow20(x):
    x2 = x * x
    x4 = x2 * x2
    x8 = x4 * x4
    x16 = x8 * x8
    return x16 * x4


def _rsqrt_newton(r2):
    bits = lax.bitcast_convert_type(r2, jnp.int32)
    seed = jnp.int32(0x5F3759DF) - lax.shift_right_logical(bits, 1)
    y = lax.bitcast_convert_type(seed, jnp.float32)
    half = -0.5 * r2
    for _ in range(3):
        y = y * (1.5 + half * y * y)
    return y


def _sc_body(flat_hbm, rhor_hbm, rhoc_hbm, pairs_hbm, data, rho_v, rhoc, pair_v):
    wid = lax.axis_index("s") * 2 + lax.axis_index("c")
    base = wid * _RPW

    pltpu.sync_copy(flat_hbm, data)

    def zero_body(k, _):
        rhoc[pl.ds(k * _L, _L)] = jnp.zeros((_L,), jnp.float32)
        return 0
    lax.fori_loop(0, 2 * _N // _L, zero_body, 0)

    def _sload(off):
        return data[pl.ds(off, _L)][0]

    def row_body(il, pair_carry):
        i = base + il
        xi = _sload(_OX + i)
        yi = _sload(_OY + i)
        zi = _sload(_OZ + i)
        ire_i = _sload(_ORE + i)
        be_i = _sload(_OBE + i)
        al_i = _sload(_OAL + i)
        fe_i = _sload(_OFE + i)
        a_i = _sload(_OA + i)
        bofe_i = _sload(_OB + i)
        ka_i = _sload(_OKA + i)
        la_i = _sload(_OLA + i)

        def load_cols(j0):
            return (
                data[pl.ds(_OX + j0, _L)],
                data[pl.ds(_OY + j0, _L)],
                data[pl.ds(_OZ + j0, _L)],
                data[pl.ds(_ORE + j0, _L)],
                data[pl.ds(_OBE + j0, _L)],
                data[pl.ds(_OAL + j0, _L)],
                data[pl.ds(_OFE + j0, _L)],
                data[pl.ds(_OA + j0, _L)],
                data[pl.ds(_OB + j0, _L)],
                data[pl.ds(_OKA + j0, _L)],
                data[pl.ds(_OLA + j0, _L)],
            )

        def endpoint(r, ire, be, al, fe, a, bofe, ka, la):
            u = r * ire
            om = 1.0 - u
            eb = jnp.exp(om * be)
            ea = jnp.exp(om * al)
            dlam = 1.0 + _pow20(u - la)
            idkap = 1.0 / (1.0 + _pow20(u - ka))
            fr = fe * eb / dlam
            phir = a * ea * idkap - bofe * fr
            return fr, phir

        def compute(cols):
            xj, yj, zj, ire_j, be_j, al_j, fe_j, a_j, bofe_j, ka_j, la_j = cols
            dx = xj - xi
            dy = yj - yi
            dz = zj - zi
            r2 = dx * dx + dy * dy + dz * dz
            r = r2 * _rsqrt_newton(r2)

            fr_i, phir_i = endpoint(r, ire_i, be_i, al_i, fe_i, a_i,
                                    bofe_i, ka_i, la_i)
            fr_j, phir_j = endpoint(r, ire_j, be_j, al_j, fe_j, a_j,
                                    bofe_j, ka_j, la_j)

            phi = (fr_j / fr_i) * phir_i + (fr_i / fr_j) * phir_j
            return jnp.where(r <= _CUTOFF, phi, 0.0), fr_j, fr_i

        def col_block4(m, carry):
            pair_acc, rho_acc = carry
            j0 = i + 1 + m * (6 * _L)
            cols = [load_cols(j0 + u * _L) for u in range(6)]
            res = [compute(c) for c in cols]
            for phi_m, fr_j, _ in res:
                pair_acc = pair_acc + phi_m
                rho_acc = rho_acc + fr_j
            for u, (_, _, fr_i_u) in enumerate(res):
                plsc.addupdate(rhoc.at[pl.ds(j0 + u * _L, _L)], fr_i_u)
            return pair_acc, rho_acc

        zero = jnp.zeros((_L,), jnp.float32)
        pair_acc, rho_acc = lax.fori_loop(0, 10, col_block4, (zero, zero))

        jt = i + 961
        tcols = [load_cols(jt + u * _L) for u in range(4)]
        tres = [compute(c) for c in tcols]
        klane = 1009 + lax.iota(jnp.int32, _L)
        wt = jnp.where(klane == _K, 0.5, 1.0)
        for u, (phi_m, fr_j, _) in enumerate(tres):
            w = wt if u == 3 else 1.0
            pair_acc = pair_acc + phi_m * w
            rho_acc = rho_acc + fr_j * w
        for u, (_, _, fr_i_u) in enumerate(tres):
            w = wt if u == 3 else 1.0
            plsc.addupdate(rhoc.at[pl.ds(jt + u * _L, _L)], fr_i_u * w)

        rho_v[pl.ds(il * _L, _L)] = rho_acc
        return pair_carry + pair_acc

    pair_tot = lax.fori_loop(0, _RPW, row_body, jnp.zeros((_L,), jnp.float32))
    pair_v[...] = pair_tot

    pltpu.sync_copy(rho_v, rhor_hbm.at[pl.ds(base * _L, _RPW * _L)])
    pltpu.sync_copy(rhoc, rhoc_hbm.at[wid])
    pltpu.sync_copy(pair_v, pairs_hbm.at[wid])


_sc_pairs = functools.partial(
    pl.kernel,
    out_type=(
        jax.ShapeDtypeStruct((_N * _L,), jnp.float32),
        jax.ShapeDtypeStruct((_NW, 2 * _N), jnp.float32),
        jax.ShapeDtypeStruct((_NW, _L), jnp.float32),
    ),
    mesh=plsc.VectorSubcoreMesh(core_axis_name="c", subcore_axis_name="s"),
    scratch_types=[
        pltpu.VMEM((_FLAT,), jnp.float32),
        pltpu.VMEM((_RPW * _L,), jnp.float32),
        pltpu.VMEM((2 * _N,), jnp.float32),
        pltpu.VMEM((_L,), jnp.float32),
    ],
)(_sc_body)


def _tc_tail_kernel(rhor_ref, rhoc_ref, pt_ref, pairs_ref, out_ref):
    rhoc = jnp.sum(rhoc_ref[...], axis=0, keepdims=True)
    rho = (jnp.sum(rhor_ref[...], axis=0, keepdims=True)
           + rhoc[:, :_N] + rhoc[:, _N:])
    f_n0 = pt_ref[10:11, :]
    f_n1 = pt_ref[11:12, :]
    f_n2 = pt_ref[12:13, :]
    f_n3 = pt_ref[13:14, :]
    f_0 = pt_ref[14:15, :]
    f_1 = pt_ref[15:16, :]
    f_2 = pt_ref[16:17, :]
    f_3 = pt_ref[17:18, :]
    f_e = pt_ref[19:20, :]
    rho_n = pt_ref[20:21, :]
    rho_e = pt_ref[2:3, :]
    rho_0 = pt_ref[21:22, :]
    rho_s = pt_ref[3:4, :]
    eta = pt_ref[18:19, :]

    t_n = rho / rho_n - 1.0
    b1 = f_n0 + (f_n1 + (f_n2 + f_n3 * t_n) * t_n) * t_n
    t_e = rho / rho_e - 1.0
    b2 = f_0 + (f_1 + (f_2 + f_3 * t_e) * t_e) * t_e
    ratio = rho / rho_s
    lpw = eta * jnp.log(ratio)
    pw = jnp.exp(lpw)
    b3 = f_e * (1.0 - lpw) * pw
    f_val = jnp.where(rho < rho_n, b1, jnp.where(rho < rho_0, b2, b3))

    total = (jnp.sum(f_val, axis=(0, 1), keepdims=True)
             + 0.5 * jnp.sum(pairs_ref[...], axis=(0, 1), keepdims=True))
    out_ref[...] = total


def _wrap(col):
    return jnp.concatenate([col, col[: _K + _L]])


def kernel(weights, params):
    flat = jnp.concatenate([
        _wrap(weights[:, 0]), _wrap(weights[:, 1]), _wrap(weights[:, 2]),
        _wrap(1.0 / params[:, 0]), _wrap(params[:, 5]), _wrap(params[:, 4]),
        _wrap(params[:, 1]), _wrap(params[:, 6]),
        _wrap(params[:, 7] / params[:, 1]),
        _wrap(params[:, 8]), _wrap(params[:, 9]),
    ])
    rho_r, rho_c, pairs = _sc_pairs(flat)
    rho_rt = rho_r.reshape(_N, _L).T

    pt = params.T
    out = pl.pallas_call(
        _tc_tail_kernel,
        in_specs=[
            pl.BlockSpec((_L, _N), lambda: (0, 0)),
            pl.BlockSpec((_NW, 2 * _N), lambda: (0, 0)),
            pl.BlockSpec((22, _N), lambda: (0, 0)),
            pl.BlockSpec((_NW, _L), lambda: (0, 0)),
        ],
        out_specs=pl.BlockSpec((1, 1), lambda: (0, 0)),
        out_shape=jax.ShapeDtypeStruct((1, 1), jnp.float32),
    )(rho_rt, rho_c, pt, pairs)
    return out.reshape(())

# --- scband reference (transcript-rebuilt; emitter-appended) ---
"""Pipeline reference for scband-model-23974507446662 (READ-ONLY COPY).

The authoritative reference and input builder live on the scoring server;
editing this copy changes nothing except your own understanding.
"""

import jax, jax.numpy as jnp
import numpy as np

N = 2048


def setup_inputs(seed: int = 0) -> dict:
    key = jax.random.key(seed)
    k1, k2 = jax.random.split(key)
    weights = jax.random.normal(k1, (N, 3), dtype=jnp.float32)
    # params kept strictly positive and away from zero to keep the EAM basis
    # functions (divisions, pow(.,20), log) numerically well-behaved
    params = jax.random.uniform(k2, (N, 22), dtype=jnp.float32, minval=0.5, maxval=1.5)
    return {"weights": weights, "params": params}


def _f_r(r, f_e, beta, r_e, lamda):
    nume = f_e * jnp.exp(-beta * (r / r_e - 1.0))
    deno = 1.0 + (r / r_e - lamda) ** 20
    return nume / deno


def _phi_r(r, a, b, r_e, alpha, beta, kappa, lamda):
    l_nume = a * jnp.exp(-alpha * (r / r_e - 1.0))
    l_deno = 1.0 + (r / r_e - kappa) ** 20
    r_nume = b * jnp.exp(-beta * (r / r_e - 1.0))
    r_deno = 1.0 + (r / r_e - lamda) ** 20
    return l_nume / l_deno - r_nume / r_deno


def _forward(weights, params):
    n = weights.shape[0]
    # ---- pair term over unordered combinations (i < j) ----
    ii, jj = jnp.triu_indices(n, k=1)
    ci = weights[ii]
    cj = weights[jj]
    r = jnp.sqrt(jnp.sum((cj - ci) ** 2, axis=1))
    mask = r <= 5.0  # cutoff filter (torch: nonzero + gather)
    r_safe = jnp.where(mask, r, 1.0)
    # column-wise gathers of the needed parameter columns for each endpoint
    fr0 = _f_r(r_safe, params[ii, 1], params[ii, 5], params[ii, 0], params[ii, 9])
    fr1 = _f_r(r_safe, params[jj, 1], params[jj, 5], params[jj, 0], params[jj, 9])
    phir0 = _phi_r(r_safe, params[ii, 6], params[ii, 7], params[ii, 0], params[ii, 4], params[ii, 5], params[ii, 8], params[ii, 9])
    phir1 = _phi_r(r_safe, params[jj, 6], params[jj, 7], params[jj, 0], params[jj, 4], params[jj, 5], params[jj, 8], params[jj, 9])
    phi01 = fr1 / fr0 * phir0 + fr0 / fr1 * phir1
    p_e = 0.5 * jnp.sum(jnp.where(mask, phi01, 0.0))

    # ---- embedding (density) term: for each center i, all neighbors j != i ----
    base = jnp.arange(n - 1)
    idx = jnp.arange(n)
    nbr = jnp.where(base[None, :] < idx[:, None], base[None, :], base[None, :] + 1)  # [n, n-1]
    cn = weights[nbr]  # [n, n-1, 3]
    r_blo = jnp.sqrt(jnp.sum((cn - weights[:, None, :]) ** 2, axis=-1))  # [n, n-1]
    fr_blo = _f_r(r_blo, params[nbr, 1], params[nbr, 5], params[nbr, 0], params[nbr, 9])
    rho = jnp.sum(fr_blo, axis=1)  # [n]

    f_n0 = params[:, 10]; f_n1 = params[:, 11]; f_n2 = params[:, 12]; f_n3 = params[:, 13]
    f_0 = params[:, 14]; f_1 = params[:, 15]; f_2 = params[:, 16]; f_3 = params[:, 17]
    f_e = params[:, 19]; rho_n = params[:, 20]; rho_e = params[:, 2]; rho_0 = params[:, 21]
    rho_s = params[:, 3]; eta = params[:, 18]

    t_n = rho / rho_n - 1.0
    b1 = f_n0 + f_n1 * t_n + f_n2 * t_n ** 2 + f_n3 * t_n ** 3
    t_e = rho / rho_e - 1.0
    b2 = f_0 + f_1 * t_e + f_2 * t_e ** 2 + f_3 * t_e ** 3
    ratio = rho / rho_s
    pw = ratio ** eta
    b3 = f_e * (1.0 - jnp.log(pw)) * pw
    f_rho_val = jnp.where(rho < rho_n, b1, jnp.where(rho < rho_0, b2, b3))

    return p_e + jnp.sum(f_rho_val)


def reference(weights, params):
    return _forward(weights, params)

if __name__ == "__main__":
    import jax
    _d = setup_inputs()
    print(jax.jit(kernel)(*tuple(_d.values())))

</pallas_src>

<mosaic_0001>
#map = affine_map<(d0, d1) -> (0)>
#map1 = affine_map<(d0, d1) -> (0, 0)>
module attributes {stable_mosaic.version = 14 : i64} {
  func.func @_sc_body(%arg0: i32, %arg1: i32, %arg2: memref<33968xf32, #tpu.memory_space<hbm>>, %arg3: memref<32768xf32, #tpu.memory_space<hbm>>, %arg4: memref<32x4096xf32, #tpu.memory_space<hbm>>, %arg5: memref<32x16xf32, #tpu.memory_space<hbm>>, %arg6: memref<33968xf32, #tpu.memory_space<vmem>>, %arg7: memref<1024xf32, #tpu.memory_space<vmem>>, %arg8: memref<4096xf32, #tpu.memory_space<vmem>>, %arg9: memref<16xf32, #tpu.memory_space<vmem>>) attributes {dimension_semantics = [#tpu.dimension_semantics<core_parallel>, #tpu.dimension_semantics<subcore_parallel>], iteration_bounds = array<i64: 2, 16>, scalar_prefetch = 0 : i64, scratch_operands = 4 : i64, tpu.core_type = #tpu.core_type<sc_vector_subcore>, window_params = [{transform_indices = #map}, {transform_indices = #map}, {transform_indices = #map1}, {transform_indices = #map1}]} {
    %mul3A = arith.constant 2 : i32
    %mul3A_0 = arith.muli %arg1, %mul3A : i32
    %add3A = arith.addi %mul3A_0, %arg0 : i32
    %mul3A_1 = arith.constant 64 : i32
    %mul3A_2 = arith.muli %add3A, %mul3A_1 : i32
    "tpu.region"() ({
      %run_scoped3A = tpu.sem_alloc : memref<!tpu.dma_semaphore, #tpu.memory_space<semaphore_mem>>
      tpu.enqueue_dma source(%arg2 : memref<33968xf32, #tpu.memory_space<hbm>>) target(%arg6 : memref<33968xf32, #tpu.memory_space<vmem>>) target_semaphore(%run_scoped3A : memref<!tpu.dma_semaphore, #tpu.memory_space<semaphore_mem>>)
      tpu.wait_dma2 semaphore(%run_scoped3A : memref<!tpu.dma_semaphore, #tpu.memory_space<semaphore_mem>>) src(%arg2 : memref<33968xf32, #tpu.memory_space<hbm>>) dst(%arg6 : memref<33968xf32, #tpu.memory_space<vmem>>)
      tpu.yield
    }) : () -> ()
    %scan3A = arith.constant 0 : i32
    %scan3A_3 = arith.constant 0 : i32
    %scan3A_4 = arith.constant 256 : i32
    %scan3A_5 = arith.addi %scan3A_3, %scan3A_4 : i32
    %scan3A_6 = arith.constant 1 : i32
    %scan3A_7 = scf.for %scan3A_21 = %scan3A_3 to %scan3A_5 step %scan3A_6 iter_args(%scan3A_22 = %scan3A) -> (i32)  : i32 {
      %broadcast_in_dim3A_23 = arith.constant 0.000000e+00 : f32
      %broadcast_in_dim3A_24 = vector.broadcast %broadcast_in_dim3A_23 : f32 to vector<16xf32>
      %mul3A_25 = arith.constant 16 : i32
      %mul3A_26 = arith.muli %scan3A_21, %mul3A_25 : i32
      %swap3A_27 = arith.index_cast %mul3A_26 : i32 to index
      %swap3A_28 = tpu.vector_load %arg8[%swap3A_27] {strides = array<i32>} : memref<4096xf32, #tpu.memory_space<vmem>>, vector<16xf32>,
      %swap3A_29 = vector.shape_cast %swap3A_28 : vector<16xf32> to vector<16xf32>
      %swap3A_30 = vector.shape_cast %broadcast_in_dim3A_24 : vector<16xf32> to vector<16xf32>
      tpu.vector_store %arg8[%swap3A_27], %swap3A_30 {strides = array<i32>} : memref<4096xf32, #tpu.memory_space<vmem>>, vector<16xf32>,
      %scan3A_31 = arith.constant 0 : i32
      scf.yield %scan3A_31 : i32
    }
    %scan3A_8 = arith.constant 256 : i32
    %broadcast_in_dim3A = arith.constant 0.000000e+00 : f32
    %broadcast_in_dim3A_9 = vector.broadcast %broadcast_in_dim3A : f32 to vector<16xf32>
    %scan3A_10 = arith.constant 0 : i32
    %scan3A_11 = arith.constant 64 : i32
    %scan3A_12 = arith.addi %scan3A_10, %scan3A_11 : i32
    %scan3A_13 = arith.constant 1 : i32
    %scan3A_14 = scf.for %scan3A_21 = %scan3A_10 to %scan3A_12 step %scan3A_13 iter_args(%scan3A_22 = %broadcast_in_dim3A_9) -> (vector<16xf32>)  : i32 {
      %add3A_23 = arith.addi %mul3A_2, %scan3A_21 : i32
      %add3A_24 = arith.constant 0 : i32
      %add3A_25 = arith.addi %add3A_24, %add3A_23 : i32
      %get3A = arith.index_cast %add3A_25 : i32 to index
      %get3A_26 = tpu.vector_load %arg6[%get3A] {strides = array<i32>} : memref<33968xf32, #tpu.memory_space<vmem>>, vector<16xf32>,
      %get3A_27 = vector.shape_cast %get3A_26 : vector<16xf32> to vector<16xf32>
      %slice3A = vector.extract_strided_slice %get3A_27 {offsets = [0], sizes = [1], strides = [1]} : vector<16xf32> to vector<1xf32>
      %squeeze3A = vector.extract %slice3A[0] : f32 from vector<1xf32>
      %add3A_28 = arith.constant 3088 : i32
      %add3A_29 = arith.addi %add3A_28, %add3A_23 : i32
      %get3A_30 = arith.index_cast %add3A_29 : i32 to index
      %get3A_31 = tpu.vector_load %arg6[%get3A_30] {strides = array<i32>} : memref<33968xf32, #tpu.memory_space<vmem>>, vector<16xf32>,
      %get3A_32 = vector.shape_cast %get3A_31 : vector<16xf32> to vector<16xf32>
      %slice3A_33 = vector.extract_strided_slice %get3A_32 {offsets = [0], sizes = [1], strides = [1]} : vector<16xf32> to vector<1xf32>
      %squeeze3A_34 = vector.extract %slice3A_33[0] : f32 from vector<1xf32>
      %add3A_35 = arith.constant 6176 : i32
      %add3A_36 = arith.addi %add3A_35, %add3A_23 : i32
      %get3A_37 = arith.index_cast %add3A_36 : i32 to index
      %get3A_38 = tpu.vector_load %arg6[%get3A_37] {strides = array<i32>} : memref<33968xf32, #tpu.memory_space<vmem>>, vector<16xf32>,
      %get3A_39 = vector.shape_cast %get3A_38 : vector<16xf32> to vector<16xf32>
      %slice3A_40 = vector.extract_strided_slice %get3A_39 {offsets = [0], sizes = [1], strides = [1]} : vector<16xf32> to vector<1xf32>
      %squeeze3A_41 = vector.extract %slice3A_40[0] : f32 from vector<1xf32>
      %add3A_42 = arith.constant 9264 : i32
      %add3A_43 = arith.addi %add3A_42, %add3A_23 : i32
      %get3A_44 = arith.index_cast %add3A_43 : i32 to index
      %get3A_45 = tpu.vector_load %arg6[%get3A_44] {strides = array<i32>} : memref<33968xf32, #tpu.memory_space<vmem>>, vector<16xf32>,
      %get3A_46 = vector.shape_cast %get3A_45 : vector<16xf32> to vector<16xf32>
      %slice3A_47 = vector.extract_strided_slice %get3A_46 {offsets = [0], sizes = [1], strides = [1]} : vector<16xf32> to vector<1xf32>
      %squeeze3A_48 = vector.extract %slice3A_47[0] : f32 from vector<1xf32>
      %add3A_49 = arith.constant 12352 : i32
      %add3A_50 = arith.addi %add3A_49, %add3A_23 : i32
      %get3A_51 = arith.index_cast %add3A_50 : i32 to index
      %get3A_52 = tpu.vector_load %arg6[%get3A_51] {strides = array<i32>} : memref<33968xf32, #tpu.memory_space<vmem>>, vector<16xf32>,
      %get3A_53 = vector.shape_cast %get3A_52 : vector<16xf32> to vector<16xf32>
      %slice3A_54 = vector.extract_strided_slice %get3A_53 {offsets = [0], sizes = [1], strides = [1]} : vector<16xf32> to vector<1xf32>
      %squeeze3A_55 = vector.extract %slice3A_54[0] : f32 from vector<1xf32>
      %add3A_56 = arith.constant 15440 : i32
      %add3A_57 = arith.addi %add3A_56, %add3A_23 : i32
      %get3A_58 = arith.index_cast %add3A_57 : i32 to index
      %get3A_59 = tpu.vector_load %arg6[%get3A_58] {strides = array<i32>} : memref<33968xf32, #tpu.memory_space<vmem>>, vector<16xf32>,
      %get3A_60 = vector.shape_cast %get3A_59 : vector<16xf32> to vector<16xf32>
      %slice3A_61 = vector.extract_strided_slice %get3A_60 {offsets = [0], sizes = [1], strides = [1]} : vector<16xf32> to vector<1xf32>
      %squeeze3A_62 = vector.extract %slice3A_61[0] : f32 from vector<1xf32>
      %add3A_63 = arith.constant 18528 : i32
      %add3A_64 = arith.addi %add3A_63, %add3A_23 : i32
      %get3A_65 = arith.index_cast %add3A_64 : i32 to index
      %get3A_66 = tpu.vector_load %arg6[%get3A_65] {strides = array<i32>} : memref<33968xf32, #tpu.memory_space<vmem>>, vector<16xf32>,
      %get3A_67 = vector.shape_cast %get3A_66 : vector<16xf32> to vector<16xf32>
      %slice3A_68 = vector.extract_strided_slice %get3A_67 {offsets = [0], sizes = [1], strides = [1]} : vector<16xf32> to vector<1xf32>
      %squeeze3A_69 = vector.extract %slice3A_68[0] : f32 from vector<1xf32>
      %add3A_70 = arith.constant 21616 : i32
      %add3A_71 = arith.addi %add3A_70, %add3A_23 : i32
      %get3A_72 = arith.index_cast %add3A_71 : i32 to index
      %get3A_73 = tpu.vector_load %arg6[%get3A_72] {strides = array<i32>} : memref<33968xf32, #tpu.memory_space<vmem>>, vector<16xf32>,
      %get3A_74 = vector.shape_cast %get3A_73 : vector<16xf32> to vector<16xf32>
      %slice3A_75 = vector.extract_strided_slice %get3A_74 {offsets = [0], sizes = [1], strides = [1]} : vector<16xf32> to vector<1xf32>
      %squeeze3A_76 = vector.extract %slice3A_75[0] : f32 from vector<1xf32>
      %add3A_77 = arith.constant 24704 : i32
      %add3A_78 = arith.addi %add3A_77, %add3A_23 : i32
      %get3A_79 = arith.index_cast %add3A_78 : i32 to index
      %get3A_80 = tpu.vector_load %arg6[%get3A_79] {strides = array<i32>} : memref<33968xf32, #tpu.memory_space<vmem>>, vector<16xf32>,
      %get3A_81 = vector.shape_cast %get3A_80 : vector<16xf32> to vector<16xf32>
      %slice3A_82 = vector.extract_strided_slice %get3A_81 {offsets = [0], sizes = [1], strides = [1]} : vector<16xf32> to vector<1xf32>
      %squeeze3A_83 = vector.extract %slice3A_82[0] : f32 from vector<1xf32>
      %add3A_84 = arith.constant 27792 : i32
      %add3A_85 = arith.addi %add3A_84, %add3A_23 : i32
      %get3A_86 = arith.index_cast %add3A_85 : i32 to index
      %get3A_87 = tpu.vector_load %arg6[%get3A_86] {strides = array<i32>} : memref<33968xf32, #tpu.memory_space<vmem>>, vector<16xf32>,
      %get3A_88 = vector.shape_cast %get3A_87 : vector<16xf32> to vector<16xf32>
      %slice3A_89 = vector.extract_strided_slice %get3A_88 {offsets = [0], sizes = [1], strides = [1]} : vector<16xf32> to vector<1xf32>
      %squeeze3A_90 = vector.extract %slice3A_89[0] : f32 from vector<1xf32>
      %add3A_91 = arith.constant 30880 : i32
      %add3A_92 = arith.addi %add3A_91, %add3A_23 : i32
      %get3A_93 = arith.index_cast %add3A_92 : i32 to index
      %get3A_94 = tpu.vector_load %arg6[%get3A_93] {strides = array<i32>} : memref<33968xf32, #tpu.memory_space<vmem>>, vector<16xf32>,
      %get3A_95 = vector.shape_cast %get3A_94 : vector<16xf32> to vector<16xf32>
      %slice3A_96 = vector.extract_strided_slice %get3A_95 {offsets = [0], sizes = [1], strides = [1]} : vector<16xf32> to vector<1xf32>
      %squeeze3A_97 = vector.extract %slice3A_96[0] : f32 from vector<1xf32>
      %broadcast_in_dim3A_98 = arith.constant 0.000000e+00 : f32
      %broadcast_in_dim3A_99 = vector.broadcast %broadcast_in_dim3A_98 : f32 to vector<16xf32>
      %scan3A_100 = arith.constant 0 : i32
      %scan3A_101 = arith.constant 10 : i32
      %scan3A_102 = arith.addi %scan3A_100, %scan3A_101 : i32
      %scan3A_103 = arith.constant 1 : i32
      %scan3A_104:2 = scf.for %scan3A_927 = %scan3A_100 to %scan3A_102 step %scan3A_103 iter_args(%scan3A_928 = %broadcast_in_dim3A_99, %scan3A_929 = %broadcast_in_dim3A_99) -> (vector<16xf32>, vector<16xf32>)  : i32 {
        %add3A_930 = arith.constant 1 : i32
        %add3A_931 = arith.addi %add3A_23, %add3A_930 : i32
        %mul3A_932 = arith.constant 96 : i32
        %mul3A_933 = arith.muli %scan3A_927, %mul3A_932 : i32
        %add3A_934 = arith.addi %add3A_931, %mul3A_933 : i32
        %add3A_935 = arith.constant 0 : i32
        %add3A_936 = arith.addi %add3A_934, %add3A_935 : i32
        %add3A_937 = arith.constant 0 : i32
        %add3A_938 = arith.addi %add3A_937, %add3A_936 : i32
        %get3A_939 = arith.index_cast %add3A_938 : i32 to index
        %get3A_940 = tpu.vector_load %arg6[%get3A_939] {strides = array<i32>} : memref<33968xf32, #tpu.memory_space<vmem>>, vector<16xf32>,
        %get3A_941 = vector.shape_cast %get3A_940 : vector<16xf32> to vector<16xf32>
        %add3A_942 = arith.constant 3088 : i32
        %add3A_943 = arith.addi %add3A_942, %add3A_936 : i32
        %get3A_944 = arith.index_cast %add3A_943 : i32 to index
        %get3A_945 = tpu.vector_load %arg6[%get3A_944] {strides = array<i32>} : memref<33968xf32, #tpu.memory_space<vmem>>, vector<16xf32>,
        %get3A_946 = vector.shape_cast %get3A_945 : vector<16xf32> to vector<16xf32>
        %add3A_947 = arith.constant 6176 : i32
        %add3A_948 = arith.addi %add3A_947, %add3A_936 : i32
        %get3A_949 = arith.index_cast %add3A_948 : i32 to index
        %get3A_950 = tpu.vector_load %arg6[%get3A_949] {strides = array<i32>} : memref<33968xf32, #tpu.memory_space<vmem>>, vector<16xf32>,
        %get3A_951 = vector.shape_cast %get3A_950 : vector<16xf32> to vector<16xf32>
        %add3A_952 = arith.constant 9264 : i32
        %add3A_953 = arith.addi %add3A_952, %add3A_936 : i32
        %get3A_954 = arith.index_cast %add3A_953 : i32 to index
        %get3A_955 = tpu.vector_load %arg6[%get3A_954] {strides = array<i32>} : memref<33968xf32, #tpu.memory_space<vmem>>, vector<16xf32>,
        %get3A_956 = vector.shape_cast %get3A_955 : vector<16xf32> to vector<16xf32>
        %add3A_957 = arith.constant 12352 : i32
        %add3A_958 = arith.addi %add3A_957, %add3A_936 : i32
        %get3A_959 = arith.index_cast %add3A_958 : i32 to index
        %get3A_960 = tpu.vector_load %arg6[%get3A_959] {strides = array<i32>} : memref<33968xf32, #tpu.memory_space<vmem>>, vector<16xf32>,
        %get3A_961 = vector.shape_cast %get3A_960 : vector<16xf32> to vector<16xf32>
        %add3A_962 = arith.constant 15440 : i32
        %add3A_963 = arith.addi %add3A_962, %add3A_936 : i32
        %get3A_964 = arith.index_cast %add3A_963 : i32 to index
        %get3A_965 = tpu.vector_load %arg6[%get3A_964] {strides = array<i32>} : memref<33968xf32, #tpu.memory_space<vmem>>, vector<16xf32>,
        %get3A_966 = vector.shape_cast %get3A_965 : vector<16xf32> to vector<16xf32>
        %add3A_967 = arith.constant 18528 : i32
        %add3A_968 = arith.addi %add3A_967, %add3A_936 : i32
        %get3A_969 = arith.index_cast %add3A_968 : i32 to index
        %get3A_970 = tpu.vector_load %arg6[%get3A_969] {strides = array<i32>} : memref<33968xf32, #tpu.memory_space<vmem>>, vector<16xf32>,
        %get3A_971 = vector.shape_cast %get3A_970 : vector<16xf32> to vector<16xf32>
        %add3A_972 = arith.constant 21616 : i32
        %add3A_973 = arith.addi %add3A_972, %add3A_936 : i32
        %get3A_974 = arith.index_cast %add3A_973 : i32 to index
        %get3A_975 = tpu.vector_load %arg6[%get3A_974] {strides = array<i32>} : memref<33968xf32, #tpu.memory_space<vmem>>, vector<16xf32>,
        %get3A_976 = vector.shape_cast %get3A_975 : vector<16xf32> to vector<16xf32>
        %add3A_977 = arith.constant 24704 : i32
        %add3A_978 = arith.addi %add3A_977, %add3A_936 : i32
        %get3A_979 = arith.index_cast %add3A_978 : i32 to index
        %get3A_980 = tpu.vector_load %arg6[%get3A_979] {strides = array<i32>} : memref<33968xf32, #tpu.memory_space<vmem>>, vector<16xf32>,
        %get3A_981 = vector.shape_cast %get3A_980 : vector<16xf32> to vector<16xf32>
        %add3A_982 = arith.constant 27792 : i32
        %add3A_983 = arith.addi %add3A_982, %add3A_936 : i32
        %get3A_984 = arith.index_cast %add3A_983 : i32 to index
        %get3A_985 = tpu.vector_load %arg6[%get3A_984] {strides = array<i32>} : memref<33968xf32, #tpu.memory_space<vmem>>, vector<16xf32>,
        %get3A_986 = vector.shape_cast %get3A_985 : vector<16xf32> to vector<16xf32>
        %add3A_987 = arith.constant 30880 : i32
        %add3A_988 = arith.addi %add3A_987, %add3A_936 : i32
        %get3A_989 = arith.index_cast %add3A_988 : i32 to index
        %get3A_990 = tpu.vector_load %arg6[%get3A_989] {strides = array<i32>} : memref<33968xf32, #tpu.memory_space<vmem>>, vector<16xf32>,
        %get3A_991 = vector.shape_cast %get3A_990 : vector<16xf32> to vector<16xf32>
        %add3A_992 = arith.constant 16 : i32
        %add3A_993 = arith.addi %add3A_934, %add3A_992 : i32
        %add3A_994 = arith.constant 0 : i32
        %add3A_995 = arith.addi %add3A_994, %add3A_993 : i32
        %get3A_996 = arith.index_cast %add3A_995 : i32 to index
        %get3A_997 = tpu.vector_load %arg6[%get3A_996] {strides = array<i32>} : memref<33968xf32, #tpu.memory_space<vmem>>, vector<16xf32>,
        %get3A_998 = vector.shape_cast %get3A_997 : vector<16xf32> to vector<16xf32>
        %add3A_999 = arith.constant 3088 : i32
        %add3A_1000 = arith.addi %add3A_999, %add3A_993 : i32
        %get3A_1001 = arith.index_cast %add3A_1000 : i32 to index
        %get3A_1002 = tpu.vector_load %arg6[%get3A_1001] {strides = array<i32>} : memref<33968xf32, #tpu.memory_space<vmem>>, vector<16xf32>,
        %get3A_1003 = vector.shape_cast %get3A_1002 : vector<16xf32> to vector<16xf32>
        %add3A_1004 = arith.constant 6176 : i32
        %add3A_1005 = arith.addi %add3A_1004, %add3A_993 : i32
        %get3A_1006 = arith.index_cast %add3A_1005 : i32 to index
        %get3A_1007 = tpu.vector_load %arg6[%get3A_1006] {strides = array<i32>} : memref<33968xf32, #tpu.memory_space<vmem>>, vector<16xf32>,
        %get3A_1008 = vector.shape_cast %get3A_1007 : vector<16xf32> to vector<16xf32>
        %add3A_1009 = arith.constant 9264 : i32
        %add3A_1010 = arith.addi %add3A_1009, %add3A_993 : i32
        %get3A_1011 = arith.index_cast %add3A_1010 : i32 to index
        %get3A_1012 = tpu.vector_load %arg6[%get3A_1011] {strides = array<i32>} : memref<33968xf32, #tpu.memory_space<vmem>>, vector<16xf32>,
        %get3A_1013 = vector.shape_cast %get3A_1012 : vector<16xf32> to vector<16xf32>
        %add3A_1014 = arith.constant 12352 : i32
        %add3A_1015 = arith.addi %add3A_1014, %add3A_993 : i32
        %get3A_1016 = arith.index_cast %add3A_1015 : i32 to index
        %get3A_1017 = tpu.vector_load %arg6[%get3A_1016] {strides = array<i32>} : memref<33968xf32, #tpu.memory_space<vmem>>, vector<16xf32>,
        %get3A_1018 = vector.shape_cast %get3A_1017 : vector<16xf32> to vector<16xf32>
        %add3A_1019 = arith.constant 15440 : i32
        %add3A_1020 = arith.addi %add3A_1019, %add3A_993 : i32
        %get3A_1021 = arith.index_cast %add3A_1020 : i32 to index
        %get3A_1022 = tpu.vector_load %arg6[%get3A_1021] {strides = array<i32>} : memref<33968xf32, #tpu.memory_space<vmem>>, vector<16xf32>,
        %get3A_1023 = vector.shape_cast %get3A_1022 : vector<16xf32> to vector<16xf32>
        %add3A_1024 = arith.constant 18528 : i32
        %add3A_1025 = arith.addi %add3A_1024, %add3A_993 : i32
        %get3A_1026 = arith.index_cast %add3A_1025 : i32 to index
        %get3A_1027 = tpu.vector_load %arg6[%get3A_1026] {strides = array<i32>} : memref<33968xf32, #tpu.memory_space<vmem>>, vector<16xf32>,
        %get3A_1028 = vector.shape_cast %get3A_1027 : vector<16xf32> to vector<16xf32>
        %add3A_1029 = arith.constant 21616 : i32
        %add3A_1030 = arith.addi %add3A_1029, %add3A_993 : i32
        %get3A_1031 = arith.index_cast %add3A_1030 : i32 to index
        %get3A_1032 = tpu.vector_load %arg6[%get3A_1031] {strides = array<i32>} : memref<33968xf32, #tpu.memory_space<vmem>>, vector<16xf32>,
        %get3A_1033 = vector.shape_cast %get3A_1032 : vector<16xf32> to vector<16xf32>
        %add3A_1034 = arith.constant 24704 : i32
        %add3A_1035 = arith.addi %add3A_1034, %add3A_993 : i32
        %get3A_1036 = arith.index_cast %add3A_1035 : i32 to index
        %get3A_1037 = tpu.vector_load %arg6[%get3A_1036] {strides = array<i32>} : memref<33968xf32, #tpu.memory_space<vmem>>, vector<16xf32>,
        %get3A_1038 = vector.shape_cast %get3A_1037 : vector<16xf32> to vector<16xf32>
        %add3A_1039 = arith.constant 27792 : i32
        %add3A_1040 = arith.addi %add3A_1039, %add3A_993 : i32
        %get3A_1041 = arith.index_cast %add3A_1040 : i32 to index
        %get3A_1042 = tpu.vector_load %arg6[%get3A_1041] {strides = array<i32>} : memref<33968xf32, #tpu.memory_space<vmem>>, vector<16xf32>,
        %get3A_1043 = vector.shape_cast %get3A_1042 : vector<16xf32> to vector<16xf32>
        %add3A_1044 = arith.constant 30880 : i32
        %add3A_1045 = arith.addi %add3A_1044, %add3A_993 : i32
        %get3A_1046 = arith.index_cast %add3A_1045 : i32 to index
        %get3A_1047 = tpu.vector_load %arg6[%get3A_1046] {strides = array<i32>} : memref<33968xf32, #tpu.memory_space<vmem>>, vector<16xf32>,
        %get3A_1048 = vector.shape_cast %get3A_1047 : vector<16xf32> to vector<16xf32>
        %add3A_1049 = arith.constant 32 : i32
        %add3A_1050 = arith.addi %add3A_934, %add3A_1049 : i32
        %add3A_1051 = arith.constant 0 : i32
        %add3A_1052 = arith.addi %add3A_1051, %add3A_1050 : i32
        %get3A_1053 = arith.index_cast %add3A_1052 : i32 to index
        %get3A_1054 = tpu.vector_load %arg6[%get3A_1053] {strides = array<i32>} : memref<33968xf32, #tpu.memory_space<vmem>>, vector<16xf32>,
        %get3A_1055 = vector.shape_cast %get3A_1054 : vector<16xf32> to vector<16xf32>
        %add3A_1056 = arith.constant 3088 : i32
        %add3A_1057 = arith.addi %add3A_1056, %add3A_1050 : i32
        %get3A_1058 = arith.index_cast %add3A_1057 : i32 to index
        %get3A_1059 = tpu.vector_load %arg6[%get3A_1058] {strides = array<i32>} : memref<33968xf32, #tpu.memory_space<vmem>>, vector<16xf32>,
        %get3A_1060 = vector.shape_cast %get3A_1059 : vector<16xf32> to vector<16xf32>
        %add3A_1061 = arith.constant 6176 : i32
        %add3A_1062 = arith.addi %add3A_1061, %add3A_1050 : i32
        %get3A_1063 = arith.index_cast %add3A_1062 : i32 to index
        %get3A_1064 = tpu.vector_load %arg6[%get3A_1063] {strides = array<i32>} : memref<33968xf32, #tpu.memory_space<vmem>>, vector<16xf32>,
        %get3A_1065 = vector.shape_cast %get3A_1064 : vector<16xf32> to vector<16xf32>
        %add3A_1066 = arith.constant 9264 : i32
        %add3A_1067 = arith.addi %add3A_1066, %add3A_1050 : i32
        %get3A_1068 = arith.index_cast %add3A_1067 : i32 to index
        %get3A_1069 = tpu.vector_load %arg6[%get3A_1068] {strides = array<i32>} : memref<33968xf32, #tpu.memory_space<vmem>>, vector<16xf32>,
        %get3A_1070 = vector.shape_cast %get3A_1069 : vector<16xf32> to vector<16xf32>
        %add3A_1071 = arith.constant 12352 : i32
        %add3A_1072 = arith.addi %add3A_1071, %add3A_1050 : i32
        %get3A_1073 = arith.index_cast %add3A_1072 : i32 to index
        %get3A_1074 = tpu.vector_load %arg6[%get3A_1073] {strides = array<i32>} : memref<33968xf32, #tpu.memory_space<vmem>>, vector<16xf32>,
        %get3A_1075 = vector.shape_cast %get3A_1074 : vector<16xf32> to vector<16xf32>
        %add3A_1076 = arith.constant 15440 : i32
        %add3A_1077 = arith.addi %add3A_1076, %add3A_1050 : i32
        %get3A_1078 = arith.index_cast %add3A_1077 : i32 to index
        %get3A_1079 = tpu.vector_load %arg6[%get3A_1078] {strides = array<i32>} : memref<33968xf32, #tpu.memory_space<vmem>>, vector<16xf32>,
        %get3A_1080 = vector.shape_cast %get3A_1079 : vector<16xf32> to vector<16xf32>
        %add3A_1081 = arith.constant 18528 : i32
        %add3A_1082 = arith.addi %add3A_1081, %add3A_1050 : i32
        %get3A_1083 = arith.index_cast %add3A_1082 : i32 to index
        %get3A_1084 = tpu.vector_load %arg6[%get3A_1083] {strides = array<i32>} : memref<33968xf32, #tpu.memory_space<vmem>>, vector<16xf32>,
        %get3A_1085 = vector.shape_cast %get3A_1084 : vector<16xf32> to vector<16xf32>
        %add3A_1086 = arith.constant 21616 : i32
        %add3A_1087 = arith.addi %add3A_1086, %add3A_1050 : i32
        %get3A_1088 = arith.index_cast %add3A_1087 : i32 to index
        %get3A_1089 = tpu.vector_load %arg6[%get3A_1088] {strides = array<i32>} : memref<33968xf32, #tpu.memory_space<vmem>>, vector<16xf32>,
        %get3A_1090 = vector.shape_cast %get3A_1089 : vector<16xf32> to vector<16xf32>
        %add3A_1091 = arith.constant 24704 : i32
        %add3A_1092 = arith.addi %add3A_1091, %add3A_1050 : i32
        %get3A_1093 = arith.index_cast %add3A_1092 : i32 to index
        %get3A_1094 = tpu.vector_load %arg6[%get3A_1093] {strides = array<i32>} : memref<33968xf32, #tpu.memory_space<vmem>>, vector<16xf32>,
        %get3A_1095 = vector.shape_cast %get3A_1094 : vector<16xf32> to vector<16xf32>
        %add3A_1096 = arith.constant 27792 : i32
        %add3A_1097 = arith.addi %add3A_1096, %add3A_1050 : i32
        %get3A_1098 = arith.index_cast %add3A_1097 : i32 to index
        %get3A_1099 = tpu.vector_load %arg6[%get3A_1098] {strides = array<i32>} : memref<33968xf32, #tpu.memory_space<vmem>>, vector<16xf32>,
        %get3A_1100 = vector.shape_cast %get3A_1099 : vector<16xf32> to vector<16xf32>
        %add3A_1101 = arith.constant 30880 : i32
        %add3A_1102 = arith.addi %add3A_1101, %add3A_1050 : i32
        %get3A_1103 = arith.index_cast %add3A_1102 : i32 to index
        %get3A_1104 = tpu.vector_load %arg6[%get3A_1103] {strides = array<i32>} : memref<33968xf32, #tpu.memory_space<vmem>>, vector<16xf32>,
        %get3A_1105 = vector.shape_cast %get3A_1104 : vector<16xf32> to vector<16xf32>
        %add3A_1106 = arith.constant 48 : i32
        %add3A_1107 = arith.addi %add3A_934, %add3A_1106 : i32
        %add3A_1108 = arith.constant 0 : i32
        %add3A_1109 = arith.addi %add3A_1108, %add3A_1107 : i32
        %get3A_1110 = arith.index_cast %add3A_1109 : i32 to index
        %get3A_1111 = tpu.vector_load %arg6[%get3A_1110] {strides = array<i32>} : memref<33968xf32, #tpu.memory_space<vmem>>, vector<16xf32>,
        %get3A_1112 = vector.shape_cast %get3A_1111 : vector<16xf32> to vector<16xf32>
        %add3A_1113 = arith.constant 3088 : i32
        %add3A_1114 = arith.addi %add3A_1113, %add3A_1107 : i32
        %get3A_1115 = arith.index_cast %add3A_1114 : i32 to index
        %get3A_1116 = tpu.vector_load %arg6[%get3A_1115] {strides = array<i32>} : memref<33968xf32, #tpu.memory_space<vmem>>, vector<16xf32>,
        %get3A_1117 = vector.shape_cast %get3A_1116 : vector<16xf32> to vector<16xf32>
        %add3A_1118 = arith.constant 6176 : i32
        %add3A_1119 = arith.addi %add3A_1118, %add3A_1107 : i32
        %get3A_1120 = arith.index_cast %add3A_1119 : i32 to index
        %get3A_1121 = tpu.vector_load %arg6[%get3A_1120] {strides = array<i32>} : memref<33968xf32, #tpu.memory_space<vmem>>, vector<16xf32>,
        %get3A_1122 = vector.shape_cast %get3A_1121 : vector<16xf32> to vector<16xf32>
        %add3A_1123 = arith.constant 9264 : i32
        %add3A_1124 = arith.addi %add3A_1123, %add3A_1107 : i32
        %get3A_1125 = arith.index_cast %add3A_1124 : i32 to index
        %get3A_1126 = tpu.vector_load %arg6[%get3A_1125] {strides = array<i32>} : memref<33968xf32, #tpu.memory_space<vmem>>, vector<16xf32>,
        %get3A_1127 = vector.shape_cast %get3A_1126 : vector<16xf32> to vector<16xf32>
        %add3A_1128 = arith.constant 12352 : i32
        %add3A_1129 = arith.addi %add3A_1128, %add3A_1107 : i32
        %get3A_1130 = arith.index_cast %add3A_1129 : i32 to index
        %get3A_1131 = tpu.vector_load %arg6[%get3A_1130] {strides = array<i32>} : memref<33968xf32, #tpu.memory_space<vmem>>, vector<16xf32>,
        %get3A_1132 = vector.shape_cast %get3A_1131 : vector<16xf32> to vector<16xf32>
        %add3A_1133 = arith.constant 15440 : i32
        %add3A_1134 = arith.addi %add3A_1133, %add3A_1107 : i32
        %get3A_1135 = arith.index_cast %add3A_1134 : i32 to index
        %get3A_1136 = tpu.vector_load %arg6[%get3A_1135] {strides = array<i32>} : memref<33968xf32, #tpu.memory_space<vmem>>, vector<16xf32>,
        %get3A_1137 = vector.shape_cast %get3A_1136 : vector<16xf32> to vector<16xf32>
        %add3A_1138 = arith.constant 18528 : i32
        %add3A_1139 = arith.addi %add3A_1138, %add3A_1107 : i32
        %get3A_1140 = arith.index_cast %add3A_1139 : i32 to index
        %get3A_1141 = tpu.vector_load %arg6[%get3A_1140] {strides = array<i32>} : memref<33968xf32, #tpu.memory_space<vmem>>, vector<16xf32>,
        %get3A_1142 = vector.shape_cast %get3A_1141 : vector<16xf32> to vector<16xf32>
        %add3A_1143 = arith.constant 21616 : i32
        %add3A_1144 = arith.addi %add3A_1143, %add3A_1107 : i32
        %get3A_1145 = arith.index_cast %add3A_1144 : i32 to index
        %get3A_1146 = tpu.vector_load %arg6[%get3A_1145] {strides = array<i32>} : memref<33968xf32, #tpu.memory_space<vmem>>, vector<16xf32>,
        %get3A_1147 = vector.shape_cast %get3A_1146 : vector<16xf32> to vector<16xf32>
        %add3A_1148 = arith.constant 24704 : i32
        %add3A_1149 = arith.addi %add3A_1148, %add3A_1107 : i32
        %get3A_1150 = arith.index_cast %add3A_1149 : i32 to index
        %get3A_1151 = tpu.vector_load %arg6[%get3A_1150] {strides = array<i32>} : memref<33968xf32, #tpu.memory_space<vmem>>, vector<16xf32>,
        %get3A_1152 = vector.shape_cast %get3A_1151 : vector<16xf32> to vector<16xf32>
        %add3A_1153 = arith.constant 27792 : i32
        %add3A_1154 = arith.addi %add3A_1153, %add3A_1107 : i32
        %get3A_1155 = arith.index_cast %add3A_1154 : i32 to index
        %get3A_1156 = tpu.vector_load %arg6[%get3A_1155] {strides = array<i32>} : memref<33968xf32, #tpu.memory_space<vmem>>, vector<16xf32>,
        %get3A_1157 = vector.shape_cast %get3A_1156 : vector<16xf32> to vector<16xf32>
        %add3A_1158 = arith.constant 30880 : i32
        %add3A_1159 = arith.addi %add3A_1158, %add3A_1107 : i32
        %get3A_1160 = arith.index_cast %add3A_1159 : i32 to index
        %get3A_1161 = tpu.vector_load %arg6[%get3A_1160] {strides = array<i32>} : memref<33968xf32, #tpu.memory_space<vmem>>, vector<16xf32>,
        %get3A_1162 = vector.shape_cast %get3A_1161 : vector<16xf32> to vector<16xf32>
        %add3A_1163 = arith.constant 64 : i32
        %add3A_1164 = arith.addi %add3A_934, %add3A_1163 : i32
        %add3A_1165 = arith.constant 0 : i32
        %add3A_1166 = arith.addi %add3A_1165, %add3A_1164 : i32
        %get3A_1167 = arith.index_cast %add3A_1166 : i32 to index
        %get3A_1168 = tpu.vector_load %arg6[%get3A_1167] {strides = array<i32>} : memref<33968xf32, #tpu.memory_space<vmem>>, vector<16xf32>,
        %get3A_1169 = vector.shape_cast %get3A_1168 : vector<16xf32> to vector<16xf32>
        %add3A_1170 = arith.constant 3088 : i32
        %add3A_1171 = arith.addi %add3A_1170, %add3A_1164 : i32
        %get3A_1172 = arith.index_cast %add3A_1171 : i32 to index
        %get3A_1173 = tpu.vector_load %arg6[%get3A_1172] {strides = array<i32>} : memref<33968xf32, #tpu.memory_space<vmem>>, vector<16xf32>,
        %get3A_1174 = vector.shape_cast %get3A_1173 : vector<16xf32> to vector<16xf32>
        %add3A_1175 = arith.constant 6176 : i32
        %add3A_1176 = arith.addi %add3A_1175, %add3A_1164 : i32
        %get3A_1177 = arith.index_cast %add3A_1176 : i32 to index
        %get3A_1178 = tpu.vector_load %arg6[%get3A_1177] {strides = array<i32>} : memref<33968xf32, #tpu.memory_space<vmem>>, vector<16xf32>,
        %get3A_1179 = vector.shape_cast %get3A_1178 : vector<16xf32> to vector<16xf32>
        %add3A_1180 = arith.constant 9264 : i32
        %add3A_1181 = arith.addi %add3A_1180, %add3A_1164 : i32
        %get3A_1182 = arith.index_cast %add3A_1181 : i32 to index
        %get3A_1183 = tpu.vector_load %arg6[%get3A_1182] {strides = array<i32>} : memref<33968xf32, #tpu.memory_space<vmem>>, vector<16xf32>,
        %get3A_1184 = vector.shape_cast %get3A_1183 : vector<16xf32> to vector<16xf32>
        %add3A_1185 = arith.constant 12352 : i32
        %add3A_1186 = arith.addi %add3A_1185, %add3A_1164 : i32
        %get3A_1187 = arith.index_cast %add3A_1186 : i32 to index
        %get3A_1188 = tpu.vector_load %arg6[%get3A_1187] {strides = array<i32>} : memref<33968xf32, #tpu.memory_space<vmem>>, vector<16xf32>,
        %get3A_1189 = vector.shape_cast %get3A_1188 : vector<16xf32> to vector<16xf32>
        %add3A_1190 = arith.constant 15440 : i32
        %add3A_1191 = arith.addi %add3A_1190, %add3A_1164 : i32
        %get3A_1192 = arith.index_cast %add3A_1191 : i32 to index
        %get3A_1193 = tpu.vector_load %arg6[%get3A_1192] {strides = array<i32>} : memref<33968xf32, #tpu.memory_space<vmem>>, vector<16xf32>,
        %get3A_1194 = vector.shape_cast %get3A_1193 : vector<16xf32> to vector<16xf32>
        %add3A_1195 = arith.constant 18528 : i32
        %add3A_1196 = arith.addi %add3A_1195, %add3A_1164 : i32
        %get3A_1197 = arith.index_cast %add3A_1196 : i32 to index
        %get3A_1198 = tpu.vector_load %arg6[%get3A_1197] {strides = array<i32>} : memref<33968xf32, #tpu.memory_space<vmem>>, vector<16xf32>,
        %get3A_1199 = vector.shape_cast %get3A_1198 : vector<16xf32> to vector<16xf32>
        %add3A_1200 = arith.constant 21616 : i32
        %add3A_1201 = arith.addi %add3A_1200, %add3A_1164 : i32
        %get3A_1202 = arith.index_cast %add3A_1201 : i32 to index
        %get3A_1203 = tpu.vector_load %arg6[%get3A_1202] {strides = array<i32>} : memref<33968xf32, #tpu.memory_space<vmem>>, vector<16xf32>,
        %get3A_1204 = vector.shape_cast %get3A_1203 : vector<16xf32> to vector<16xf32>
        %add3A_1205 = arith.constant 24704 : i32
        %add3A_1206 = arith.addi %add3A_1205, %add3A_1164 : i32
        %get3A_1207 = arith.index_cast %add3A_1206 : i32 to index
        %get3A_1208 = tpu.vector_load %arg6[%get3A_1207] {strides = array<i32>} : memref<33968xf32, #tpu.memory_space<vmem>>, vector<16xf32>,
        %get3A_1209 = vector.shape_cast %get3A_1208 : vector<16xf32> to vector<16xf32>
        %add3A_1210 = arith.constant 27792 : i32
        %add3A_1211 = arith.addi %add3A_1210, %add3A_1164 : i32
        %get3A_1212 = arith.index_cast %add3A_1211 : i32 to index
        %get3A_1213 = tpu.vector_load %arg6[%get3A_1212] {strides = array<i32>} : memref<33968xf32, #tpu.memory_space<vmem>>, vector<16xf32>,
        %get3A_1214 = vector.shape_cast %get3A_1213 : vector<16xf32> to vector<16xf32>
        %add3A_1215 = arith.constant 30880 : i32
        %add3A_1216 = arith.addi %add3A_1215, %add3A_1164 : i32
        %get3A_1217 = arith.index_cast %add3A_1216 : i32 to index
        %get3A_1218 = tpu.vector_load %arg6[%get3A_1217] {strides = array<i32>} : memref<33968xf32, #tpu.memory_space<vmem>>, vector<16xf32>,
        %get3A_1219 = vector.shape_cast %get3A_1218 : vector<16xf32> to vector<16xf32>
        %add3A_1220 = arith.constant 80 : i32
        %add3A_1221 = arith.addi %add3A_934, %add3A_1220 : i32
        %add3A_1222 = arith.constant 0 : i32
        %add3A_1223 = arith.addi %add3A_1222, %add3A_1221 : i32
        %get3A_1224 = arith.index_cast %add3A_1223 : i32 to index
        %get3A_1225 = tpu.vector_load %arg6[%get3A_1224] {strides = array<i32>} : memref<33968xf32, #tpu.memory_space<vmem>>, vector<16xf32>,
        %get3A_1226 = vector.shape_cast %get3A_1225 : vector<16xf32> to vector<16xf32>
        %add3A_1227 = arith.constant 3088 : i32
        %add3A_1228 = arith.addi %add3A_1227, %add3A_1221 : i32
        %get3A_1229 = arith.index_cast %add3A_1228 : i32 to index
        %get3A_1230 = tpu.vector_load %arg6[%get3A_1229] {strides = array<i32>} : memref<33968xf32, #tpu.memory_space<vmem>>, vector<16xf32>,
        %get3A_1231 = vector.shape_cast %get3A_1230 : vector<16xf32> to vector<16xf32>
        %add3A_1232 = arith.constant 6176 : i32
        %add3A_1233 = arith.addi %add3A_1232, %add3A_1221 : i32
        %get3A_1234 = arith.index_cast %add3A_1233 : i32 to index
        %get3A_1235 = tpu.vector_load %arg6[%get3A_1234] {strides = array<i32>} : memref<33968xf32, #tpu.memory_space<vmem>>, vector<16xf32>,
        %get3A_1236 = vector.shape_cast %get3A_1235 : vector<16xf32> to vector<16xf32>
        %add3A_1237 = arith.constant 9264 : i32
        %add3A_1238 = arith.addi %add3A_1237, %add3A_1221 : i32
        %get3A_1239 = arith.index_cast %add3A_1238 : i32 to index
        %get3A_1240 = tpu.vector_load %arg6[%get3A_1239] {strides = array<i32>} : memref<33968xf32, #tpu.memory_space<vmem>>, vector<16xf32>,
        %get3A_1241 = vector.shape_cast %get3A_1240 : vector<16xf32> to vector<16xf32>
        %add3A_1242 = arith.constant 12352 : i32
        %add3A_1243 = arith.addi %add3A_1242, %add3A_1221 : i32
        %get3A_1244 = arith.index_cast %add3A_1243 : i32 to index
        %get3A_1245 = tpu.vector_load %arg6[%get3A_1244] {strides = array<i32>} : memref<33968xf32, #tpu.memory_space<vmem>>, vector<16xf32>,
        %get3A_1246 = vector.shape_cast %get3A_1245 : vector<16xf32> to vector<16xf32>
        %add3A_1247 = arith.constant 15440 : i32
        %add3A_1248 = arith.addi %add3A_1247, %add3A_1221 : i32
        %get3A_1249 = arith.index_cast %add3A_1248 : i32 to index
        %get3A_1250 = tpu.vector_load %arg6[%get3A_1249] {strides = array<i32>} : memref<33968xf32, #tpu.memory_space<vmem>>, vector<16xf32>,
        %get3A_1251 = vector.shape_cast %get3A_1250 : vector<16xf32> to vector<16xf32>
        %add3A_1252 = arith.constant 18528 : i32
        %add3A_1253 = arith.addi %add3A_1252, %add3A_1221 : i32
        %get3A_1254 = arith.index_cast %add3A_1253 : i32 to index
        %get3A_1255 = tpu.vector_load %arg6[%get3A_1254] {strides = array<i32>} : memref<33968xf32, #tpu.memory_space<vmem>>, vector<16xf32>,
        %get3A_1256 = vector.shape_cast %get3A_1255 : vector<16xf32> to vector<16xf32>
        %add3A_1257 = arith.constant 21616 : i32
        %add3A_1258 = arith.addi %add3A_1257, %add3A_1221 : i32
        %get3A_1259 = arith.index_cast %add3A_1258 : i32 to index
        %get3A_1260 = tpu.vector_load %arg6[%get3A_1259] {strides = array<i32>} : memref<33968xf32, #tpu.memory_space<vmem>>, vector<16xf32>,
        %get3A_1261 = vector.shape_cast %get3A_1260 : vector<16xf32> to vector<16xf32>
        %add3A_1262 = arith.constant 24704 : i32
        %add3A_1263 = arith.addi %add3A_1262, %add3A_1221 : i32
        %get3A_1264 = arith.index_cast %add3A_1263 : i32 to index
        %get3A_1265 = tpu.vector_load %arg6[%get3A_1264] {strides = array<i32>} : memref<33968xf32, #tpu.memory_space<vmem>>, vector<16xf32>,
        %get3A_1266 = vector.shape_cast %get3A_1265 : vector<16xf32> to vector<16xf32>
        %add3A_1267 = arith.constant 27792 : i32
        %add3A_1268 = arith.addi %add3A_1267, %add3A_1221 : i32
        %get3A_1269 = arith.index_cast %add3A_1268 : i32 to index
        %get3A_1270 = tpu.vector_load %arg6[%get3A_1269] {strides = array<i32>} : memref<33968xf32, #tpu.memory_space<vmem>>, vector<16xf32>,
        %get3A_1271 = vector.shape_cast %get3A_1270 : vector<16xf32> to vector<16xf32>
        %add3A_1272 = arith.constant 30880 : i32
        %add3A_1273 = arith.addi %add3A_1272, %add3A_1221 : i32
        %get3A_1274 = arith.index_cast %add3A_1273 : i32 to index
        %get3A_1275 = tpu.vector_load %arg6[%get3A_1274] {strides = array<i32>} : memref<33968xf32, #tpu.memory_space<vmem>>, vector<16xf32>,
        %get3A_1276 = vector.shape_cast %get3A_1275 : vector<16xf32> to vector<16xf32>
        %sub3A_1277 = vector.broadcast %squeeze3A : f32 to vector<16xf32>
        %sub3A_1278 = arith.subf %get3A_941, %sub3A_1277 : vector<16xf32>
        %sub3A_1279 = vector.broadcast %squeeze3A_34 : f32 to vector<16xf32>
        %sub3A_1280 = arith.subf %get3A_946, %sub3A_1279 : vector<16xf32>
        %sub3A_1281 = vector.broadcast %squeeze3A_41 : f32 to vector<16xf32>
        %sub3A_1282 = arith.subf %get3A_951, %sub3A_1281 : vector<16xf32>
        %mul3A_1283 = arith.mulf %sub3A_1278, %sub3A_1278 : vector<16xf32>
        %mul3A_1284 = arith.mulf %sub3A_1280, %sub3A_1280 : vector<16xf32>
        %add3A_1285 = arith.addf %mul3A_1283, %mul3A_1284 : vector<16xf32>
        %mul3A_1286 = arith.mulf %sub3A_1282, %sub3A_1282 : vector<16xf32>
        %add3A_1287 = arith.addf %add3A_1285, %mul3A_1286 : vector<16xf32>
        %bitcast_convert_type3A_1288 = tpu.bitcast %add3A_1287 : vector<16xf32> -> vector<16xi32>
        %shift_right_logical3A_1289 = arith.constant 1 : i32
        %shift_right_logical3A_1290 = vector.broadcast %shift_right_logical3A_1289 : i32 to vector<16xi32>
        %shift_right_logical3A_1291 = arith.shrui %bitcast_convert_type3A_1288, %shift_right_logical3A_1290 : vector<16xi32>
        %sub3A_1292 = arith.constant 1597463007 : i32
        %sub3A_1293 = vector.broadcast %sub3A_1292 : i32 to vector<16xi32>
        %sub3A_1294 = arith.subi %sub3A_1293, %shift_right_logical3A_1291 : vector<16xi32>
        %bitcast_convert_type3A_1295 = tpu.bitcast %sub3A_1294 : vector<16xi32> -> vector<16xf32>
        %mul3A_1296 = arith.constant -5.000000e-01 : f32
        %mul3A_1297 = vector.broadcast %mul3A_1296 : f32 to vector<16xf32>
        %mul3A_1298 = arith.mulf %mul3A_1297, %add3A_1287 : vector<16xf32>
        %mul3A_1299 = arith.mulf %mul3A_1298, %bitcast_convert_type3A_1295 : vector<16xf32>
        %mul3A_1300 = arith.mulf %mul3A_1299, %bitcast_convert_type3A_1295 : vector<16xf32>
        %add3A_1301 = arith.constant 1.500000e+00 : f32
        %add3A_1302 = vector.broadcast %add3A_1301 : f32 to vector<16xf32>
        %add3A_1303 = arith.addf %add3A_1302, %mul3A_1300 : vector<16xf32>
        %mul3A_1304 = arith.mulf %bitcast_convert_type3A_1295, %add3A_1303 : vector<16xf32>
        %mul3A_1305 = arith.mulf %mul3A_1298, %mul3A_1304 : vector<16xf32>
        %mul3A_1306 = arith.mulf %mul3A_1305, %mul3A_1304 : vector<16xf32>
        %add3A_1307 = arith.constant 1.500000e+00 : f32
        %add3A_1308 = vector.broadcast %add3A_1307 : f32 to vector<16xf32>
        %add3A_1309 = arith.addf %add3A_1308, %mul3A_1306 : vector<16xf32>
        %mul3A_1310 = arith.mulf %mul3A_1304, %add3A_1309 : vector<16xf32>
        %mul3A_1311 = arith.mulf %mul3A_1298, %mul3A_1310 : vector<16xf32>
        %mul3A_1312 = arith.mulf %mul3A_1311, %mul3A_1310 : vector<16xf32>
        %add3A_1313 = arith.constant 1.500000e+00 : f32
        %add3A_1314 = vector.broadcast %add3A_1313 : f32 to vector<16xf32>
        %add3A_1315 = arith.addf %add3A_1314, %mul3A_1312 : vector<16xf32>
        %mul3A_1316 = arith.mulf %mul3A_1310, %add3A_1315 : vector<16xf32>
        %mul3A_1317 = arith.mulf %add3A_1287, %mul3A_1316 : vector<16xf32>
        %mul3A_1318 = vector.broadcast %squeeze3A_48 : f32 to vector<16xf32>
        %mul3A_1319 = arith.mulf %mul3A_1317, %mul3A_1318 : vector<16xf32>
        %sub3A_1320 = arith.constant 1.000000e+00 : f32
        %sub3A_1321 = vector.broadcast %sub3A_1320 : f32 to vector<16xf32>
        %sub3A_1322 = arith.subf %sub3A_1321, %mul3A_1319 : vector<16xf32>
        %mul3A_1323 = vector.broadcast %squeeze3A_55 : f32 to vector<16xf32>
        %mul3A_1324 = arith.mulf %sub3A_1322, %mul3A_1323 : vector<16xf32>
        %exp3A_1325 = math.exp %mul3A_1324 : vector<16xf32>
        %mul3A_1326 = vector.broadcast %squeeze3A_62 : f32 to vector<16xf32>
        %mul3A_1327 = arith.mulf %sub3A_1322, %mul3A_1326 : vector<16xf32>
        %exp3A_1328 = math.exp %mul3A_1327 : vector<16xf32>
        %sub3A_1329 = vector.broadcast %squeeze3A_97 : f32 to vector<16xf32>
        %sub3A_1330 = arith.subf %mul3A_1319, %sub3A_1329 : vector<16xf32>
        %mul3A_1331 = arith.mulf %sub3A_1330, %sub3A_1330 : vector<16xf32>
        %mul3A_1332 = arith.mulf %mul3A_1331, %mul3A_1331 : vector<16xf32>
        %mul3A_1333 = arith.mulf %mul3A_1332, %mul3A_1332 : vector<16xf32>
        %mul3A_1334 = arith.mulf %mul3A_1333, %mul3A_1333 : vector<16xf32>
        %mul3A_1335 = arith.mulf %mul3A_1334, %mul3A_1332 : vector<16xf32>
        %add3A_1336 = arith.constant 1.000000e+00 : f32
        %add3A_1337 = vector.broadcast %add3A_1336 : f32 to vector<16xf32>
        %add3A_1338 = arith.addf %add3A_1337, %mul3A_1335 : vector<16xf32>
        %sub3A_1339 = vector.broadcast %squeeze3A_90 : f32 to vector<16xf32>
        %sub3A_1340 = arith.subf %mul3A_1319, %sub3A_1339 : vector<16xf32>
        %mul3A_1341 = arith.mulf %sub3A_1340, %sub3A_1340 : vector<16xf32>
        %mul3A_1342 = arith.mulf %mul3A_1341, %mul3A_1341 : vector<16xf32>
        %mul3A_1343 = arith.mulf %mul3A_1342, %mul3A_1342 : vector<16xf32>
        %mul3A_1344 = arith.mulf %mul3A_1343, %mul3A_1343 : vector<16xf32>
        %mul3A_1345 = arith.mulf %mul3A_1344, %mul3A_1342 : vector<16xf32>
        %add3A_1346 = arith.constant 1.000000e+00 : f32
        %add3A_1347 = vector.broadcast %add3A_1346 : f32 to vector<16xf32>
        %add3A_1348 = arith.addf %add3A_1347, %mul3A_1345 : vector<16xf32>
        %div3A_1349 = arith.constant 1.000000e+00 : f32
        %div3A_1350 = vector.broadcast %div3A_1349 : f32 to vector<16xf32>
        %div3A_1351 = arith.divf %div3A_1350, %add3A_1348 : vector<16xf32>
        %mul3A_1352 = vector.broadcast %squeeze3A_69 : f32 to vector<16xf32>
        %mul3A_1353 = arith.mulf %mul3A_1352, %exp3A_1325 : vector<16xf32>
        %div3A_1354 = arith.divf %mul3A_1353, %add3A_1338 : vector<16xf32>
        %mul3A_1355 = vector.broadcast %squeeze3A_76 : f32 to vector<16xf32>
        %mul3A_1356 = arith.mulf %mul3A_1355, %exp3A_1328 : vector<16xf32>
        %mul3A_1357 = arith.mulf %mul3A_1356, %div3A_1351 : vector<16xf32>
        %mul3A_1358 = vector.broadcast %squeeze3A_83 : f32 to vector<16xf32>
        %mul3A_1359 = arith.mulf %mul3A_1358, %div3A_1354 : vector<16xf32>
        %sub3A_1360 = arith.subf %mul3A_1357, %mul3A_1359 : vector<16xf32>
        %mul3A_1361 = arith.mulf %mul3A_1317, %get3A_956 : vector<16xf32>
        %sub3A_1362 = arith.constant 1.000000e+00 : f32
        %sub3A_1363 = vector.broadcast %sub3A_1362 : f32 to vector<16xf32>
        %sub3A_1364 = arith.subf %sub3A_1363, %mul3A_1361 : vector<16xf32>
        %mul3A_1365 = arith.mulf %sub3A_1364, %get3A_961 : vector<16xf32>
        %exp3A_1366 = math.exp %mul3A_1365 : vector<16xf32>
        %mul3A_1367 = arith.mulf %sub3A_1364, %get3A_966 : vector<16xf32>
        %exp3A_1368 = math.exp %mul3A_1367 : vector<16xf32>
        %sub3A_1369 = arith.subf %mul3A_1361, %get3A_991 : vector<16xf32>
        %mul3A_1370 = arith.mulf %sub3A_1369, %sub3A_1369 : vector<16xf32>
        %mul3A_1371 = arith.mulf %mul3A_1370, %mul3A_1370 : vector<16xf32>
        %mul3A_1372 = arith.mulf %mul3A_1371, %mul3A_1371 : vector<16xf32>
        %mul3A_1373 = arith.mulf %mul3A_1372, %mul3A_1372 : vector<16xf32>
        %mul3A_1374 = arith.mulf %mul3A_1373, %mul3A_1371 : vector<16xf32>
        %add3A_1375 = arith.constant 1.000000e+00 : f32
        %add3A_1376 = vector.broadcast %add3A_1375 : f32 to vector<16xf32>
        %add3A_1377 = arith.addf %add3A_1376, %mul3A_1374 : vector<16xf32>
        %sub3A_1378 = arith.subf %mul3A_1361, %get3A_986 : vector<16xf32>
        %mul3A_1379 = arith.mulf %sub3A_1378, %sub3A_1378 : vector<16xf32>
        %mul3A_1380 = arith.mulf %mul3A_1379, %mul3A_1379 : vector<16xf32>
        %mul3A_1381 = arith.mulf %mul3A_1380, %mul3A_1380 : vector<16xf32>
        %mul3A_1382 = arith.mulf %mul3A_1381, %mul3A_1381 : vector<16xf32>
        %mul3A_1383 = arith.mulf %mul3A_1382, %mul3A_1380 : vector<16xf32>
        %add3A_1384 = arith.constant 1.000000e+00 : f32
        %add3A_1385 = vector.broadcast %add3A_1384 : f32 to vector<16xf32>
        %add3A_1386 = arith.addf %add3A_1385, %mul3A_1383 : vector<16xf32>
        %div3A_1387 = arith.constant 1.000000e+00 : f32
        %div3A_1388 = vector.broadcast %div3A_1387 : f32 to vector<16xf32>
        %div3A_1389 = arith.divf %div3A_1388, %add3A_1386 : vector<16xf32>
        %mul3A_1390 = arith.mulf %get3A_971, %exp3A_1366 : vector<16xf32>
        %div3A_1391 = arith.divf %mul3A_1390, %add3A_1377 : vector<16xf32>
        %mul3A_1392 = arith.mulf %get3A_976, %exp3A_1368 : vector<16xf32>
        %mul3A_1393 = arith.mulf %mul3A_1392, %div3A_1389 : vector<16xf32>
        %mul3A_1394 = arith.mulf %get3A_981, %div3A_1391 : vector<16xf32>
        %sub3A_1395 = arith.subf %mul3A_1393, %mul3A_1394 : vector<16xf32>
        %div3A_1396 = arith.divf %div3A_1391, %div3A_1354 : vector<16xf32>
        %mul3A_1397 = arith.mulf %div3A_1396, %sub3A_1360 : vector<16xf32>
        %div3A_1398 = arith.divf %div3A_1354, %div3A_1391 : vector<16xf32>
        %mul3A_1399 = arith.mulf %div3A_1398, %sub3A_1395 : vector<16xf32>
        %add3A_1400 = arith.addf %mul3A_1397, %mul3A_1399 : vector<16xf32>
        %le3A_1401 = arith.constant 5.000000e+00 : f32
        %le3A_1402 = vector.broadcast %le3A_1401 : f32 to vector<16xf32>
        %le3A_1403 = arith.cmpf ole, %mul3A_1317, %le3A_1402 : vector<16xf32>
        %jit3A_1404 = arith.constant 0.000000e+00 : f32
        %broadcast_in_dim3A_1405 = vector.broadcast %jit3A_1404 : f32 to vector<16xf32>
        %select_n3A_1406 = arith.select %le3A_1403, %add3A_1400, %broadcast_in_dim3A_1405 : vector<16xi1>, vector<16xf32>
        %sub3A_1407 = vector.broadcast %squeeze3A : f32 to vector<16xf32>
        %sub3A_1408 = arith.subf %get3A_998, %sub3A_1407 : vector<16xf32>
        %sub3A_1409 = vector.broadcast %squeeze3A_34 : f32 to vector<16xf32>
        %sub3A_1410 = arith.subf %get3A_1003, %sub3A_1409 : vector<16xf32>
        %sub3A_1411 = vector.broadcast %squeeze3A_41 : f32 to vector<16xf32>
        %sub3A_1412 = arith.subf %get3A_1008, %sub3A_1411 : vector<16xf32>
        %mul3A_1413 = arith.mulf %sub3A_1408, %sub3A_1408 : vector<16xf32>
        %mul3A_1414 = arith.mulf %sub3A_1410, %sub3A_1410 : vector<16xf32>
        %add3A_1415 = arith.addf %mul3A_1413, %mul3A_1414 : vector<16xf32>
        %mul3A_1416 = arith.mulf %sub3A_1412, %sub3A_1412 : vector<16xf32>
        %add3A_1417 = arith.addf %add3A_1415, %mul3A_1416 : vector<16xf32>
        %bitcast_convert_type3A_1418 = tpu.bitcast %add3A_1417 : vector<16xf32> -> vector<16xi32>
        %shift_right_logical3A_1419 = arith.constant 1 : i32
        %shift_right_logical3A_1420 = vector.broadcast %shift_right_logical3A_1419 : i32 to vector<16xi32>
        %shift_right_logical3A_1421 = arith.shrui %bitcast_convert_type3A_1418, %shift_right_logical3A_1420 : vector<16xi32>
        %sub3A_1422 = arith.constant 1597463007 : i32
        %sub3A_1423 = vector.broadcast %sub3A_1422 : i32 to vector<16xi32>
        %sub3A_1424 = arith.subi %sub3A_1423, %shift_right_logical3A_1421 : vector<16xi32>
        %bitcast_convert_type3A_1425 = tpu.bitcast %sub3A_1424 : vector<16xi32> -> vector<16xf32>
        %mul3A_1426 = arith.constant -5.000000e-01 : f32
        %mul3A_1427 = vector.broadcast %mul3A_1426 : f32 to vector<16xf32>
        %mul3A_1428 = arith.mulf %mul3A_1427, %add3A_1417 : vector<16xf32>
        %mul3A_1429 = arith.mulf %mul3A_1428, %bitcast_convert_type3A_1425 : vector<16xf32>
        %mul3A_1430 = arith.mulf %mul3A_1429, %bitcast_convert_type3A_1425 : vector<16xf32>
        %add3A_1431 = arith.constant 1.500000e+00 : f32
        %add3A_1432 = vector.broadcast %add3A_1431 : f32 to vector<16xf32>
        %add3A_1433 = arith.addf %add3A_1432, %mul3A_1430 : vector<16xf32>
        %mul3A_1434 = arith.mulf %bitcast_convert_type3A_1425, %add3A_1433 : vector<16xf32>
        %mul3A_1435 = arith.mulf %mul3A_1428, %mul3A_1434 : vector<16xf32>
        %mul3A_1436 = arith.mulf %mul3A_1435, %mul3A_1434 : vector<16xf32>
        %add3A_1437 = arith.constant 1.500000e+00 : f32
        %add3A_1438 = vector.broadcast %add3A_1437 : f32 to vector<16xf32>
        %add3A_1439 = arith.addf %add3A_1438, %mul3A_1436 : vector<16xf32>
        %mul3A_1440 = arith.mulf %mul3A_1434, %add3A_1439 : vector<16xf32>
        %mul3A_1441 = arith.mulf %mul3A_1428, %mul3A_1440 : vector<16xf32>
        %mul3A_1442 = arith.mulf %mul3A_1441, %mul3A_1440 : vector<16xf32>
        %add3A_1443 = arith.constant 1.500000e+00 : f32
        %add3A_1444 = vector.broadcast %add3A_1443 : f32 to vector<16xf32>
        %add3A_1445 = arith.addf %add3A_1444, %mul3A_1442 : vector<16xf32>
        %mul3A_1446 = arith.mulf %mul3A_1440, %add3A_1445 : vector<16xf32>
        %mul3A_1447 = arith.mulf %add3A_1417, %mul3A_1446 : vector<16xf32>
        %mul3A_1448 = vector.broadcast %squeeze3A_48 : f32 to vector<16xf32>
        %mul3A_1449 = arith.mulf %mul3A_1447, %mul3A_1448 : vector<16xf32>
        %sub3A_1450 = arith.constant 1.000000e+00 : f32
        %sub3A_1451 = vector.broadcast %sub3A_1450 : f32 to vector<16xf32>
        %sub3A_1452 = arith.subf %sub3A_1451, %mul3A_1449 : vector<16xf32>
        %mul3A_1453 = vector.broadcast %squeeze3A_55 : f32 to vector<16xf32>
        %mul3A_1454 = arith.mulf %sub3A_1452, %mul3A_1453 : vector<16xf32>
        %exp3A_1455 = math.exp %mul3A_1454 : vector<16xf32>
        %mul3A_1456 = vector.broadcast %squeeze3A_62 : f32 to vector<16xf32>
        %mul3A_1457 = arith.mulf %sub3A_1452, %mul3A_1456 : vector<16xf32>
        %exp3A_1458 = math.exp %mul3A_1457 : vector<16xf32>
        %sub3A_1459 = vector.broadcast %squeeze3A_97 : f32 to vector<16xf32>
        %sub3A_1460 = arith.subf %mul3A_1449, %sub3A_1459 : vector<16xf32>
        %mul3A_1461 = arith.mulf %sub3A_1460, %sub3A_1460 : vector<16xf32>
        %mul3A_1462 = arith.mulf %mul3A_1461, %mul3A_1461 : vector<16xf32>
        %mul3A_1463 = arith.mulf %mul3A_1462, %mul3A_1462 : vector<16xf32>
        %mul3A_1464 = arith.mulf %mul3A_1463, %mul3A_1463 : vector<16xf32>
        %mul3A_1465 = arith.mulf %mul3A_1464, %mul3A_1462 : vector<16xf32>
        %add3A_1466 = arith.constant 1.000000e+00 : f32
        %add3A_1467 = vector.broadcast %add3A_1466 : f32 to vector<16xf32>
        %add3A_1468 = arith.addf %add3A_1467, %mul3A_1465 : vector<16xf32>
        %sub3A_1469 = vector.broadcast %squeeze3A_90 : f32 to vector<16xf32>
        %sub3A_1470 = arith.subf %mul3A_1449, %sub3A_1469 : vector<16xf32>
        %mul3A_1471 = arith.mulf %sub3A_1470, %sub3A_1470 : vector<16xf32>
        %mul3A_1472 = arith.mulf %mul3A_1471, %mul3A_1471 : vector<16xf32>
        %mul3A_1473 = arith.mulf %mul3A_1472, %mul3A_1472 : vector<16xf32>
        %mul3A_1474 = arith.mulf %mul3A_1473, %mul3A_1473 : vector<16xf32>
        %mul3A_1475 = arith.mulf %mul3A_1474, %mul3A_1472 : vector<16xf32>
        %add3A_1476 = arith.constant 1.000000e+00 : f32
        %add3A_1477 = vector.broadcast %add3A_1476 : f32 to vector<16xf32>
        %add3A_1478 = arith.addf %add3A_1477, %mul3A_1475 : vector<16xf32>
        %div3A_1479 = arith.constant 1.000000e+00 : f32
        %div3A_1480 = vector.broadcast %div3A_1479 : f32 to vector<16xf32>
        %div3A_1481 = arith.divf %div3A_1480, %add3A_1478 : vector<16xf32>
        %mul3A_1482 = vector.broadcast %squeeze3A_69 : f32 to vector<16xf32>
        %mul3A_1483 = arith.mulf %mul3A_1482, %exp3A_1455 : vector<16xf32>
        %div3A_1484 = arith.divf %mul3A_1483, %add3A_1468 : vector<16xf32>
        %mul3A_1485 = vector.broadcast %squeeze3A_76 : f32 to vector<16xf32>
        %mul3A_1486 = arith.mulf %mul3A_1485, %exp3A_1458 : vector<16xf32>
        %mul3A_1487 = arith.mulf %mul3A_1486, %div3A_1481 : vector<16xf32>
        %mul3A_1488 = vector.broadcast %squeeze3A_83 : f32 to vector<16xf32>
        %mul3A_1489 = arith.mulf %mul3A_1488, %div3A_1484 : vector<16xf32>
        %sub3A_1490 = arith.subf %mul3A_1487, %mul3A_1489 : vector<16xf32>
        %mul3A_1491 = arith.mulf %mul3A_1447, %get3A_1013 : vector<16xf32>
        %sub3A_1492 = arith.constant 1.000000e+00 : f32
        %sub3A_1493 = vector.broadcast %sub3A_1492 : f32 to vector<16xf32>
        %sub3A_1494 = arith.subf %sub3A_1493, %mul3A_1491 : vector<16xf32>
        %mul3A_1495 = arith.mulf %sub3A_1494, %get3A_1018 : vector<16xf32>
        %exp3A_1496 = math.exp %mul3A_1495 : vector<16xf32>
        %mul3A_1497 = arith.mulf %sub3A_1494, %get3A_1023 : vector<16xf32>
        %exp3A_1498 = math.exp %mul3A_1497 : vector<16xf32>
        %sub3A_1499 = arith.subf %mul3A_1491, %get3A_1048 : vector<16xf32>
        %mul3A_1500 = arith.mulf %sub3A_1499, %sub3A_1499 : vector<16xf32>
        %mul3A_1501 = arith.mulf %mul3A_1500, %mul3A_1500 : vector<16xf32>
        %mul3A_1502 = arith.mulf %mul3A_1501, %mul3A_1501 : vector<16xf32>
        %mul3A_1503 = arith.mulf %mul3A_1502, %mul3A_1502 : vector<16xf32>
        %mul3A_1504 = arith.mulf %mul3A_1503, %mul3A_1501 : vector<16xf32>
        %add3A_1505 = arith.constant 1.000000e+00 : f32
        %add3A_1506 = vector.broadcast %add3A_1505 : f32 to vector<16xf32>
        %add3A_1507 = arith.addf %add3A_1506, %mul3A_1504 : vector<16xf32>
        %sub3A_1508 = arith.subf %mul3A_1491, %get3A_1043 : vector<16xf32>
        %mul3A_1509 = arith.mulf %sub3A_1508, %sub3A_1508 : vector<16xf32>
        %mul3A_1510 = arith.mulf %mul3A_1509, %mul3A_1509 : vector<16xf32>
        %mul3A_1511 = arith.mulf %mul3A_1510, %mul3A_1510 : vector<16xf32>
        %mul3A_1512 = arith.mulf %mul3A_1511, %mul3A_1511 : vector<16xf32>
        %mul3A_1513 = arith.mulf %mul3A_1512, %mul3A_1510 : vector<16xf32>
        %add3A_1514 = arith.constant 1.000000e+00 : f32
        %add3A_1515 = vector.broadcast %add3A_1514 : f32 to vector<16xf32>
        %add3A_1516 = arith.addf %add3A_1515, %mul3A_1513 : vector<16xf32>
        %div3A_1517 = arith.constant 1.000000e+00 : f32
        %div3A_1518 = vector.broadcast %div3A_1517 : f32 to vector<16xf32>
        %div3A_1519 = arith.divf %div3A_1518, %add3A_1516 : vector<16xf32>
        %mul3A_1520 = arith.mulf %get3A_1028, %exp3A_1496 : vector<16xf32>
        %div3A_1521 = arith.divf %mul3A_1520, %add3A_1507 : vector<16xf32>
        %mul3A_1522 = arith.mulf %get3A_1033, %exp3A_1498 : vector<16xf32>
        %mul3A_1523 = arith.mulf %mul3A_1522, %div3A_1519 : vector<16xf32>
        %mul3A_1524 = arith.mulf %get3A_1038, %div3A_1521 : vector<16xf32>
        %sub3A_1525 = arith.subf %mul3A_1523, %mul3A_1524 : vector<16xf32>
        %div3A_1526 = arith.divf %div3A_1521, %div3A_1484 : vector<16xf32>
        %mul3A_1527 = arith.mulf %div3A_1526, %sub3A_1490 : vector<16xf32>
        %div3A_1528 = arith.divf %div3A_1484, %div3A_1521 : vector<16xf32>
        %mul3A_1529 = arith.mulf %div3A_1528, %sub3A_1525 : vector<16xf32>
        %add3A_1530 = arith.addf %mul3A_1527, %mul3A_1529 : vector<16xf32>
        %le3A_1531 = arith.constant 5.000000e+00 : f32
        %le3A_1532 = vector.broadcast %le3A_1531 : f32 to vector<16xf32>
        %le3A_1533 = arith.cmpf ole, %mul3A_1447, %le3A_1532 : vector<16xf32>
        %jit3A_1534 = arith.constant 0.000000e+00 : f32
        %broadcast_in_dim3A_1535 = vector.broadcast %jit3A_1534 : f32 to vector<16xf32>
        %select_n3A_1536 = arith.select %le3A_1533, %add3A_1530, %broadcast_in_dim3A_1535 : vector<16xi1>, vector<16xf32>
        %sub3A_1537 = vector.broadcast %squeeze3A : f32 to vector<16xf32>
        %sub3A_1538 = arith.subf %get3A_1055, %sub3A_1537 : vector<16xf32>
        %sub3A_1539 = vector.broadcast %squeeze3A_34 : f32 to vector<16xf32>
        %sub3A_1540 = arith.subf %get3A_1060, %sub3A_1539 : vector<16xf32>
        %sub3A_1541 = vector.broadcast %squeeze3A_41 : f32 to vector<16xf32>
        %sub3A_1542 = arith.subf %get3A_1065, %sub3A_1541 : vector<16xf32>
        %mul3A_1543 = arith.mulf %sub3A_1538, %sub3A_1538 : vector<16xf32>
        %mul3A_1544 = arith.mulf %sub3A_1540, %sub3A_1540 : vector<16xf32>
        %add3A_1545 = arith.addf %mul3A_1543, %mul3A_1544 : vector<16xf32>
        %mul3A_1546 = arith.mulf %sub3A_1542, %sub3A_1542 : vector<16xf32>
        %add3A_1547 = arith.addf %add3A_1545, %mul3A_1546 : vector<16xf32>
        %bitcast_convert_type3A_1548 = tpu.bitcast %add3A_1547 : vector<16xf32> -> vector<16xi32>
        %shift_right_logical3A_1549 = arith.constant 1 : i32
        %shift_right_logical3A_1550 = vector.broadcast %shift_right_logical3A_1549 : i32 to vector<16xi32>
        %shift_right_logical3A_1551 = arith.shrui %bitcast_convert_type3A_1548, %shift_right_logical3A_1550 : vector<16xi32>
        %sub3A_1552 = arith.constant 1597463007 : i32
        %sub3A_1553 = vector.broadcast %sub3A_1552 : i32 to vector<16xi32>
        %sub3A_1554 = arith.subi %sub3A_1553, %shift_right_logical3A_1551 : vector<16xi32>
        %bitcast_convert_type3A_1555 = tpu.bitcast %sub3A_1554 : vector<16xi32> -> vector<16xf32>
        %mul3A_1556 = arith.constant -5.000000e-01 : f32
        %mul3A_1557 = vector.broadcast %mul3A_1556 : f32 to vector<16xf32>
        %mul3A_1558 = arith.mulf %mul3A_1557, %add3A_1547 : vector<16xf32>
        %mul3A_1559 = arith.mulf %mul3A_1558, %bitcast_convert_type3A_1555 : vector<16xf32>
        %mul3A_1560 = arith.mulf %mul3A_1559, %bitcast_convert_type3A_1555 : vector<16xf32>
        %add3A_1561 = arith.constant 1.500000e+00 : f32
        %add3A_1562 = vector.broadcast %add3A_1561 : f32 to vector<16xf32>
        %add3A_1563 = arith.addf %add3A_1562, %mul3A_1560 : vector<16xf32>
        %mul3A_1564 = arith.mulf %bitcast_convert_type3A_1555, %add3A_1563 : vector<16xf32>
        %mul3A_1565 = arith.mulf %mul3A_1558, %mul3A_1564 : vector<16xf32>
        %mul3A_1566 = arith.mulf %mul3A_1565, %mul3A_1564 : vector<16xf32>
        %add3A_1567 = arith.constant 1.500000e+00 : f32
        %add3A_1568 = vector.broadcast %add3A_1567 : f32 to vector<16xf32>
        %add3A_1569 = arith.addf %add3A_1568, %mul3A_1566 : vector<16xf32>
        %mul3A_1570 = arith.mulf %mul3A_1564, %add3A_1569 : vector<16xf32>
        %mul3A_1571 = arith.mulf %mul3A_1558, %mul3A_1570 : vector<16xf32>
        %mul3A_1572 = arith.mulf %mul3A_1571, %mul3A_1570 : vector<16xf32>
        %add3A_1573 = arith.constant 1.500000e+00 : f32
        %add3A_1574 = vector.broadcast %add3A_1573 : f32 to vector<16xf32>
        %add3A_1575 = arith.addf %add3A_1574, %mul3A_1572 : vector<16xf32>
        %mul3A_1576 = arith.mulf %mul3A_1570, %add3A_1575 : vector<16xf32>
        %mul3A_1577 = arith.mulf %add3A_1547, %mul3A_1576 : vector<16xf32>
        %mul3A_1578 = vector.broadcast %squeeze3A_48 : f32 to vector<16xf32>
        %mul3A_1579 = arith.mulf %mul3A_1577, %mul3A_1578 : vector<16xf32>
        %sub3A_1580 = arith.constant 1.000000e+00 : f32
        %sub3A_1581 = vector.broadcast %sub3A_1580 : f32 to vector<16xf32>
        %sub3A_1582 = arith.subf %sub3A_1581, %mul3A_1579 : vector<16xf32>
        %mul3A_1583 = vector.broadcast %squeeze3A_55 : f32 to vector<16xf32>
        %mul3A_1584 = arith.mulf %sub3A_1582, %mul3A_1583 : vector<16xf32>
        %exp3A_1585 = math.exp %mul3A_1584 : vector<16xf32>
        %mul3A_1586 = vector.broadcast %squeeze3A_62 : f32 to vector<16xf32>
        %mul3A_1587 = arith.mulf %sub3A_1582, %mul3A_1586 : vector<16xf32>
        %exp3A_1588 = math.exp %mul3A_1587 : vector<16xf32>
        %sub3A_1589 = vector.broadcast %squeeze3A_97 : f32 to vector<16xf32>
        %sub3A_1590 = arith.subf %mul3A_1579, %sub3A_1589 : vector<16xf32>
        %mul3A_1591 = arith.mulf %sub3A_1590, %sub3A_1590 : vector<16xf32>
        %mul3A_1592 = arith.mulf %mul3A_1591, %mul3A_1591 : vector<16xf32>
        %mul3A_1593 = arith.mulf %mul3A_1592, %mul3A_1592 : vector<16xf32>
        %mul3A_1594 = arith.mulf %mul3A_1593, %mul3A_1593 : vector<16xf32>
        %mul3A_1595 = arith.mulf %mul3A_1594, %mul3A_1592 : vector<16xf32>
        %add3A_1596 = arith.constant 1.000000e+00 : f32
        %add3A_1597 = vector.broadcast %add3A_1596 : f32 to vector<16xf32>
        %add3A_1598 = arith.addf %add3A_1597, %mul3A_1595 : vector<16xf32>
        %sub3A_1599 = vector.broadcast %squeeze3A_90 : f32 to vector<16xf32>
        %sub3A_1600 = arith.subf %mul3A_1579, %sub3A_1599 : vector<16xf32>
        %mul3A_1601 = arith.mulf %sub3A_1600, %sub3A_1600 : vector<16xf32>
        %mul3A_1602 = arith.mulf %mul3A_1601, %mul3A_1601 : vector<16xf32>
        %mul3A_1603 = arith.mulf %mul3A_1602, %mul3A_1602 : vector<16xf32>
        %mul3A_1604 = arith.mulf %mul3A_1603, %mul3A_1603 : vector<16xf32>
        %mul3A_1605 = arith.mulf %mul3A_1604, %mul3A_1602 : vector<16xf32>
        %add3A_1606 = arith.constant 1.000000e+00 : f32
        %add3A_1607 = vector.broadcast %add3A_1606 : f32 to vector<16xf32>
        %add3A_1608 = arith.addf %add3A_1607, %mul3A_1605 : vector<16xf32>
        %div3A_1609 = arith.constant 1.000000e+00 : f32
        %div3A_1610 = vector.broadcast %div3A_1609 : f32 to vector<16xf32>
        %div3A_1611 = arith.divf %div3A_1610, %add3A_1608 : vector<16xf32>
        %mul3A_1612 = vector.broadcast %squeeze3A_69 : f32 to vector<16xf32>
        %mul3A_1613 = arith.mulf %mul3A_1612, %exp3A_1585 : vector<16xf32>
        %div3A_1614 = arith.divf %mul3A_1613, %add3A_1598 : vector<16xf32>
        %mul3A_1615 = vector.broadcast %squeeze3A_76 : f32 to vector<16xf32>
        %mul3A_1616 = arith.mulf %mul3A_1615, %exp3A_1588 : vector<16xf32>
        %mul3A_1617 = arith.mulf %mul3A_1616, %div3A_1611 : vector<16xf32>
        %mul3A_1618 = vector.broadcast %squeeze3A_83 : f32 to vector<16xf32>
        %mul3A_1619 = arith.mulf %mul3A_1618, %div3A_1614 : vector<16xf32>
        %sub3A_1620 = arith.subf %mul3A_1617, %mul3A_1619 : vector<16xf32>
        %mul3A_1621 = arith.mulf %mul3A_1577, %get3A_1070 : vector<16xf32>
        %sub3A_1622 = arith.constant 1.000000e+00 : f32
        %sub3A_1623 = vector.broadcast %sub3A_1622 : f32 to vector<16xf32>
        %sub3A_1624 = arith.subf %sub3A_1623, %mul3A_1621 : vector<16xf32>
        %mul3A_1625 = arith.mulf %sub3A_1624, %get3A_1075 : vector<16xf32>
        %exp3A_1626 = math.exp %mul3A_1625 : vector<16xf32>
        %mul3A_1627 = arith.mulf %sub3A_1624, %get3A_1080 : vector<16xf32>
        %exp3A_1628 = math.exp %mul3A_1627 : vector<16xf32>
        %sub3A_1629 = arith.subf %mul3A_1621, %get3A_1105 : vector<16xf32>
        %mul3A_1630 = arith.mulf %sub3A_1629, %sub3A_1629 : vector<16xf32>
        %mul3A_1631 = arith.mulf %mul3A_1630, %mul3A_1630 : vector<16xf32>
        %mul3A_1632 = arith.mulf %mul3A_1631, %mul3A_1631 : vector<16xf32>
        %mul3A_1633 = arith.mulf %mul3A_1632, %mul3A_1632 : vector<16xf32>
        %mul3A_1634 = arith.mulf %mul3A_1633, %mul3A_1631 : vector<16xf32>
        %add3A_1635 = arith.constant 1.000000e+00 : f32
        %add3A_1636 = vector.broadcast %add3A_1635 : f32 to vector<16xf32>
        %add3A_1637 = arith.addf %add3A_1636, %mul3A_1634 : vector<16xf32>
        %sub3A_1638 = arith.subf %mul3A_1621, %get3A_1100 : vector<16xf32>
        %mul3A_1639 = arith.mulf %sub3A_1638, %sub3A_1638 : vector<16xf32>
        %mul3A_1640 = arith.mulf %mul3A_1639, %mul3A_1639 : vector<16xf32>
        %mul3A_1641 = arith.mulf %mul3A_1640, %mul3A_1640 : vector<16xf32>
        %mul3A_1642 = arith.mulf %mul3A_1641, %mul3A_1641 : vector<16xf32>
        %mul3A_1643 = arith.mulf %mul3A_1642, %mul3A_1640 : vector<16xf32>
        %add3A_1644 = arith.constant 1.000000e+00 : f32
        %add3A_1645 = vector.broadcast %add3A_1644 : f32 to vector<16xf32>
        %add3A_1646 = arith.addf %add3A_1645, %mul3A_1643 : vector<16xf32>
        %div3A_1647 = arith.constant 1.000000e+00 : f32
        %div3A_1648 = vector.broadcast %div3A_1647 : f32 to vector<16xf32>
        %div3A_1649 = arith.divf %div3A_1648, %add3A_1646 : vector<16xf32>
        %mul3A_1650 = arith.mulf %get3A_1085, %exp3A_1626 : vector<16xf32>
        %div3A_1651 = arith.divf %mul3A_1650, %add3A_1637 : vector<16xf32>
        %mul3A_1652 = arith.mulf %get3A_1090, %exp3A_1628 : vector<16xf32>
        %mul3A_1653 = arith.mulf %mul3A_1652, %div3A_1649 : vector<16xf32>
        %mul3A_1654 = arith.mulf %get3A_1095, %div3A_1651 : vector<16xf32>
        %sub3A_1655 = arith.subf %mul3A_1653, %mul3A_1654 : vector<16xf32>
        %div3A_1656 = arith.divf %div3A_1651, %div3A_1614 : vector<16xf32>
        %mul3A_1657 = arith.mulf %div3A_1656, %sub3A_1620 : vector<16xf32>
        %div3A_1658 = arith.divf %div3A_1614, %div3A_1651 : vector<16xf32>
        %mul3A_1659 = arith.mulf %div3A_1658, %sub3A_1655 : vector<16xf32>
        %add3A_1660 = arith.addf %mul3A_1657, %mul3A_1659 : vector<16xf32>
        %le3A_1661 = arith.constant 5.000000e+00 : f32
        %le3A_1662 = vector.broadcast %le3A_1661 : f32 to vector<16xf32>
        %le3A_1663 = arith.cmpf ole, %mul3A_1577, %le3A_1662 : vector<16xf32>
        %jit3A_1664 = arith.constant 0.000000e+00 : f32
        %broadcast_in_dim3A_1665 = vector.broadcast %jit3A_1664 : f32 to vector<16xf32>
        %select_n3A_1666 = arith.select %le3A_1663, %add3A_1660, %broadcast_in_dim3A_1665 : vector<16xi1>, vector<16xf32>
        %sub3A_1667 = vector.broadcast %squeeze3A : f32 to vector<16xf32>
        %sub3A_1668 = arith.subf %get3A_1112, %sub3A_1667 : vector<16xf32>
        %sub3A_1669 = vector.broadcast %squeeze3A_34 : f32 to vector<16xf32>
        %sub3A_1670 = arith.subf %get3A_1117, %sub3A_1669 : vector<16xf32>
        %sub3A_1671 = vector.broadcast %squeeze3A_41 : f32 to vector<16xf32>
        %sub3A_1672 = arith.subf %get3A_1122, %sub3A_1671 : vector<16xf32>
        %mul3A_1673 = arith.mulf %sub3A_1668, %sub3A_1668 : vector<16xf32>
        %mul3A_1674 = arith.mulf %sub3A_1670, %sub3A_1670 : vector<16xf32>
        %add3A_1675 = arith.addf %mul3A_1673, %mul3A_1674 : vector<16xf32>
        %mul3A_1676 = arith.mulf %sub3A_1672, %sub3A_1672 : vector<16xf32>
        %add3A_1677 = arith.addf %add3A_1675, %mul3A_1676 : vector<16xf32>
        %bitcast_convert_type3A_1678 = tpu.bitcast %add3A_1677 : vector<16xf32> -> vector<16xi32>
        %shift_right_logical3A_1679 = arith.constant 1 : i32
        %shift_right_logical3A_1680 = vector.broadcast %shift_right_logical3A_1679 : i32 to vector<16xi32>
        %shift_right_logical3A_1681 = arith.shrui %bitcast_convert_type3A_1678, %shift_right_logical3A_1680 : vector<16xi32>
        %sub3A_1682 = arith.constant 1597463007 : i32
        %sub3A_1683 = vector.broadcast %sub3A_1682 : i32 to vector<16xi32>
        %sub3A_1684 = arith.subi %sub3A_1683, %shift_right_logical3A_1681 : vector<16xi32>
        %bitcast_convert_type3A_1685 = tpu.bitcast %sub3A_1684 : vector<16xi32> -> vector<16xf32>
        %mul3A_1686 = arith.constant -5.000000e-01 : f32
        %mul3A_1687 = vector.broadcast %mul3A_1686 : f32 to vector<16xf32>
        %mul3A_1688 = arith.mulf %mul3A_1687, %add3A_1677 : vector<16xf32>
        %mul3A_1689 = arith.mulf %mul3A_1688, %bitcast_convert_type3A_1685 : vector<16xf32>
        %mul3A_1690 = arith.mulf %mul3A_1689, %bitcast_convert_type3A_1685 : vector<16xf32>
        %add3A_1691 = arith.constant 1.500000e+00 : f32
        %add3A_1692 = vector.broadcast %add3A_1691 : f32 to vector<16xf32>
        %add3A_1693 = arith.addf %add3A_1692, %mul3A_1690 : vector<16xf32>
        %mul3A_1694 = arith.mulf %bitcast_convert_type3A_1685, %add3A_1693 : vector<16xf32>
        %mul3A_1695 = arith.mulf %mul3A_1688, %mul3A_1694 : vector<16xf32>
        %mul3A_1696 = arith.mulf %mul3A_1695, %mul3A_1694 : vector<16xf32>
        %add3A_1697 = arith.constant 1.500000e+00 : f32
        %add3A_1698 = vector.broadcast %add3A_1697 : f32 to vector<16xf32>
        %add3A_1699 = arith.addf %add3A_1698, %mul3A_1696 : vector<16xf32>
        %mul3A_1700 = arith.mulf %mul3A_1694, %add3A_1699 : vector<16xf32>
        %mul3A_1701 = arith.mulf %mul3A_1688, %mul3A_1700 : vector<16xf32>
        %mul3A_1702 = arith.mulf %mul3A_1701, %mul3A_1700 : vector<16xf32>
        %add3A_1703 = arith.constant 1.500000e+00 : f32
        %add3A_1704 = vector.broadcast %add3A_1703 : f32 to vector<16xf32>
        %add3A_1705 = arith.addf %add3A_1704, %mul3A_1702 : vector<16xf32>
        %mul3A_1706 = arith.mulf %mul3A_1700, %add3A_1705 : vector<16xf32>
        %mul3A_1707 = arith.mulf %add3A_1677, %mul3A_1706 : vector<16xf32>
        %mul3A_1708 = vector.broadcast %squeeze3A_48 : f32 to vector<16xf32>
        %mul3A_1709 = arith.mulf %mul3A_1707, %mul3A_1708 : vector<16xf32>
        %sub3A_1710 = arith.constant 1.000000e+00 : f32
        %sub3A_1711 = vector.broadcast %sub3A_1710 : f32 to vector<16xf32>
        %sub3A_1712 = arith.subf %sub3A_1711, %mul3A_1709 : vector<16xf32>
        %mul3A_1713 = vector.broadcast %squeeze3A_55 : f32 to vector<16xf32>
        %mul3A_1714 = arith.mulf %sub3A_1712, %mul3A_1713 : vector<16xf32>
        %exp3A_1715 = math.exp %mul3A_1714 : vector<16xf32>
        %mul3A_1716 = vector.broadcast %squeeze3A_62 : f32 to vector<16xf32>
        %mul3A_1717 = arith.mulf %sub3A_1712, %mul3A_1716 : vector<16xf32>
        %exp3A_1718 = math.exp %mul3A_1717 : vector<16xf32>
        %sub3A_1719 = vector.broadcast %squeeze3A_97 : f32 to vector<16xf32>
        %sub3A_1720 = arith.subf %mul3A_1709, %sub3A_1719 : vector<16xf32>
        %mul3A_1721 = arith.mulf %sub3A_1720, %sub3A_1720 : vector<16xf32>
        %mul3A_1722 = arith.mulf %mul3A_1721, %mul3A_1721 : vector<16xf32>
        %mul3A_1723 = arith.mulf %mul3A_1722, %mul3A_1722 : vector<16xf32>
        %mul3A_1724 = arith.mulf %mul3A_1723, %mul3A_1723 : vector<16xf32>
        %mul3A_1725 = arith.mulf %mul3A_1724, %mul3A_1722 : vector<16xf32>
        %add3A_1726 = arith.constant 1.000000e+00 : f32
        %add3A_1727 = vector.broadcast %add3A_1726 : f32 to vector<16xf32>
        %add3A_1728 = arith.addf %add3A_1727, %mul3A_1725 : vector<16xf32>
        %sub3A_1729 = vector.broadcast %squeeze3A_90 : f32 to vector<16xf32>
        %sub3A_1730 = arith.subf %mul3A_1709, %sub3A_1729 : vector<16xf32>
        %mul3A_1731 = arith.mulf %sub3A_1730, %sub3A_1730 : vector<16xf32>
        %mul3A_1732 = arith.mulf %mul3A_1731, %mul3A_1731 : vector<16xf32>
        %mul3A_1733 = arith.mulf %mul3A_1732, %mul3A_1732 : vector<16xf32>
        %mul3A_1734 = arith.mulf %mul3A_1733, %mul3A_1733 : vector<16xf32>
        %mul3A_1735 = arith.mulf %mul3A_1734, %mul3A_1732 : vector<16xf32>
        %add3A_1736 = arith.constant 1.000000e+00 : f32
        %add3A_1737 = vector.broadcast %add3A_1736 : f32 to vector<16xf32>
        %add3A_1738 = arith.addf %add3A_1737, %mul3A_1735 : vector<16xf32>
        %div3A_1739 = arith.constant 1.000000e+00 : f32
        %div3A_1740 = vector.broadcast %div3A_1739 : f32 to vector<16xf32>
        %div3A_1741 = arith.divf %div3A_1740, %add3A_1738 : vector<16xf32>
        %mul3A_1742 = vector.broadcast %squeeze3A_69 : f32 to vector<16xf32>
        %mul3A_1743 = arith.mulf %mul3A_1742, %exp3A_1715 : vector<16xf32>
        %div3A_1744 = arith.divf %mul3A_1743, %add3A_1728 : vector<16xf32>
        %mul3A_1745 = vector.broadcast %squeeze3A_76 : f32 to vector<16xf32>
        %mul3A_1746 = arith.mulf %mul3A_1745, %exp3A_1718 : vector<16xf32>
        %mul3A_1747 = arith.mulf %mul3A_1746, %div3A_1741 : vector<16xf32>
        %mul3A_1748 = vector.broadcast %squeeze3A_83 : f32 to vector<16xf32>
        %mul3A_1749 = arith.mulf %mul3A_1748, %div3A_1744 : vector<16xf32>
        %sub3A_1750 = arith.subf %mul3A_1747, %mul3A_1749 : vector<16xf32>
        %mul3A_1751 = arith.mulf %mul3A_1707, %get3A_1127 : vector<16xf32>
        %sub3A_1752 = arith.constant 1.000000e+00 : f32
        %sub3A_1753 = vector.broadcast %sub3A_1752 : f32 to vector<16xf32>
        %sub3A_1754 = arith.subf %sub3A_1753, %mul3A_1751 : vector<16xf32>
        %mul3A_1755 = arith.mulf %sub3A_1754, %get3A_1132 : vector<16xf32>
        %exp3A_1756 = math.exp %mul3A_1755 : vector<16xf32>
        %mul3A_1757 = arith.mulf %sub3A_1754, %get3A_1137 : vector<16xf32>
        %exp3A_1758 = math.exp %mul3A_1757 : vector<16xf32>
        %sub3A_1759 = arith.subf %mul3A_1751, %get3A_1162 : vector<16xf32>
        %mul3A_1760 = arith.mulf %sub3A_1759, %sub3A_1759 : vector<16xf32>
        %mul3A_1761 = arith.mulf %mul3A_1760, %mul3A_1760 : vector<16xf32>
        %mul3A_1762 = arith.mulf %mul3A_1761, %mul3A_1761 : vector<16xf32>
        %mul3A_1763 = arith.mulf %mul3A_1762, %mul3A_1762 : vector<16xf32>
        %mul3A_1764 = arith.mulf %mul3A_1763, %mul3A_1761 : vector<16xf32>
        %add3A_1765 = arith.constant 1.000000e+00 : f32
        %add3A_1766 = vector.broadcast %add3A_1765 : f32 to vector<16xf32>
        %add3A_1767 = arith.addf %add3A_1766, %mul3A_1764 : vector<16xf32>
        %sub3A_1768 = arith.subf %mul3A_1751, %get3A_1157 : vector<16xf32>
        %mul3A_1769 = arith.mulf %sub3A_1768, %sub3A_1768 : vector<16xf32>
        %mul3A_1770 = arith.mulf %mul3A_1769, %mul3A_1769 : vector<16xf32>
        %mul3A_1771 = arith.mulf %mul3A_1770, %mul3A_1770 : vector<16xf32>
        %mul3A_1772 = arith.mulf %mul3A_1771, %mul3A_1771 : vector<16xf32>
        %mul3A_1773 = arith.mulf %mul3A_1772, %mul3A_1770 : vector<16xf32>
        %add3A_1774 = arith.constant 1.000000e+00 : f32
        %add3A_1775 = vector.broadcast %add3A_1774 : f32 to vector<16xf32>
        %add3A_1776 = arith.addf %add3A_1775, %mul3A_1773 : vector<16xf32>
        %div3A_1777 = arith.constant 1.000000e+00 : f32
        %div3A_1778 = vector.broadcast %div3A_1777 : f32 to vector<16xf32>
        %div3A_1779 = arith.divf %div3A_1778, %add3A_1776 : vector<16xf32>
        %mul3A_1780 = arith.mulf %get3A_1142, %exp3A_1756 : vector<16xf32>
        %div3A_1781 = arith.divf %mul3A_1780, %add3A_1767 : vector<16xf32>
        %mul3A_1782 = arith.mulf %get3A_1147, %exp3A_1758 : vector<16xf32>
        %mul3A_1783 = arith.mulf %mul3A_1782, %div3A_1779 : vector<16xf32>
        %mul3A_1784 = arith.mulf %get3A_1152, %div3A_1781 : vector<16xf32>
        %sub3A_1785 = arith.subf %mul3A_1783, %mul3A_1784 : vector<16xf32>
        %div3A_1786 = arith.divf %div3A_1781, %div3A_1744 : vector<16xf32>
        %mul3A_1787 = arith.mulf %div3A_1786, %sub3A_1750 : vector<16xf32>
        %div3A_1788 = arith.divf %div3A_1744, %div3A_1781 : vector<16xf32>
        %mul3A_1789 = arith.mulf %div3A_1788, %sub3A_1785 : vector<16xf32>
        %add3A_1790 = arith.addf %mul3A_1787, %mul3A_1789 : vector<16xf32>
        %le3A_1791 = arith.constant 5.000000e+00 : f32
        %le3A_1792 = vector.broadcast %le3A_1791 : f32 to vector<16xf32>
        %le3A_1793 = arith.cmpf ole, %mul3A_1707, %le3A_1792 : vector<16xf32>
        %jit3A_1794 = arith.constant 0.000000e+00 : f32
        %broadcast_in_dim3A_1795 = vector.broadcast %jit3A_1794 : f32 to vector<16xf32>
        %select_n3A_1796 = arith.select %le3A_1793, %add3A_1790, %broadcast_in_dim3A_1795 : vector<16xi1>, vector<16xf32>
        %sub3A_1797 = vector.broadcast %squeeze3A : f32 to vector<16xf32>
        %sub3A_1798 = arith.subf %get3A_1169, %sub3A_1797 : vector<16xf32>
        %sub3A_1799 = vector.broadcast %squeeze3A_34 : f32 to vector<16xf32>
        %sub3A_1800 = arith.subf %get3A_1174, %sub3A_1799 : vector<16xf32>
        %sub3A_1801 = vector.broadcast %squeeze3A_41 : f32 to vector<16xf32>
        %sub3A_1802 = arith.subf %get3A_1179, %sub3A_1801 : vector<16xf32>
        %mul3A_1803 = arith.mulf %sub3A_1798, %sub3A_1798 : vector<16xf32>
        %mul3A_1804 = arith.mulf %sub3A_1800, %sub3A_1800 : vector<16xf32>
        %add3A_1805 = arith.addf %mul3A_1803, %mul3A_1804 : vector<16xf32>
        %mul3A_1806 = arith.mulf %sub3A_1802, %sub3A_1802 : vector<16xf32>
        %add3A_1807 = arith.addf %add3A_1805, %mul3A_1806 : vector<16xf32>
        %bitcast_convert_type3A_1808 = tpu.bitcast %add3A_1807 : vector<16xf32> -> vector<16xi32>
        %shift_right_logical3A_1809 = arith.constant 1 : i32
        %shift_right_logical3A_1810 = vector.broadcast %shift_right_logical3A_1809 : i32 to vector<16xi32>
        %shift_right_logical3A_1811 = arith.shrui %bitcast_convert_type3A_1808, %shift_right_logical3A_1810 : vector<16xi32>
        %sub3A_1812 = arith.constant 1597463007 : i32
        %sub3A_1813 = vector.broadcast %sub3A_1812 : i32 to vector<16xi32>
        %sub3A_1814 = arith.subi %sub3A_1813, %shift_right_logical3A_1811 : vector<16xi32>
        %bitcast_convert_type3A_1815 = tpu.bitcast %sub3A_1814 : vector<16xi32> -> vector<16xf32>
        %mul3A_1816 = arith.constant -5.000000e-01 : f32
        %mul3A_1817 = vector.broadcast %mul3A_1816 : f32 to vector<16xf32>
        %mul3A_1818 = arith.mulf %mul3A_1817, %add3A_1807 : vector<16xf32>
        %mul3A_1819 = arith.mulf %mul3A_1818, %bitcast_convert_type3A_1815 : vector<16xf32>
        %mul3A_1820 = arith.mulf %mul3A_1819, %bitcast_convert_type3A_1815 : vector<16xf32>
        %add3A_1821 = arith.constant 1.500000e+00 : f32
        %add3A_1822 = vector.broadcast %add3A_1821 : f32 to vector<16xf32>
        %add3A_1823 = arith.addf %add3A_1822, %mul3A_1820 : vector<16xf32>
        %mul3A_1824 = arith.mulf %bitcast_convert_type3A_1815, %add3A_1823 : vector<16xf32>
        %mul3A_1825 = arith.mulf %mul3A_1818, %mul3A_1824 : vector<16xf32>
        %mul3A_1826 = arith.mulf %mul3A_1825, %mul3A_1824 : vector<16xf32>
        %add3A_1827 = arith.constant 1.500000e+00 : f32
        %add3A_1828 = vector.broadcast %add3A_1827 : f32 to vector<16xf32>
        %add3A_1829 = arith.addf %add3A_1828, %mul3A_1826 : vector<16xf32>
        %mul3A_1830 = arith.mulf %mul3A_1824, %add3A_1829 : vector<16xf32>
        %mul3A_1831 = arith.mulf %mul3A_1818, %mul3A_1830 : vector<16xf32>
        %mul3A_1832 = arith.mulf %mul3A_1831, %mul3A_1830 : vector<16xf32>
        %add3A_1833 = arith.constant 1.500000e+00 : f32
        %add3A_1834 = vector.broadcast %add3A_1833 : f32 to vector<16xf32>
        %add3A_1835 = arith.addf %add3A_1834, %mul3A_1832 : vector<16xf32>
        %mul3A_1836 = arith.mulf %mul3A_1830, %add3A_1835 : vector<16xf32>
        %mul3A_1837 = arith.mulf %add3A_1807, %mul3A_1836 : vector<16xf32>
        %mul3A_1838 = vector.broadcast %squeeze3A_48 : f32 to vector<16xf32>
        %mul3A_1839 = arith.mulf %mul3A_1837, %mul3A_1838 : vector<16xf32>
        %sub3A_1840 = arith.constant 1.000000e+00 : f32
        %sub3A_1841 = vector.broadcast %sub3A_1840 : f32 to vector<16xf32>
        %sub3A_1842 = arith.subf %sub3A_1841, %mul3A_1839 : vector<16xf32>
        %mul3A_1843 = vector.broadcast %squeeze3A_55 : f32 to vector<16xf32>
        %mul3A_1844 = arith.mulf %sub3A_1842, %mul3A_1843 : vector<16xf32>
        %exp3A_1845 = math.exp %mul3A_1844 : vector<16xf32>
        %mul3A_1846 = vector.broadcast %squeeze3A_62 : f32 to vector<16xf32>
        %mul3A_1847 = arith.mulf %sub3A_1842, %mul3A_1846 : vector<16xf32>
        %exp3A_1848 = math.exp %mul3A_1847 : vector<16xf32>
        %sub3A_1849 = vector.broadcast %squeeze3A_97 : f32 to vector<16xf32>
        %sub3A_1850 = arith.subf %mul3A_1839, %sub3A_1849 : vector<16xf32>
        %mul3A_1851 = arith.mulf %sub3A_1850, %sub3A_1850 : vector<16xf32>
        %mul3A_1852 = arith.mulf %mul3A_1851, %mul3A_1851 : vector<16xf32>
        %mul3A_1853 = arith.mulf %mul3A_1852, %mul3A_1852 : vector<16xf32>
        %mul3A_1854 = arith.mulf %mul3A_1853, %mul3A_1853 : vector<16xf32>
        %mul3A_1855 = arith.mulf %mul3A_1854, %mul3A_1852 : vector<16xf32>
        %add3A_1856 = arith.constant 1.000000e+00 : f32
        %add3A_1857 = vector.broadcast %add3A_1856 : f32 to vector<16xf32>
        %add3A_1858 = arith.addf %add3A_1857, %mul3A_1855 : vector<16xf32>
        %sub3A_1859 = vector.broadcast %squeeze3A_90 : f32 to vector<16xf32>
        %sub3A_1860 = arith.subf %mul3A_1839, %sub3A_1859 : vector<16xf32>
        %mul3A_1861 = arith.mulf %sub3A_1860, %sub3A_1860 : vector<16xf32>
        %mul3A_1862 = arith.mulf %mul3A_1861, %mul3A_1861 : vector<16xf32>
        %mul3A_1863 = arith.mulf %mul3A_1862, %mul3A_1862 : vector<16xf32>
        %mul3A_1864 = arith.mulf %mul3A_1863, %mul3A_1863 : vector<16xf32>
        %mul3A_1865 = arith.mulf %mul3A_1864, %mul3A_1862 : vector<16xf32>
        %add3A_1866 = arith.constant 1.000000e+00 : f32
        %add3A_1867 = vector.broadcast %add3A_1866 : f32 to vector<16xf32>
        %add3A_1868 = arith.addf %add3A_1867, %mul3A_1865 : vector<16xf32>
        %div3A_1869 = arith.constant 1.000000e+00 : f32
        %div3A_1870 = vector.broadcast %div3A_1869 : f32 to vector<16xf32>
        %div3A_1871 = arith.divf %div3A_1870, %add3A_1868 : vector<16xf32>
        %mul3A_1872 = vector.broadcast %squeeze3A_69 : f32 to vector<16xf32>
        %mul3A_1873 = arith.mulf %mul3A_1872, %exp3A_1845 : vector<16xf32>
        %div3A_1874 = arith.divf %mul3A_1873, %add3A_1858 : vector<16xf32>
        %mul3A_1875 = vector.broadcast %squeeze3A_76 : f32 to vector<16xf32>
        %mul3A_1876 = arith.mulf %mul3A_1875, %exp3A_1848 : vector<16xf32>
        %mul3A_1877 = arith.mulf %mul3A_1876, %div3A_1871 : vector<16xf32>
        %mul3A_1878 = vector.broadcast %squeeze3A_83 : f32 to vector<16xf32>
        %mul3A_1879 = arith.mulf %mul3A_1878, %div3A_1874 : vector<16xf32>
        %sub3A_1880 = arith.subf %mul3A_1877, %mul3A_1879 : vector<16xf32>
        %mul3A_1881 = arith.mulf %mul3A_1837, %get3A_1184 : vector<16xf32>
        %sub3A_1882 = arith.constant 1.000000e+00 : f32
        %sub3A_1883 = vector.broadcast %sub3A_1882 : f32 to vector<16xf32>
        %sub3A_1884 = arith.subf %sub3A_1883, %mul3A_1881 : vector<16xf32>
        %mul3A_1885 = arith.mulf %sub3A_1884, %get3A_1189 : vector<16xf32>
        %exp3A_1886 = math.exp %mul3A_1885 : vector<16xf32>
        %mul3A_1887 = arith.mulf %sub3A_1884, %get3A_1194 : vector<16xf32>
        %exp3A_1888 = math.exp %mul3A_1887 : vector<16xf32>
        %sub3A_1889 = arith.subf %mul3A_1881, %get3A_1219 : vector<16xf32>
        %mul3A_1890 = arith.mulf %sub3A_1889, %sub3A_1889 : vector<16xf32>
        %mul3A_1891 = arith.mulf %mul3A_1890, %mul3A_1890 : vector<16xf32>
        %mul3A_1892 = arith.mulf %mul3A_1891, %mul3A_1891 : vector<16xf32>
        %mul3A_1893 = arith.mulf %mul3A_1892, %mul3A_1892 : vector<16xf32>
        %mul3A_1894 = arith.mulf %mul3A_1893, %mul3A_1891 : vector<16xf32>
        %add3A_1895 = arith.constant 1.000000e+00 : f32
        %add3A_1896 = vector.broadcast %add3A_1895 : f32 to vector<16xf32>
        %add3A_1897 = arith.addf %add3A_1896, %mul3A_1894 : vector<16xf32>
        %sub3A_1898 = arith.subf %mul3A_1881, %get3A_1214 : vector<16xf32>
        %mul3A_1899 = arith.mulf %sub3A_1898, %sub3A_1898 : vector<16xf32>
        %mul3A_1900 = arith.mulf %mul3A_1899, %mul3A_1899 : vector<16xf32>
        %mul3A_1901 = arith.mulf %mul3A_1900, %mul3A_1900 : vector<16xf32>
        %mul3A_1902 = arith.mulf %mul3A_1901, %mul3A_1901 : vector<16xf32>
        %mul3A_1903 = arith.mulf %mul3A_1902, %mul3A_1900 : vector<16xf32>
        %add3A_1904 = arith.constant 1.000000e+00 : f32
        %add3A_1905 = vector.broadcast %add3A_1904 : f32 to vector<16xf32>
        %add3A_1906 = arith.addf %add3A_1905, %mul3A_1903 : vector<16xf32>
        %div3A_1907 = arith.constant 1.000000e+00 : f32
        %div3A_1908 = vector.broadcast %div3A_1907 : f32 to vector<16xf32>
        %div3A_1909 = arith.divf %div3A_1908, %add3A_1906 : vector<16xf32>
        %mul3A_1910 = arith.mulf %get3A_1199, %exp3A_1886 : vector<16xf32>
        %div3A_1911 = arith.divf %mul3A_1910, %add3A_1897 : vector<16xf32>
        %mul3A_1912 = arith.mulf %get3A_1204, %exp3A_1888 : vector<16xf32>
        %mul3A_1913 = arith.mulf %mul3A_1912, %div3A_1909 : vector<16xf32>
        %mul3A_1914 = arith.mulf %get3A_1209, %div3A_1911 : vector<16xf32>
        %sub3A_1915 = arith.subf %mul3A_1913, %mul3A_1914 : vector<16xf32>
        %div3A_1916 = arith.divf %div3A_1911, %div3A_1874 : vector<16xf32>
        %mul3A_1917 = arith.mulf %div3A_1916, %sub3A_1880 : vector<16xf32>
        %div3A_1918 = arith.divf %div3A_1874, %div3A_1911 : vector<16xf32>
        %mul3A_1919 = arith.mulf %div3A_1918, %sub3A_1915 : vector<16xf32>
        %add3A_1920 = arith.addf %mul3A_1917, %mul3A_1919 : vector<16xf32>
        %le3A_1921 = arith.constant 5.000000e+00 : f32
        %le3A_1922 = vector.broadcast %le3A_1921 : f32 to vector<16xf32>
        %le3A_1923 = arith.cmpf ole, %mul3A_1837, %le3A_1922 : vector<16xf32>
        %jit3A_1924 = arith.constant 0.000000e+00 : f32
        %broadcast_in_dim3A_1925 = vector.broadcast %jit3A_1924 : f32 to vector<16xf32>
        %select_n3A_1926 = arith.select %le3A_1923, %add3A_1920, %broadcast_in_dim3A_1925 : vector<16xi1>, vector<16xf32>
        %sub3A_1927 = vector.broadcast %squeeze3A : f32 to vector<16xf32>
        %sub3A_1928 = arith.subf %get3A_1226, %sub3A_1927 : vector<16xf32>
        %sub3A_1929 = vector.broadcast %squeeze3A_34 : f32 to vector<16xf32>
        %sub3A_1930 = arith.subf %get3A_1231, %sub3A_1929 : vector<16xf32>
        %sub3A_1931 = vector.broadcast %squeeze3A_41 : f32 to vector<16xf32>
        %sub3A_1932 = arith.subf %get3A_1236, %sub3A_1931 : vector<16xf32>
        %mul3A_1933 = arith.mulf %sub3A_1928, %sub3A_1928 : vector<16xf32>
        %mul3A_1934 = arith.mulf %sub3A_1930, %sub3A_1930 : vector<16xf32>
        %add3A_1935 = arith.addf %mul3A_1933, %mul3A_1934 : vector<16xf32>
        %mul3A_1936 = arith.mulf %sub3A_1932, %sub3A_1932 : vector<16xf32>
        %add3A_1937 = arith.addf %add3A_1935, %mul3A_1936 : vector<16xf32>
        %bitcast_convert_type3A_1938 = tpu.bitcast %add3A_1937 : vector<16xf32> -> vector<16xi32>
        %shift_right_logical3A_1939 = arith.constant 1 : i32
        %shift_right_logical3A_1940 = vector.broadcast %shift_right_logical3A_1939 : i32 to vector<16xi32>
        %shift_right_logical3A_1941 = arith.shrui %bitcast_convert_type3A_1938, %shift_right_logical3A_1940 : vector<16xi32>
        %sub3A_1942 = arith.constant 1597463007 : i32
        %sub3A_1943 = vector.broadcast %sub3A_1942 : i32 to vector<16xi32>
        %sub3A_1944 = arith.subi %sub3A_1943, %shift_right_logical3A_1941 : vector<16xi32>
        %bitcast_convert_type3A_1945 = tpu.bitcast %sub3A_1944 : vector<16xi32> -> vector<16xf32>
        %mul3A_1946 = arith.constant -5.000000e-01 : f32
        %mul3A_1947 = vector.broadcast %mul3A_1946 : f32 to vector<16xf32>
        %mul3A_1948 = arith.mulf %mul3A_1947, %add3A_1937 : vector<16xf32>
        %mul3A_1949 = arith.mulf %mul3A_1948, %bitcast_convert_type3A_1945 : vector<16xf32>
        %mul3A_1950 = arith.mulf %mul3A_1949, %bitcast_convert_type3A_1945 : vector<16xf32>
        %add3A_1951 = arith.constant 1.500000e+00 : f32
        %add3A_1952 = vector.broadcast %add3A_1951 : f32 to vector<16xf32>
        %add3A_1953 = arith.addf %add3A_1952, %mul3A_1950 : vector<16xf32>
        %mul3A_1954 = arith.mulf %bitcast_convert_type3A_1945, %add3A_1953 : vector<16xf32>
        %mul3A_1955 = arith.mulf %mul3A_1948, %mul3A_1954 : vector<16xf32>
        %mul3A_1956 = arith.mulf %mul3A_1955, %mul3A_1954 : vector<16xf32>
        %add3A_1957 = arith.constant 1.500000e+00 : f32
        %add3A_1958 = vector.broadcast %add3A_1957 : f32 to vector<16xf32>
        %add3A_1959 = arith.addf %add3A_1958, %mul3A_1956 : vector<16xf32>
        %mul3A_1960 = arith.mulf %mul3A_1954, %add3A_1959 : vector<16xf32>
        %mul3A_1961 = arith.mulf %mul3A_1948, %mul3A_1960 : vector<16xf32>
        %mul3A_1962 = arith.mulf %mul3A_1961, %mul3A_1960 : vector<16xf32>
        %add3A_1963 = arith.constant 1.500000e+00 : f32
        %add3A_1964 = vector.broadcast %add3A_1963 : f32 to vector<16xf32>
        %add3A_1965 = arith.addf %add3A_1964, %mul3A_1962 : vector<16xf32>
        %mul3A_1966 = arith.mulf %mul3A_1960, %add3A_1965 : vector<16xf32>
        %mul3A_1967 = arith.mulf %add3A_1937, %mul3A_1966 : vector<16xf32>
        %mul3A_1968 = vector.broadcast %squeeze3A_48 : f32 to vector<16xf32>
        %mul3A_1969 = arith.mulf %mul3A_1967, %mul3A_1968 : vector<16xf32>
        %sub3A_1970 = arith.constant 1.000000e+00 : f32
        %sub3A_1971 = vector.broadcast %sub3A_1970 : f32 to vector<16xf32>
        %sub3A_1972 = arith.subf %sub3A_1971, %mul3A_1969 : vector<16xf32>
        %mul3A_1973 = vector.broadcast %squeeze3A_55 : f32 to vector<16xf32>
        %mul3A_1974 = arith.mulf %sub3A_1972, %mul3A_1973 : vector<16xf32>
        %exp3A_1975 = math.exp %mul3A_1974 : vector<16xf32>
        %mul3A_1976 = vector.broadcast %squeeze3A_62 : f32 to vector<16xf32>
        %mul3A_1977 = arith.mulf %sub3A_1972, %mul3A_1976 : vector<16xf32>
        %exp3A_1978 = math.exp %mul3A_1977 : vector<16xf32>
        %sub3A_1979 = vector.broadcast %squeeze3A_97 : f32 to vector<16xf32>
        %sub3A_1980 = arith.subf %mul3A_1969, %sub3A_1979 : vector<16xf32>
        %mul3A_1981 = arith.mulf %sub3A_1980, %sub3A_1980 : vector<16xf32>
        %mul3A_1982 = arith.mulf %mul3A_1981, %mul3A_1981 : vector<16xf32>
        %mul3A_1983 = arith.mulf %mul3A_1982, %mul3A_1982 : vector<16xf32>
        %mul3A_1984 = arith.mulf %mul3A_1983, %mul3A_1983 : vector<16xf32>
        %mul3A_1985 = arith.mulf %mul3A_1984, %mul3A_1982 : vector<16xf32>
        %add3A_1986 = arith.constant 1.000000e+00 : f32
        %add3A_1987 = vector.broadcast %add3A_1986 : f32 to vector<16xf32>
        %add3A_1988 = arith.addf %add3A_1987, %mul3A_1985 : vector<16xf32>
        %sub3A_1989 = vector.broadcast %squeeze3A_90 : f32 to vector<16xf32>
        %sub3A_1990 = arith.subf %mul3A_1969, %sub3A_1989 : vector<16xf32>
        %mul3A_1991 = arith.mulf %sub3A_1990, %sub3A_1990 : vector<16xf32>
        %mul3A_1992 = arith.mulf %mul3A_1991, %mul3A_1991 : vector<16xf32>
        %mul3A_1993 = arith.mulf %mul3A_1992, %mul3A_1992 : vector<16xf32>
        %mul3A_1994 = arith.mulf %mul3A_1993, %mul3A_1993 : vector<16xf32>
        %mul3A_1995 = arith.mulf %mul3A_1994, %mul3A_1992 : vector<16xf32>
        %add3A_1996 = arith.constant 1.000000e+00 : f32
        %add3A_1997 = vector.broadcast %add3A_1996 : f32 to vector<16xf32>
        %add3A_1998 = arith.addf %add3A_1997, %mul3A_1995 : vector<16xf32>
        %div3A_1999 = arith.constant 1.000000e+00 : f32
        %div3A_2000 = vector.broadcast %div3A_1999 : f32 to vector<16xf32>
        %div3A_2001 = arith.divf %div3A_2000, %add3A_1998 : vector<16xf32>
        %mul3A_2002 = vector.broadcast %squeeze3A_69 : f32 to vector<16xf32>
        %mul3A_2003 = arith.mulf %mul3A_2002, %exp3A_1975 : vector<16xf32>
        %div3A_2004 = arith.divf %mul3A_2003, %add3A_1988 : vector<16xf32>
        %mul3A_2005 = vector.broadcast %squeeze3A_76 : f32 to vector<16xf32>
        %mul3A_2006 = arith.mulf %mul3A_2005, %exp3A_1978 : vector<16xf32>
        %mul3A_2007 = arith.mulf %mul3A_2006, %div3A_2001 : vector<16xf32>
        %mul3A_2008 = vector.broadcast %squeeze3A_83 : f32 to vector<16xf32>
        %mul3A_2009 = arith.mulf %mul3A_2008, %div3A_2004 : vector<16xf32>
        %sub3A_2010 = arith.subf %mul3A_2007, %mul3A_2009 : vector<16xf32>
        %mul3A_2011 = arith.mulf %mul3A_1967, %get3A_1241 : vector<16xf32>
        %sub3A_2012 = arith.constant 1.000000e+00 : f32
        %sub3A_2013 = vector.broadcast %sub3A_2012 : f32 to vector<16xf32>
        %sub3A_2014 = arith.subf %sub3A_2013, %mul3A_2011 : vector<16xf32>
        %mul3A_2015 = arith.mulf %sub3A_2014, %get3A_1246 : vector<16xf32>
        %exp3A_2016 = math.exp %mul3A_2015 : vector<16xf32>
        %mul3A_2017 = arith.mulf %sub3A_2014, %get3A_1251 : vector<16xf32>
        %exp3A_2018 = math.exp %mul3A_2017 : vector<16xf32>
        %sub3A_2019 = arith.subf %mul3A_2011, %get3A_1276 : vector<16xf32>
        %mul3A_2020 = arith.mulf %sub3A_2019, %sub3A_2019 : vector<16xf32>
        %mul3A_2021 = arith.mulf %mul3A_2020, %mul3A_2020 : vector<16xf32>
        %mul3A_2022 = arith.mulf %mul3A_2021, %mul3A_2021 : vector<16xf32>
        %mul3A_2023 = arith.mulf %mul3A_2022, %mul3A_2022 : vector<16xf32>
        %mul3A_2024 = arith.mulf %mul3A_2023, %mul3A_2021 : vector<16xf32>
        %add3A_2025 = arith.constant 1.000000e+00 : f32
        %add3A_2026 = vector.broadcast %add3A_2025 : f32 to vector<16xf32>
        %add3A_2027 = arith.addf %add3A_2026, %mul3A_2024 : vector<16xf32>
        %sub3A_2028 = arith.subf %mul3A_2011, %get3A_1271 : vector<16xf32>
        %mul3A_2029 = arith.mulf %sub3A_2028, %sub3A_2028 : vector<16xf32>
        %mul3A_2030 = arith.mulf %mul3A_2029, %mul3A_2029 : vector<16xf32>
        %mul3A_2031 = arith.mulf %mul3A_2030, %mul3A_2030 : vector<16xf32>
        %mul3A_2032 = arith.mulf %mul3A_2031, %mul3A_2031 : vector<16xf32>
        %mul3A_2033 = arith.mulf %mul3A_2032, %mul3A_2030 : vector<16xf32>
        %add3A_2034 = arith.constant 1.000000e+00 : f32
        %add3A_2035 = vector.broadcast %add3A_2034 : f32 to vector<16xf32>
        %add3A_2036 = arith.addf %add3A_2035, %mul3A_2033 : vector<16xf32>
        %div3A_2037 = arith.constant 1.000000e+00 : f32
        %div3A_2038 = vector.broadcast %div3A_2037 : f32 to vector<16xf32>
        %div3A_2039 = arith.divf %div3A_2038, %add3A_2036 : vector<16xf32>
        %mul3A_2040 = arith.mulf %get3A_1256, %exp3A_2016 : vector<16xf32>
        %div3A_2041 = arith.divf %mul3A_2040, %add3A_2027 : vector<16xf32>
        %mul3A_2042 = arith.mulf %get3A_1261, %exp3A_2018 : vector<16xf32>
        %mul3A_2043 = arith.mulf %mul3A_2042, %div3A_2039 : vector<16xf32>
        %mul3A_2044 = arith.mulf %get3A_1266, %div3A_2041 : vector<16xf32>
        %sub3A_2045 = arith.subf %mul3A_2043, %mul3A_2044 : vector<16xf32>
        %div3A_2046 = arith.divf %div3A_2041, %div3A_2004 : vector<16xf32>
        %mul3A_2047 = arith.mulf %div3A_2046, %sub3A_2010 : vector<16xf32>
        %div3A_2048 = arith.divf %div3A_2004, %div3A_2041 : vector<16xf32>
        %mul3A_2049 = arith.mulf %div3A_2048, %sub3A_2045 : vector<16xf32>
        %add3A_2050 = arith.addf %mul3A_2047, %mul3A_2049 : vector<16xf32>
        %le3A_2051 = arith.constant 5.000000e+00 : f32
        %le3A_2052 = vector.broadcast %le3A_2051 : f32 to vector<16xf32>
        %le3A_2053 = arith.cmpf ole, %mul3A_1967, %le3A_2052 : vector<16xf32>
        %jit3A_2054 = arith.constant 0.000000e+00 : f32
        %broadcast_in_dim3A_2055 = vector.broadcast %jit3A_2054 : f32 to vector<16xf32>
        %select_n3A_2056 = arith.select %le3A_2053, %add3A_2050, %broadcast_in_dim3A_2055 : vector<16xi1>, vector<16xf32>
        %add3A_2057 = arith.addf %scan3A_928, %select_n3A_1406 : vector<16xf32>
        %add3A_2058 = arith.addf %scan3A_929, %div3A_1391 : vector<16xf32>
        %add3A_2059 = arith.addf %add3A_2057, %select_n3A_1536 : vector<16xf32>
        %add3A_2060 = arith.addf %add3A_2058, %div3A_1521 : vector<16xf32>
        %add3A_2061 = arith.addf %add3A_2059, %select_n3A_1666 : vector<16xf32>
        %add3A_2062 = arith.addf %add3A_2060, %div3A_1651 : vector<16xf32>
        %add3A_2063 = arith.addf %add3A_2061, %select_n3A_1796 : vector<16xf32>
        %add3A_2064 = arith.addf %add3A_2062, %div3A_1781 : vector<16xf32>
        %add3A_2065 = arith.addf %add3A_2063, %select_n3A_1926 : vector<16xf32>
        %add3A_2066 = arith.addf %add3A_2064, %div3A_1911 : vector<16xf32>
        %add3A_2067 = arith.addf %add3A_2065, %select_n3A_2056 : vector<16xf32>
        %add3A_2068 = arith.addf %add3A_2066, %div3A_2041 : vector<16xf32>
        %add3A_2069 = arith.constant 0 : i32
        %add3A_2070 = arith.addi %add3A_934, %add3A_2069 : i32
        %swap3A_2071 = arith.index_cast %add3A_2070 : i32 to index
        %swap3A_2072 = tpu.vector_load %arg8[%swap3A_2071] {strides = array<i32>} : memref<4096xf32, #tpu.memory_space<vmem>>, vector<16xf32>,
        %swap3A_2073 = vector.shape_cast %swap3A_2072 : vector<16xf32> to vector<16xf32>
        %swap3A_2074 = vector.shape_cast %div3A_1354 : vector<16xf32> to vector<16xf32>
        tpu.vector_store %arg8[%swap3A_2071], %swap3A_2074 {add = true, strides = array<i32>} : memref<4096xf32, #tpu.memory_space<vmem>>, vector<16xf32>,
        %add3A_2075 = arith.constant 16 : i32
        %add3A_2076 = arith.addi %add3A_934, %add3A_2075 : i32
        %swap3A_2077 = arith.index_cast %add3A_2076 : i32 to index
        %swap3A_2078 = tpu.vector_load %arg8[%swap3A_2077] {strides = array<i32>} : memref<4096xf32, #tpu.memory_space<vmem>>, vector<16xf32>,
        %swap3A_2079 = vector.shape_cast %swap3A_2078 : vector<16xf32> to vector<16xf32>
        %swap3A_2080 = vector.shape_cast %div3A_1484 : vector<16xf32> to vector<16xf32>
        tpu.vector_store %arg8[%swap3A_2077], %swap3A_2080 {add = true, strides = array<i32>} : memref<4096xf32, #tpu.memory_space<vmem>>, vector<16xf32>,
        %add3A_2081 = arith.constant 32 : i32
        %add3A_2082 = arith.addi %add3A_934, %add3A_2081 : i32
        %swap3A_2083 = arith.index_cast %add3A_2082 : i32 to index
        %swap3A_2084 = tpu.vector_load %arg8[%swap3A_2083] {strides = array<i32>} : memref<4096xf32, #tpu.memory_space<vmem>>, vector<16xf32>,
        %swap3A_2085 = vector.shape_cast %swap3A_2084 : vector<16xf32> to vector<16xf32>
        %swap3A_2086 = vector.shape_cast %div3A_1614 : vector<16xf32> to vector<16xf32>
        tpu.vector_store %arg8[%swap3A_2083], %swap3A_2086 {add = true, strides = array<i32>} : memref<4096xf32, #tpu.memory_space<vmem>>, vector<16xf32>,
        %add3A_2087 = arith.constant 48 : i32
        %add3A_2088 = arith.addi %add3A_934, %add3A_2087 : i32
        %swap3A_2089 = arith.index_cast %add3A_2088 : i32 to index
        %swap3A_2090 = tpu.vector_load %arg8[%swap3A_2089] {strides = array<i32>} : memref<4096xf32, #tpu.memory_space<vmem>>, vector<16xf32>,
        %swap3A_2091 = vector.shape_cast %swap3A_2090 : vector<16xf32> to vector<16xf32>
        %swap3A_2092 = vector.shape_cast %div3A_1744 : vector<16xf32> to vector<16xf32>
        tpu.vector_store %arg8[%swap3A_2089], %swap3A_2092 {add = true, strides = array<i32>} : memref<4096xf32, #tpu.memory_space<vmem>>, vector<16xf32>,
        %add3A_2093 = arith.constant 64 : i32
        %add3A_2094 = arith.addi %add3A_934, %add3A_2093 : i32
        %swap3A_2095 = arith.index_cast %add3A_2094 : i32 to index
        %swap3A_2096 = tpu.vector_load %arg8[%swap3A_2095] {strides = array<i32>} : memref<4096xf32, #tpu.memory_space<vmem>>, vector<16xf32>,
        %swap3A_2097 = vector.shape_cast %swap3A_2096 : vector<16xf32> to vector<16xf32>
        %swap3A_2098 = vector.shape_cast %div3A_1874 : vector<16xf32> to vector<16xf32>
        tpu.vector_store %arg8[%swap3A_2095], %swap3A_2098 {add = true, strides = array<i32>} : memref<4096xf32, #tpu.memory_space<vmem>>, vector<16xf32>,
        %add3A_2099 = arith.constant 80 : i32
        %add3A_2100 = arith.addi %add3A_934, %add3A_2099 : i32
        %swap3A_2101 = arith.index_cast %add3A_2100 : i32 to index
        %swap3A_2102 = tpu.vector_load %arg8[%swap3A_2101] {strides = array<i32>} : memref<4096xf32, #tpu.memory_space<vmem>>, vector<16xf32>,
        %swap3A_2103 = vector.shape_cast %swap3A_2102 : vector<16xf32> to vector<16xf32>
        %swap3A_2104 = vector.shape_cast %div3A_2004 : vector<16xf32> to vector<16xf32>
        tpu.vector_store %arg8[%swap3A_2101], %swap3A_2104 {add = true, strides = array<i32>} : memref<4096xf32, #tpu.memory_space<vmem>>, vector<16xf32>,
        scf.yield %add3A_2067, %add3A_2068 : vector<16xf32>, vector<16xf32>
      }
      %scan3A_105 = arith.constant 10 : i32
      %add3A_106 = arith.constant 961 : i32
      %add3A_107 = arith.addi %add3A_23, %add3A_106 : i32
      %add3A_108 = arith.constant 0 : i32
      %add3A_109 = arith.addi %add3A_107, %add3A_108 : i32
      %add3A_110 = arith.constant 0 : i32
      %add3A_111 = arith.addi %add3A_110, %add3A_109 : i32
      %get3A_112 = arith.index_cast %add3A_111 : i32 to index
      %get3A_113 = tpu.vector_load %arg6[%get3A_112] {strides = array<i32>} : memref<33968xf32, #tpu.memory_space<vmem>>, vector<16xf32>,
      %get3A_114 = vector.shape_cast %get3A_113 : vector<16xf32> to vector<16xf32>
      %add3A_115 = arith.constant 3088 : i32
      %add3A_116 = arith.addi %add3A_115, %add3A_109 : i32
      %get3A_117 = arith.index_cast %add3A_116 : i32 to index
      %get3A_118 = tpu.vector_load %arg6[%get3A_117] {strides = array<i32>} : memref<33968xf32, #tpu.memory_space<vmem>>, vector<16xf32>,
      %get3A_119 = vector.shape_cast %get3A_118 : vector<16xf32> to vector<16xf32>
      %add3A_120 = arith.constant 6176 : i32
      %add3A_121 = arith.addi %add3A_120, %add3A_109 : i32
      %get3A_122 = arith.index_cast %add3A_121 : i32 to index
      %get3A_123 = tpu.vector_load %arg6[%get3A_122] {strides = array<i32>} : memref<33968xf32, #tpu.memory_space<vmem>>, vector<16xf32>,
      %get3A_124 = vector.shape_cast %get3A_123 : vector<16xf32> to vector<16xf32>
      %add3A_125 = arith.constant 9264 : i32
      %add3A_126 = arith.addi %add3A_125, %add3A_109 : i32
      %get3A_127 = arith.index_cast %add3A_126 : i32 to index
      %get3A_128 = tpu.vector_load %arg6[%get3A_127] {strides = array<i32>} : memref<33968xf32, #tpu.memory_space<vmem>>, vector<16xf32>,
      %get3A_129 = vector.shape_cast %get3A_128 : vector<16xf32> to vector<16xf32>
      %add3A_130 = arith.constant 12352 : i32
      %add3A_131 = arith.addi %add3A_130, %add3A_109 : i32
      %get3A_132 = arith.index_cast %add3A_131 : i32 to index
      %get3A_133 = tpu.vector_load %arg6[%get3A_132] {strides = array<i32>} : memref<33968xf32, #tpu.memory_space<vmem>>, vector<16xf32>,
      %get3A_134 = vector.shape_cast %get3A_133 : vector<16xf32> to vector<16xf32>
      %add3A_135 = arith.constant 15440 : i32
      %add3A_136 = arith.addi %add3A_135, %add3A_109 : i32
      %get3A_137 = arith.index_cast %add3A_136 : i32 to index
      %get3A_138 = tpu.vector_load %arg6[%get3A_137] {strides = array<i32>} : memref<33968xf32, #tpu.memory_space<vmem>>, vector<16xf32>,
      %get3A_139 = vector.shape_cast %get3A_138 : vector<16xf32> to vector<16xf32>
      %add3A_140 = arith.constant 18528 : i32
      %add3A_141 = arith.addi %add3A_140, %add3A_109 : i32
      %get3A_142 = arith.index_cast %add3A_141 : i32 to index
      %get3A_143 = tpu.vector_load %arg6[%get3A_142] {strides = array<i32>} : memref<33968xf32, #tpu.memory_space<vmem>>, vector<16xf32>,
      %get3A_144 = vector.shape_cast %get3A_143 : vector<16xf32> to vector<16xf32>
      %add3A_145 = arith.constant 21616 : i32
      %add3A_146 = arith.addi %add3A_145, %add3A_109 : i32
      %get3A_147 = arith.index_cast %add3A_146 : i32 to index
      %get3A_148 = tpu.vector_load %arg6[%get3A_147] {strides = array<i32>} : memref<33968xf32, #tpu.memory_space<vmem>>, vector<16xf32>,
      %get3A_149 = vector.shape_cast %get3A_148 : vector<16xf32> to vector<16xf32>
      %add3A_150 = arith.constant 24704 : i32
      %add3A_151 = arith.addi %add3A_150, %add3A_109 : i32
      %get3A_152 = arith.index_cast %add3A_151 : i32 to index
      %get3A_153 = tpu.vector_load %arg6[%get3A_152] {strides = array<i32>} : memref<33968xf32, #tpu.memory_space<vmem>>, vector<16xf32>,
      %get3A_154 = vector.shape_cast %get3A_153 : vector<16xf32> to vector<16xf32>
      %add3A_155 = arith.constant 27792 : i32
      %add3A_156 = arith.addi %add3A_155, %add3A_109 : i32
      %get3A_157 = arith.index_cast %add3A_156 : i32 to index
      %get3A_158 = tpu.vector_load %arg6[%get3A_157] {strides = array<i32>} : memref<33968xf32, #tpu.memory_space<vmem>>, vector<16xf32>,
      %get3A_159 = vector.shape_cast %get3A_158 : vector<16xf32> to vector<16xf32>
      %add3A_160 = arith.constant 30880 : i32
      %add3A_161 = arith.addi %add3A_160, %add3A_109 : i32
      %get3A_162 = arith.index_cast %add3A_161 : i32 to index
      %get3A_163 = tpu.vector_load %arg6[%get3A_162] {strides = array<i32>} : memref<33968xf32, #tpu.memory_space<vmem>>, vector<16xf32>,
      %get3A_164 = vector.shape_cast %get3A_163 : vector<16xf32> to vector<16xf32>
      %add3A_165 = arith.constant 16 : i32
      %add3A_166 = arith.addi %add3A_107, %add3A_165 : i32
      %add3A_167 = arith.constant 0 : i32
      %add3A_168 = arith.addi %add3A_167, %add3A_166 : i32
      %get3A_169 = arith.index_cast %add3A_168 : i32 to index
      %get3A_170 = tpu.vector_load %arg6[%get3A_169] {strides = array<i32>} : memref<33968xf32, #tpu.memory_space<vmem>>, vector<16xf32>,
      %get3A_171 = vector.shape_cast %get3A_170 : vector<16xf32> to vector<16xf32>
      %add3A_172 = arith.constant 3088 : i32
      %add3A_173 = arith.addi %add3A_172, %add3A_166 : i32
      %get3A_174 = arith.index_cast %add3A_173 : i32 to index
      %get3A_175 = tpu.vector_load %arg6[%get3A_174] {strides = array<i32>} : memref<33968xf32, #tpu.memory_space<vmem>>, vector<16xf32>,
      %get3A_176 = vector.shape_cast %get3A_175 : vector<16xf32> to vector<16xf32>
      %add3A_177 = arith.constant 6176 : i32
      %add3A_178 = arith.addi %add3A_177, %add3A_166 : i32
      %get3A_179 = arith.index_cast %add3A_178 : i32 to index
      %get3A_180 = tpu.vector_load %arg6[%get3A_179] {strides = array<i32>} : memref<33968xf32, #tpu.memory_space<vmem>>, vector<16xf32>,
      %get3A_181 = vector.shape_cast %get3A_180 : vector<16xf32> to vector<16xf32>
      %add3A_182 = arith.constant 9264 : i32
      %add3A_183 = arith.addi %add3A_182, %add3A_166 : i32
      %get3A_184 = arith.index_cast %add3A_183 : i32 to index
      %get3A_185 = tpu.vector_load %arg6[%get3A_184] {strides = array<i32>} : memref<33968xf32, #tpu.memory_space<vmem>>, vector<16xf32>,
      %get3A_186 = vector.shape_cast %get3A_185 : vector<16xf32> to vector<16xf32>
      %add3A_187 = arith.constant 12352 : i32
      %add3A_188 = arith.addi %add3A_187, %add3A_166 : i32
      %get3A_189 = arith.index_cast %add3A_188 : i32 to index
      %get3A_190 = tpu.vector_load %arg6[%get3A_189] {strides = array<i32>} : memref<33968xf32, #tpu.memory_space<vmem>>, vector<16xf32>,
      %get3A_191 = vector.shape_cast %get3A_190 : vector<16xf32> to vector<16xf32>
      %add3A_192 = arith.constant 15440 : i32
      %add3A_193 = arith.addi %add3A_192, %add3A_166 : i32
      %get3A_194 = arith.index_cast %add3A_193 : i32 to index
      %get3A_195 = tpu.vector_load %arg6[%get3A_194] {strides = array<i32>} : memref<33968xf32, #tpu.memory_space<vmem>>, vector<16xf32>,
      %get3A_196 = vector.shape_cast %get3A_195 : vector<16xf32> to vector<16xf32>
      %add3A_197 = arith.constant 18528 : i32
      %add3A_198 = arith.addi %add3A_197, %add3A_166 : i32
      %get3A_199 = arith.index_cast %add3A_198 : i32 to index
      %get3A_200 = tpu.vector_load %arg6[%get3A_199] {strides = array<i32>} : memref<33968xf32, #tpu.memory_space<vmem>>, vector<16xf32>,
      %get3A_201 = vector.shape_cast %get3A_200 : vector<16xf32> to vector<16xf32>
      %add3A_202 = arith.constant 21616 : i32
      %add3A_203 = arith.addi %add3A_202, %add3A_166 : i32
      %get3A_204 = arith.index_cast %add3A_203 : i32 to index
      %get3A_205 = tpu.vector_load %arg6[%get3A_204] {strides = array<i32>} : memref<33968xf32, #tpu.memory_space<vmem>>, vector<16xf32>,
      %get3A_206 = vector.shape_cast %get3A_205 : vector<16xf32> to vector<16xf32>
      %add3A_207 = arith.constant 24704 : i32
      %add3A_208 = arith.addi %add3A_207, %add3A_166 : i32
      %get3A_209 = arith.index_cast %add3A_208 : i32 to index
      %get3A_210 = tpu.vector_load %arg6[%get3A_209] {strides = array<i32>} : memref<33968xf32, #tpu.memory_space<vmem>>, vector<16xf32>,
      %get3A_211 = vector.shape_cast %get3A_210 : vector<16xf32> to vector<16xf32>
      %add3A_212 = arith.constant 27792 : i32
      %add3A_213 = arith.addi %add3A_212, %add3A_166 : i32
      %get3A_214 = arith.index_cast %add3A_213 : i32 to index
      %get3A_215 = tpu.vector_load %arg6[%get3A_214] {strides = array<i32>} : memref<33968xf32, #tpu.memory_space<vmem>>, vector<16xf32>,
      %get3A_216 = vector.shape_cast %get3A_215 : vector<16xf32> to vector<16xf32>
      %add3A_217 = arith.constant 30880 : i32
      %add3A_218 = arith.addi %add3A_217, %add3A_166 : i32
      %get3A_219 = arith.index_cast %add3A_218 : i32 to index
      %get3A_220 = tpu.vector_load %arg6[%get3A_219] {strides = array<i32>} : memref<33968xf32, #tpu.memory_space<vmem>>, vector<16xf32>,
      %get3A_221 = vector.shape_cast %get3A_220 : vector<16xf32> to vector<16xf32>
      %add3A_222 = arith.constant 32 : i32
      %add3A_223 = arith.addi %add3A_107, %add3A_222 : i32
      %add3A_224 = arith.constant 0 : i32
      %add3A_225 = arith.addi %add3A_224, %add3A_223 : i32
      %get3A_226 = arith.index_cast %add3A_225 : i32 to index
      %get3A_227 = tpu.vector_load %arg6[%get3A_226] {strides = array<i32>} : memref<33968xf32, #tpu.memory_space<vmem>>, vector<16xf32>,
      %get3A_228 = vector.shape_cast %get3A_227 : vector<16xf32> to vector<16xf32>
      %add3A_229 = arith.constant 3088 : i32
      %add3A_230 = arith.addi %add3A_229, %add3A_223 : i32
      %get3A_231 = arith.index_cast %add3A_230 : i32 to index
      %get3A_232 = tpu.vector_load %arg6[%get3A_231] {strides = array<i32>} : memref<33968xf32, #tpu.memory_space<vmem>>, vector<16xf32>,
      %get3A_233 = vector.shape_cast %get3A_232 : vector<16xf32> to vector<16xf32>
      %add3A_234 = arith.constant 6176 : i32
      %add3A_235 = arith.addi %add3A_234, %add3A_223 : i32
      %get3A_236 = arith.index_cast %add3A_235 : i32 to index
      %get3A_237 = tpu.vector_load %arg6[%get3A_236] {strides = array<i32>} : memref<33968xf32, #tpu.memory_space<vmem>>, vector<16xf32>,
      %get3A_238 = vector.shape_cast %get3A_237 : vector<16xf32> to vector<16xf32>
      %add3A_239 = arith.constant 9264 : i32
      %add3A_240 = arith.addi %add3A_239, %add3A_223 : i32
      %get3A_241 = arith.index_cast %add3A_240 : i32 to index
      %get3A_242 = tpu.vector_load %arg6[%get3A_241] {strides = array<i32>} : memref<33968xf32, #tpu.memory_space<vmem>>, vector<16xf32>,
      %get3A_243 = vector.shape_cast %get3A_242 : vector<16xf32> to vector<16xf32>
      %add3A_244 = arith.constant 12352 : i32
      %add3A_245 = arith.addi %add3A_244, %add3A_223 : i32
      %get3A_246 = arith.index_cast %add3A_245 : i32 to index
      %get3A_247 = tpu.vector_load %arg6[%get3A_246] {strides = array<i32>} : memref<33968xf32, #tpu.memory_space<vmem>>, vector<16xf32>,
      %get3A_248 = vector.shape_cast %get3A_247 : vector<16xf32> to vector<16xf32>
      %add3A_249 = arith.constant 15440 : i32
      %add3A_250 = arith.addi %add3A_249, %add3A_223 : i32
      %get3A_251 = arith.index_cast %add3A_250 : i32 to index
      %get3A_252 = tpu.vector_load %arg6[%get3A_251] {strides = array<i32>} : memref<33968xf32, #tpu.memory_space<vmem>>, vector<16xf32>,
      %get3A_253 = vector.shape_cast %get3A_252 : vector<16xf32> to vector<16xf32>
      %add3A_254 = arith.constant 18528 : i32
      %add3A_255 = arith.addi %add3A_254, %add3A_223 : i32
      %get3A_256 = arith.index_cast %add3A_255 : i32 to index
      %get3A_257 = tpu.vector_load %arg6[%get3A_256] {strides = array<i32>} : memref<33968xf32, #tpu.memory_space<vmem>>, vector<16xf32>,
      %get3A_258 = vector.shape_cast %get3A_257 : vector<16xf32> to vector<16xf32>
      %add3A_259 = arith.constant 21616 : i32
      %add3A_260 = arith.addi %add3A_259, %add3A_223 : i32
      %get3A_261 = arith.index_cast %add3A_260 : i32 to index
      %get3A_262 = tpu.vector_load %arg6[%get3A_261] {strides = array<i32>} : memref<33968xf32, #tpu.memory_space<vmem>>, vector<16xf32>,
      %get3A_263 = vector.shape_cast %get3A_262 : vector<16xf32> to vector<16xf32>
      %add3A_264 = arith.constant 24704 : i32
      %add3A_265 = arith.addi %add3A_264, %add3A_223 : i32
      %get3A_266 = arith.index_cast %add3A_265 : i32 to index
      %get3A_267 = tpu.vector_load %arg6[%get3A_266] {strides = array<i32>} : memref<33968xf32, #tpu.memory_space<vmem>>, vector<16xf32>,
      %get3A_268 = vector.shape_cast %get3A_267 : vector<16xf32> to vector<16xf32>
      %add3A_269 = arith.constant 27792 : i32
      %add3A_270 = arith.addi %add3A_269, %add3A_223 : i32
      %get3A_271 = arith.index_cast %add3A_270 : i32 to index
      %get3A_272 = tpu.vector_load %arg6[%get3A_271] {strides = array<i32>} : memref<33968xf32, #tpu.memory_space<vmem>>, vector<16xf32>,
      %get3A_273 = vector.shape_cast %get3A_272 : vector<16xf32> to vector<16xf32>
      %add3A_274 = arith.constant 30880 : i32
      %add3A_275 = arith.addi %add3A_274, %add3A_223 : i32
      %get3A_276 = arith.index_cast %add3A_275 : i32 to index
      %get3A_277 = tpu.vector_load %arg6[%get3A_276] {strides = array<i32>} : memref<33968xf32, #tpu.memory_space<vmem>>, vector<16xf32>,
      %get3A_278 = vector.shape_cast %get3A_277 : vector<16xf32> to vector<16xf32>
      %add3A_279 = arith.constant 48 : i32
      %add3A_280 = arith.addi %add3A_107, %add3A_279 : i32
      %add3A_281 = arith.constant 0 : i32
      %add3A_282 = arith.addi %add3A_281, %add3A_280 : i32
      %get3A_283 = arith.index_cast %add3A_282 : i32 to index
      %get3A_284 = tpu.vector_load %arg6[%get3A_283] {strides = array<i32>} : memref<33968xf32, #tpu.memory_space<vmem>>, vector<16xf32>,
      %get3A_285 = vector.shape_cast %get3A_284 : vector<16xf32> to vector<16xf32>
      %add3A_286 = arith.constant 3088 : i32
      %add3A_287 = arith.addi %add3A_286, %add3A_280 : i32
      %get3A_288 = arith.index_cast %add3A_287 : i32 to index
      %get3A_289 = tpu.vector_load %arg6[%get3A_288] {strides = array<i32>} : memref<33968xf32, #tpu.memory_space<vmem>>, vector<16xf32>,
      %get3A_290 = vector.shape_cast %get3A_289 : vector<16xf32> to vector<16xf32>
      %add3A_291 = arith.constant 6176 : i32
      %add3A_292 = arith.addi %add3A_291, %add3A_280 : i32
      %get3A_293 = arith.index_cast %add3A_292 : i32 to index
      %get3A_294 = tpu.vector_load %arg6[%get3A_293] {strides = array<i32>} : memref<33968xf32, #tpu.memory_space<vmem>>, vector<16xf32>,
      %get3A_295 = vector.shape_cast %get3A_294 : vector<16xf32> to vector<16xf32>
      %add3A_296 = arith.constant 9264 : i32
      %add3A_297 = arith.addi %add3A_296, %add3A_280 : i32
      %get3A_298 = arith.index_cast %add3A_297 : i32 to index
      %get3A_299 = tpu.vector_load %arg6[%get3A_298] {strides = array<i32>} : memref<33968xf32, #tpu.memory_space<vmem>>, vector<16xf32>,
      %get3A_300 = vector.shape_cast %get3A_299 : vector<16xf32> to vector<16xf32>
      %add3A_301 = arith.constant 12352 : i32
      %add3A_302 = arith.addi %add3A_301, %add3A_280 : i32
      %get3A_303 = arith.index_cast %add3A_302 : i32 to index
      %get3A_304 = tpu.vector_load %arg6[%get3A_303] {strides = array<i32>} : memref<33968xf32, #tpu.memory_space<vmem>>, vector<16xf32>,
      %get3A_305 = vector.shape_cast %get3A_304 : vector<16xf32> to vector<16xf32>
      %add3A_306 = arith.constant 15440 : i32
      %add3A_307 = arith.addi %add3A_306, %add3A_280 : i32
      %get3A_308 = arith.index_cast %add3A_307 : i32 to index
      %get3A_309 = tpu.vector_load %arg6[%get3A_308] {strides = array<i32>} : memref<33968xf32, #tpu.memory_space<vmem>>, vector<16xf32>,
      %get3A_310 = vector.shape_cast %get3A_309 : vector<16xf32> to vector<16xf32>
      %add3A_311 = arith.constant 18528 : i32
      %add3A_312 = arith.addi %add3A_311, %add3A_280 : i32
      %get3A_313 = arith.index_cast %add3A_312 : i32 to index
      %get3A_314 = tpu.vector_load %arg6[%get3A_313] {strides = array<i32>} : memref<33968xf32, #tpu.memory_space<vmem>>, vector<16xf32>,
      %get3A_315 = vector.shape_cast %get3A_314 : vector<16xf32> to vector<16xf32>
      %add3A_316 = arith.constant 21616 : i32
      %add3A_317 = arith.addi %add3A_316, %add3A_280 : i32
      %get3A_318 = arith.index_cast %add3A_317 : i32 to index
      %get3A_319 = tpu.vector_load %arg6[%get3A_318] {strides = array<i32>} : memref<33968xf32, #tpu.memory_space<vmem>>, vector<16xf32>,
      %get3A_320 = vector.shape_cast %get3A_319 : vector<16xf32> to vector<16xf32>
      %add3A_321 = arith.constant 24704 : i32
      %add3A_322 = arith.addi %add3A_321, %add3A_280 : i32
      %get3A_323 = arith.index_cast %add3A_322 : i32 to index
      %get3A_324 = tpu.vector_load %arg6[%get3A_323] {strides = array<i32>} : memref<33968xf32, #tpu.memory_space<vmem>>, vector<16xf32>,
      %get3A_325 = vector.shape_cast %get3A_324 : vector<16xf32> to vector<16xf32>
      %add3A_326 = arith.constant 27792 : i32
      %add3A_327 = arith.addi %add3A_326, %add3A_280 : i32
      %get3A_328 = arith.index_cast %add3A_327 : i32 to index
      %get3A_329 = tpu.vector_load %arg6[%get3A_328] {strides = array<i32>} : memref<33968xf32, #tpu.memory_space<vmem>>, vector<16xf32>,
      %get3A_330 = vector.shape_cast %get3A_329 : vector<16xf32> to vector<16xf32>
      %add3A_331 = arith.constant 30880 : i32
      %add3A_332 = arith.addi %add3A_331, %add3A_280 : i32
      %get3A_333 = arith.index_cast %add3A_332 : i32 to index
      %get3A_334 = tpu.vector_load %arg6[%get3A_333] {strides = array<i32>} : memref<33968xf32, #tpu.memory_space<vmem>>, vector<16xf32>,
      %get3A_335 = vector.shape_cast %get3A_334 : vector<16xf32> to vector<16xf32>
      %sub3A = vector.broadcast %squeeze3A : f32 to vector<16xf32>
      %sub3A_336 = arith.subf %get3A_114, %sub3A : vector<16xf32>
      %sub3A_337 = vector.broadcast %squeeze3A_34 : f32 to vector<16xf32>
      %sub3A_338 = arith.subf %get3A_119, %sub3A_337 : vector<16xf32>
      %sub3A_339 = vector.broadcast %squeeze3A_41 : f32 to vector<16xf32>
      %sub3A_340 = arith.subf %get3A_124, %sub3A_339 : vector<16xf32>
      %mul3A_341 = arith.mulf %sub3A_336, %sub3A_336 : vector<16xf32>
      %mul3A_342 = arith.mulf %sub3A_338, %sub3A_338 : vector<16xf32>
      %add3A_343 = arith.addf %mul3A_341, %mul3A_342 : vector<16xf32>
      %mul3A_344 = arith.mulf %sub3A_340, %sub3A_340 : vector<16xf32>
      %add3A_345 = arith.addf %add3A_343, %mul3A_344 : vector<16xf32>
      %bitcast_convert_type3A = tpu.bitcast %add3A_345 : vector<16xf32> -> vector<16xi32>
      %shift_right_logical3A = arith.constant 1 : i32
      %shift_right_logical3A_346 = vector.broadcast %shift_right_logical3A : i32 to vector<16xi32>
      %shift_right_logical3A_347 = arith.shrui %bitcast_convert_type3A, %shift_right_logical3A_346 : vector<16xi32>
      %sub3A_348 = arith.constant 1597463007 : i32
      %sub3A_349 = vector.broadcast %sub3A_348 : i32 to vector<16xi32>
      %sub3A_350 = arith.subi %sub3A_349, %shift_right_logical3A_347 : vector<16xi32>
      %bitcast_convert_type3A_351 = tpu.bitcast %sub3A_350 : vector<16xi32> -> vector<16xf32>
      %mul3A_352 = arith.constant -5.000000e-01 : f32
      %mul3A_353 = vector.broadcast %mul3A_352 : f32 to vector<16xf32>
      %mul3A_354 = arith.mulf %mul3A_353, %add3A_345 : vector<16xf32>
      %mul3A_355 = arith.mulf %mul3A_354, %bitcast_convert_type3A_351 : vector<16xf32>
      %mul3A_356 = arith.mulf %mul3A_355, %bitcast_convert_type3A_351 : vector<16xf32>
      %add3A_357 = arith.constant 1.500000e+00 : f32
      %add3A_358 = vector.broadcast %add3A_357 : f32 to vector<16xf32>
      %add3A_359 = arith.addf %add3A_358, %mul3A_356 : vector<16xf32>
      %mul3A_360 = arith.mulf %bitcast_convert_type3A_351, %add3A_359 : vector<16xf32>
      %mul3A_361 = arith.mulf %mul3A_354, %mul3A_360 : vector<16xf32>
      %mul3A_362 = arith.mulf %mul3A_361, %mul3A_360 : vector<16xf32>
      %add3A_363 = arith.constant 1.500000e+00 : f32
      %add3A_364 = vector.broadcast %add3A_363 : f32 to vector<16xf32>
      %add3A_365 = arith.addf %add3A_364, %mul3A_362 : vector<16xf32>
      %mul3A_366 = arith.mulf %mul3A_360, %add3A_365 : vector<16xf32>
      %mul3A_367 = arith.mulf %mul3A_354, %mul3A_366 : vector<16xf32>
      %mul3A_368 = arith.mulf %mul3A_367, %mul3A_366 : vector<16xf32>
      %add3A_369 = arith.constant 1.500000e+00 : f32
      %add3A_370 = vector.broadcast %add3A_369 : f32 to vector<16xf32>
      %add3A_371 = arith.addf %add3A_370, %mul3A_368 : vector<16xf32>
      %mul3A_372 = arith.mulf %mul3A_366, %add3A_371 : vector<16xf32>
      %mul3A_373 = arith.mulf %add3A_345, %mul3A_372 : vector<16xf32>
      %mul3A_374 = vector.broadcast %squeeze3A_48 : f32 to vector<16xf32>
      %mul3A_375 = arith.mulf %mul3A_373, %mul3A_374 : vector<16xf32>
      %sub3A_376 = arith.constant 1.000000e+00 : f32
      %sub3A_377 = vector.broadcast %sub3A_376 : f32 to vector<16xf32>
      %sub3A_378 = arith.subf %sub3A_377, %mul3A_375 : vector<16xf32>
      %mul3A_379 = vector.broadcast %squeeze3A_55 : f32 to vector<16xf32>
      %mul3A_380 = arith.mulf %sub3A_378, %mul3A_379 : vector<16xf32>
      %exp3A = math.exp %mul3A_380 : vector<16xf32>
      %mul3A_381 = vector.broadcast %squeeze3A_62 : f32 to vector<16xf32>
      %mul3A_382 = arith.mulf %sub3A_378, %mul3A_381 : vector<16xf32>
      %exp3A_383 = math.exp %mul3A_382 : vector<16xf32>
      %sub3A_384 = vector.broadcast %squeeze3A_97 : f32 to vector<16xf32>
      %sub3A_385 = arith.subf %mul3A_375, %sub3A_384 : vector<16xf32>
      %mul3A_386 = arith.mulf %sub3A_385, %sub3A_385 : vector<16xf32>
      %mul3A_387 = arith.mulf %mul3A_386, %mul3A_386 : vector<16xf32>
      %mul3A_388 = arith.mulf %mul3A_387, %mul3A_387 : vector<16xf32>
      %mul3A_389 = arith.mulf %mul3A_388, %mul3A_388 : vector<16xf32>
      %mul3A_390 = arith.mulf %mul3A_389, %mul3A_387 : vector<16xf32>
      %add3A_391 = arith.constant 1.000000e+00 : f32
      %add3A_392 = vector.broadcast %add3A_391 : f32 to vector<16xf32>
      %add3A_393 = arith.addf %add3A_392, %mul3A_390 : vector<16xf32>
      %sub3A_394 = vector.broadcast %squeeze3A_90 : f32 to vector<16xf32>
      %sub3A_395 = arith.subf %mul3A_375, %sub3A_394 : vector<16xf32>
      %mul3A_396 = arith.mulf %sub3A_395, %sub3A_395 : vector<16xf32>
      %mul3A_397 = arith.mulf %mul3A_396, %mul3A_396 : vector<16xf32>
      %mul3A_398 = arith.mulf %mul3A_397, %mul3A_397 : vector<16xf32>
      %mul3A_399 = arith.mulf %mul3A_398, %mul3A_398 : vector<16xf32>
      %mul3A_400 = arith.mulf %mul3A_399, %mul3A_397 : vector<16xf32>
      %add3A_401 = arith.constant 1.000000e+00 : f32
      %add3A_402 = vector.broadcast %add3A_401 : f32 to vector<16xf32>
      %add3A_403 = arith.addf %add3A_402, %mul3A_400 : vector<16xf32>
      %div3A = arith.constant 1.000000e+00 : f32
      %div3A_404 = vector.broadcast %div3A : f32 to vector<16xf32>
      %div3A_405 = arith.divf %div3A_404, %add3A_403 : vector<16xf32>
      %mul3A_406 = vector.broadcast %squeeze3A_69 : f32 to vector<16xf32>
      %mul3A_407 = arith.mulf %mul3A_406, %exp3A : vector<16xf32>
      %div3A_408 = arith.divf %mul3A_407, %add3A_393 : vector<16xf32>
      %mul3A_409 = vector.broadcast %squeeze3A_76 : f32 to vector<16xf32>
      %mul3A_410 = arith.mulf %mul3A_409, %exp3A_383 : vector<16xf32>
      %mul3A_411 = arith.mulf %mul3A_410, %div3A_405 : vector<16xf32>
      %mul3A_412 = vector.broadcast %squeeze3A_83 : f32 to vector<16xf32>
      %mul3A_413 = arith.mulf %mul3A_412, %div3A_408 : vector<16xf32>
      %sub3A_414 = arith.subf %mul3A_411, %mul3A_413 : vector<16xf32>
      %mul3A_415 = arith.mulf %mul3A_373, %get3A_129 : vector<16xf32>
      %sub3A_416 = arith.constant 1.000000e+00 : f32
      %sub3A_417 = vector.broadcast %sub3A_416 : f32 to vector<16xf32>
      %sub3A_418 = arith.subf %sub3A_417, %mul3A_415 : vector<16xf32>
      %mul3A_419 = arith.mulf %sub3A_418, %get3A_134 : vector<16xf32>
      %exp3A_420 = math.exp %mul3A_419 : vector<16xf32>
      %mul3A_421 = arith.mulf %sub3A_418, %get3A_139 : vector<16xf32>
      %exp3A_422 = math.exp %mul3A_421 : vector<16xf32>
      %sub3A_423 = arith.subf %mul3A_415, %get3A_164 : vector<16xf32>
      %mul3A_424 = arith.mulf %sub3A_423, %sub3A_423 : vector<16xf32>
      %mul3A_425 = arith.mulf %mul3A_424, %mul3A_424 : vector<16xf32>
      %mul3A_426 = arith.mulf %mul3A_425, %mul3A_425 : vector<16xf32>
      %mul3A_427 = arith.mulf %mul3A_426, %mul3A_426 : vector<16xf32>
      %mul3A_428 = arith.mulf %mul3A_427, %mul3A_425 : vector<16xf32>
      %add3A_429 = arith.constant 1.000000e+00 : f32
      %add3A_430 = vector.broadcast %add3A_429 : f32 to vector<16xf32>
      %add3A_431 = arith.addf %add3A_430, %mul3A_428 : vector<16xf32>
      %sub3A_432 = arith.subf %mul3A_415, %get3A_159 : vector<16xf32>
      %mul3A_433 = arith.mulf %sub3A_432, %sub3A_432 : vector<16xf32>
      %mul3A_434 = arith.mulf %mul3A_433, %mul3A_433 : vector<16xf32>
      %mul3A_435 = arith.mulf %mul3A_434, %mul3A_434 : vector<16xf32>
      %mul3A_436 = arith.mulf %mul3A_435, %mul3A_435 : vector<16xf32>
      %mul3A_437 = arith.mulf %mul3A_436, %mul3A_434 : vector<16xf32>
      %add3A_438 = arith.constant 1.000000e+00 : f32
      %add3A_439 = vector.broadcast %add3A_438 : f32 to vector<16xf32>
      %add3A_440 = arith.addf %add3A_439, %mul3A_437 : vector<16xf32>
      %div3A_441 = arith.constant 1.000000e+00 : f32
      %div3A_442 = vector.broadcast %div3A_441 : f32 to vector<16xf32>
      %div3A_443 = arith.divf %div3A_442, %add3A_440 : vector<16xf32>
      %mul3A_444 = arith.mulf %get3A_144, %exp3A_420 : vector<16xf32>
      %div3A_445 = arith.divf %mul3A_444, %add3A_431 : vector<16xf32>
      %mul3A_446 = arith.mulf %get3A_149, %exp3A_422 : vector<16xf32>
      %mul3A_447 = arith.mulf %mul3A_446, %div3A_443 : vector<16xf32>
      %mul3A_448 = arith.mulf %get3A_154, %div3A_445 : vector<16xf32>
      %sub3A_449 = arith.subf %mul3A_447, %mul3A_448 : vector<16xf32>
      %div3A_450 = arith.divf %div3A_445, %div3A_408 : vector<16xf32>
      %mul3A_451 = arith.mulf %div3A_450, %sub3A_414 : vector<16xf32>
      %div3A_452 = arith.divf %div3A_408, %div3A_445 : vector<16xf32>
      %mul3A_453 = arith.mulf %div3A_452, %sub3A_449 : vector<16xf32>
      %add3A_454 = arith.addf %mul3A_451, %mul3A_453 : vector<16xf32>
      %le3A = arith.constant 5.000000e+00 : f32
      %le3A_455 = vector.broadcast %le3A : f32 to vector<16xf32>
      %le3A_456 = arith.cmpf ole, %mul3A_373, %le3A_455 : vector<16xf32>
      %jit3A = arith.constant 0.000000e+00 : f32
      %broadcast_in_dim3A_457 = vector.broadcast %jit3A : f32 to vector<16xf32>
      %select_n3A = arith.select %le3A_456, %add3A_454, %broadcast_in_dim3A_457 : vector<16xi1>, vector<16xf32>
      %sub3A_458 = vector.broadcast %squeeze3A : f32 to vector<16xf32>
      %sub3A_459 = arith.subf %get3A_171, %sub3A_458 : vector<16xf32>
      %sub3A_460 = vector.broadcast %squeeze3A_34 : f32 to vector<16xf32>
      %sub3A_461 = arith.subf %get3A_176, %sub3A_460 : vector<16xf32>
      %sub3A_462 = vector.broadcast %squeeze3A_41 : f32 to vector<16xf32>
      %sub3A_463 = arith.subf %get3A_181, %sub3A_462 : vector<16xf32>
      %mul3A_464 = arith.mulf %sub3A_459, %sub3A_459 : vector<16xf32>
      %mul3A_465 = arith.mulf %sub3A_461, %sub3A_461 : vector<16xf32>
      %add3A_466 = arith.addf %mul3A_464, %mul3A_465 : vector<16xf32>
      %mul3A_467 = arith.mulf %sub3A_463, %sub3A_463 : vector<16xf32>
      %add3A_468 = arith.addf %add3A_466, %mul3A_467 : vector<16xf32>
      %bitcast_convert_type3A_469 = tpu.bitcast %add3A_468 : vector<16xf32> -> vector<16xi32>
      %shift_right_logical3A_470 = arith.constant 1 : i32
      %shift_right_logical3A_471 = vector.broadcast %shift_right_logical3A_470 : i32 to vector<16xi32>
      %shift_right_logical3A_472 = arith.shrui %bitcast_convert_type3A_469, %shift_right_logical3A_471 : vector<16xi32>
      %sub3A_473 = arith.constant 1597463007 : i32
      %sub3A_474 = vector.broadcast %sub3A_473 : i32 to vector<16xi32>
      %sub3A_475 = arith.subi %sub3A_474, %shift_right_logical3A_472 : vector<16xi32>
      %bitcast_convert_type3A_476 = tpu.bitcast %sub3A_475 : vector<16xi32> -> vector<16xf32>
      %mul3A_477 = arith.constant -5.000000e-01 : f32
      %mul3A_478 = vector.broadcast %mul3A_477 : f32 to vector<16xf32>
      %mul3A_479 = arith.mulf %mul3A_478, %add3A_468 : vector<16xf32>
      %mul3A_480 = arith.mulf %mul3A_479, %bitcast_convert_type3A_476 : vector<16xf32>
      %mul3A_481 = arith.mulf %mul3A_480, %bitcast_convert_type3A_476 : vector<16xf32>
      %add3A_482 = arith.constant 1.500000e+00 : f32
      %add3A_483 = vector.broadcast %add3A_482 : f32 to vector<16xf32>
      %add3A_484 = arith.addf %add3A_483, %mul3A_481 : vector<16xf32>
      %mul3A_485 = arith.mulf %bitcast_convert_type3A_476, %add3A_484 : vector<16xf32>
      %mul3A_486 = arith.mulf %mul3A_479, %mul3A_485 : vector<16xf32>
      %mul3A_487 = arith.mulf %mul3A_486, %mul3A_485 : vector<16xf32>
      %add3A_488 = arith.constant 1.500000e+00 : f32
      %add3A_489 = vector.broadcast %add3A_488 : f32 to vector<16xf32>
      %add3A_490 = arith.addf %add3A_489, %mul3A_487 : vector<16xf32>
      %mul3A_491 = arith.mulf %mul3A_485, %add3A_490 : vector<16xf32>
      %mul3A_492 = arith.mulf %mul3A_479, %mul3A_491 : vector<16xf32>
      %mul3A_493 = arith.mulf %mul3A_492, %mul3A_491 : vector<16xf32>
      %add3A_494 = arith.constant 1.500000e+00 : f32
      %add3A_495 = vector.broadcast %add3A_494 : f32 to vector<16xf32>
      %add3A_496 = arith.addf %add3A_495, %mul3A_493 : vector<16xf32>
      %mul3A_497 = arith.mulf %mul3A_491, %add3A_496 : vector<16xf32>
      %mul3A_498 = arith.mulf %add3A_468, %mul3A_497 : vector<16xf32>
      %mul3A_499 = vector.broadcast %squeeze3A_48 : f32 to vector<16xf32>
      %mul3A_500 = arith.mulf %mul3A_498, %mul3A_499 : vector<16xf32>
      %sub3A_501 = arith.constant 1.000000e+00 : f32
      %sub3A_502 = vector.broadcast %sub3A_501 : f32 to vector<16xf32>
      %sub3A_503 = arith.subf %sub3A_502, %mul3A_500 : vector<16xf32>
      %mul3A_504 = vector.broadcast %squeeze3A_55 : f32 to vector<16xf32>
      %mul3A_505 = arith.mulf %sub3A_503, %mul3A_504 : vector<16xf32>
      %exp3A_506 = math.exp %mul3A_505 : vector<16xf32>
      %mul3A_507 = vector.broadcast %squeeze3A_62 : f32 to vector<16xf32>
      %mul3A_508 = arith.mulf %sub3A_503, %mul3A_507 : vector<16xf32>
      %exp3A_509 = math.exp %mul3A_508 : vector<16xf32>
      %sub3A_510 = vector.broadcast %squeeze3A_97 : f32 to vector<16xf32>
      %sub3A_511 = arith.subf %mul3A_500, %sub3A_510 : vector<16xf32>
      %mul3A_512 = arith.mulf %sub3A_511, %sub3A_511 : vector<16xf32>
      %mul3A_513 = arith.mulf %mul3A_512, %mul3A_512 : vector<16xf32>
      %mul3A_514 = arith.mulf %mul3A_513, %mul3A_513 : vector<16xf32>
      %mul3A_515 = arith.mulf %mul3A_514, %mul3A_514 : vector<16xf32>
      %mul3A_516 = arith.mulf %mul3A_515, %mul3A_513 : vector<16xf32>
      %add3A_517 = arith.constant 1.000000e+00 : f32
      %add3A_518 = vector.broadcast %add3A_517 : f32 to vector<16xf32>
      %add3A_519 = arith.addf %add3A_518, %mul3A_516 : vector<16xf32>
      %sub3A_520 = vector.broadcast %squeeze3A_90 : f32 to vector<16xf32>
      %sub3A_521 = arith.subf %mul3A_500, %sub3A_520 : vector<16xf32>
      %mul3A_522 = arith.mulf %sub3A_521, %sub3A_521 : vector<16xf32>
      %mul3A_523 = arith.mulf %mul3A_522, %mul3A_522 : vector<16xf32>
      %mul3A_524 = arith.mulf %mul3A_523, %mul3A_523 : vector<16xf32>
      %mul3A_525 = arith.mulf %mul3A_524, %mul3A_524 : vector<16xf32>
      %mul3A_526 = arith.mulf %mul3A_525, %mul3A_523 : vector<16xf32>
      %add3A_527 = arith.constant 1.000000e+00 : f32
      %add3A_528 = vector.broadcast %add3A_527 : f32 to vector<16xf32>
      %add3A_529 = arith.addf %add3A_528, %mul3A_526 : vector<16xf32>
      %div3A_530 = arith.constant 1.000000e+00 : f32
      %div3A_531 = vector.broadcast %div3A_530 : f32 to vector<16xf32>
      %div3A_532 = arith.divf %div3A_531, %add3A_529 : vector<16xf32>
      %mul3A_533 = vector.broadcast %squeeze3A_69 : f32 to vector<16xf32>
      %mul3A_534 = arith.mulf %mul3A_533, %exp3A_506 : vector<16xf32>
      %div3A_535 = arith.divf %mul3A_534, %add3A_519 : vector<16xf32>
      %mul3A_536 = vector.broadcast %squeeze3A_76 : f32 to vector<16xf32>
      %mul3A_537 = arith.mulf %mul3A_536, %exp3A_509 : vector<16xf32>
      %mul3A_538 = arith.mulf %mul3A_537, %div3A_532 : vector<16xf32>
      %mul3A_539 = vector.broadcast %squeeze3A_83 : f32 to vector<16xf32>
      %mul3A_540 = arith.mulf %mul3A_539, %div3A_535 : vector<16xf32>
      %sub3A_541 = arith.subf %mul3A_538, %mul3A_540 : vector<16xf32>
      %mul3A_542 = arith.mulf %mul3A_498, %get3A_186 : vector<16xf32>
      %sub3A_543 = arith.constant 1.000000e+00 : f32
      %sub3A_544 = vector.broadcast %sub3A_543 : f32 to vector<16xf32>
      %sub3A_545 = arith.subf %sub3A_544, %mul3A_542 : vector<16xf32>
      %mul3A_546 = arith.mulf %sub3A_545, %get3A_191 : vector<16xf32>
      %exp3A_547 = math.exp %mul3A_546 : vector<16xf32>
      %mul3A_548 = arith.mulf %sub3A_545, %get3A_196 : vector<16xf32>
      %exp3A_549 = math.exp %mul3A_548 : vector<16xf32>
      %sub3A_550 = arith.subf %mul3A_542, %get3A_221 : vector<16xf32>
      %mul3A_551 = arith.mulf %sub3A_550, %sub3A_550 : vector<16xf32>
      %mul3A_552 = arith.mulf %mul3A_551, %mul3A_551 : vector<16xf32>
      %mul3A_553 = arith.mulf %mul3A_552, %mul3A_552 : vector<16xf32>
      %mul3A_554 = arith.mulf %mul3A_553, %mul3A_553 : vector<16xf32>
      %mul3A_555 = arith.mulf %mul3A_554, %mul3A_552 : vector<16xf32>
      %add3A_556 = arith.constant 1.000000e+00 : f32
      %add3A_557 = vector.broadcast %add3A_556 : f32 to vector<16xf32>
      %add3A_558 = arith.addf %add3A_557, %mul3A_555 : vector<16xf32>
      %sub3A_559 = arith.subf %mul3A_542, %get3A_216 : vector<16xf32>
      %mul3A_560 = arith.mulf %sub3A_559, %sub3A_559 : vector<16xf32>
      %mul3A_561 = arith.mulf %mul3A_560, %mul3A_560 : vector<16xf32>
      %mul3A_562 = arith.mulf %mul3A_561, %mul3A_561 : vector<16xf32>
      %mul3A_563 = arith.mulf %mul3A_562, %mul3A_562 : vector<16xf32>
      %mul3A_564 = arith.mulf %mul3A_563, %mul3A_561 : vector<16xf32>
      %add3A_565 = arith.constant 1.000000e+00 : f32
      %add3A_566 = vector.broadcast %add3A_565 : f32 to vector<16xf32>
      %add3A_567 = arith.addf %add3A_566, %mul3A_564 : vector<16xf32>
      %div3A_568 = arith.constant 1.000000e+00 : f32
      %div3A_569 = vector.broadcast %div3A_568 : f32 to vector<16xf32>
      %div3A_570 = arith.divf %div3A_569, %add3A_567 : vector<16xf32>
      %mul3A_571 = arith.mulf %get3A_201, %exp3A_547 : vector<16xf32>
      %div3A_572 = arith.divf %mul3A_571, %add3A_558 : vector<16xf32>
      %mul3A_573 = arith.mulf %get3A_206, %exp3A_549 : vector<16xf32>
      %mul3A_574 = arith.mulf %mul3A_573, %div3A_570 : vector<16xf32>
      %mul3A_575 = arith.mulf %get3A_211, %div3A_572 : vector<16xf32>
      %sub3A_576 = arith.subf %mul3A_574, %mul3A_575 : vector<16xf32>
      %div3A_577 = arith.divf %div3A_572, %div3A_535 : vector<16xf32>
      %mul3A_578 = arith.mulf %div3A_577, %sub3A_541 : vector<16xf32>
      %div3A_579 = arith.divf %div3A_535, %div3A_572 : vector<16xf32>
      %mul3A_580 = arith.mulf %div3A_579, %sub3A_576 : vector<16xf32>
      %add3A_581 = arith.addf %mul3A_578, %mul3A_580 : vector<16xf32>
      %le3A_582 = arith.constant 5.000000e+00 : f32
      %le3A_583 = vector.broadcast %le3A_582 : f32 to vector<16xf32>
      %le3A_584 = arith.cmpf ole, %mul3A_498, %le3A_583 : vector<16xf32>
      %jit3A_585 = arith.constant 0.000000e+00 : f32
      %broadcast_in_dim3A_586 = vector.broadcast %jit3A_585 : f32 to vector<16xf32>
      %select_n3A_587 = arith.select %le3A_584, %add3A_581, %broadcast_in_dim3A_586 : vector<16xi1>, vector<16xf32>
      %sub3A_588 = vector.broadcast %squeeze3A : f32 to vector<16xf32>
      %sub3A_589 = arith.subf %get3A_228, %sub3A_588 : vector<16xf32>
      %sub3A_590 = vector.broadcast %squeeze3A_34 : f32 to vector<16xf32>
      %sub3A_591 = arith.subf %get3A_233, %sub3A_590 : vector<16xf32>
      %sub3A_592 = vector.broadcast %squeeze3A_41 : f32 to vector<16xf32>
      %sub3A_593 = arith.subf %get3A_238, %sub3A_592 : vector<16xf32>
      %mul3A_594 = arith.mulf %sub3A_589, %sub3A_589 : vector<16xf32>
      %mul3A_595 = arith.mulf %sub3A_591, %sub3A_591 : vector<16xf32>
      %add3A_596 = arith.addf %mul3A_594, %mul3A_595 : vector<16xf32>
      %mul3A_597 = arith.mulf %sub3A_593, %sub3A_593 : vector<16xf32>
      %add3A_598 = arith.addf %add3A_596, %mul3A_597 : vector<16xf32>
      %bitcast_convert_type3A_599 = tpu.bitcast %add3A_598 : vector<16xf32> -> vector<16xi32>
      %shift_right_logical3A_600 = arith.constant 1 : i32
      %shift_right_logical3A_601 = vector.broadcast %shift_right_logical3A_600 : i32 to vector<16xi32>
      %shift_right_logical3A_602 = arith.shrui %bitcast_convert_type3A_599, %shift_right_logical3A_601 : vector<16xi32>
      %sub3A_603 = arith.constant 1597463007 : i32
      %sub3A_604 = vector.broadcast %sub3A_603 : i32 to vector<16xi32>
      %sub3A_605 = arith.subi %sub3A_604, %shift_right_logical3A_602 : vector<16xi32>
      %bitcast_convert_type3A_606 = tpu.bitcast %sub3A_605 : vector<16xi32> -> vector<16xf32>
      %mul3A_607 = arith.constant -5.000000e-01 : f32
      %mul3A_608 = vector.broadcast %mul3A_607 : f32 to vector<16xf32>
      %mul3A_609 = arith.mulf %mul3A_608, %add3A_598 : vector<16xf32>
      %mul3A_610 = arith.mulf %mul3A_609, %bitcast_convert_type3A_606 : vector<16xf32>
      %mul3A_611 = arith.mulf %mul3A_610, %bitcast_convert_type3A_606 : vector<16xf32>
      %add3A_612 = arith.constant 1.500000e+00 : f32
      %add3A_613 = vector.broadcast %add3A_612 : f32 to vector<16xf32>
      %add3A_614 = arith.addf %add3A_613, %mul3A_611 : vector<16xf32>
      %mul3A_615 = arith.mulf %bitcast_convert_type3A_606, %add3A_614 : vector<16xf32>
      %mul3A_616 = arith.mulf %mul3A_609, %mul3A_615 : vector<16xf32>
      %mul3A_617 = arith.mulf %mul3A_616, %mul3A_615 : vector<16xf32>
      %add3A_618 = arith.constant 1.500000e+00 : f32
      %add3A_619 = vector.broadcast %add3A_618 : f32 to vector<16xf32>
      %add3A_620 = arith.addf %add3A_619, %mul3A_617 : vector<16xf32>
      %mul3A_621 = arith.mulf %mul3A_615, %add3A_620 : vector<16xf32>
      %mul3A_622 = arith.mulf %mul3A_609, %mul3A_621 : vector<16xf32>
      %mul3A_623 = arith.mulf %mul3A_622, %mul3A_621 : vector<16xf32>
      %add3A_624 = arith.constant 1.500000e+00 : f32
      %add3A_625 = vector.broadcast %add3A_624 : f32 to vector<16xf32>
      %add3A_626 = arith.addf %add3A_625, %mul3A_623 : vector<16xf32>
      %mul3A_627 = arith.mulf %mul3A_621, %add3A_626 : vector<16xf32>
      %mul3A_628 = arith.mulf %add3A_598, %mul3A_627 : vector<16xf32>
      %mul3A_629 = vector.broadcast %squeeze3A_48 : f32 to vector<16xf32>
      %mul3A_630 = arith.mulf %mul3A_628, %mul3A_629 : vector<16xf32>
      %sub3A_631 = arith.constant 1.000000e+00 : f32
      %sub3A_632 = vector.broadcast %sub3A_631 : f32 to vector<16xf32>
      %sub3A_633 = arith.subf %sub3A_632, %mul3A_630 : vector<16xf32>
      %mul3A_634 = vector.broadcast %squeeze3A_55 : f32 to vector<16xf32>
      %mul3A_635 = arith.mulf %sub3A_633, %mul3A_634 : vector<16xf32>
      %exp3A_636 = math.exp %mul3A_635 : vector<16xf32>
      %mul3A_637 = vector.broadcast %squeeze3A_62 : f32 to vector<16xf32>
      %mul3A_638 = arith.mulf %sub3A_633, %mul3A_637 : vector<16xf32>
      %exp3A_639 = math.exp %mul3A_638 : vector<16xf32>
      %sub3A_640 = vector.broadcast %squeeze3A_97 : f32 to vector<16xf32>
      %sub3A_641 = arith.subf %mul3A_630, %sub3A_640 : vector<16xf32>
      %mul3A_642 = arith.mulf %sub3A_641, %sub3A_641 : vector<16xf32>
      %mul3A_643 = arith.mulf %mul3A_642, %mul3A_642 : vector<16xf32>
      %mul3A_644 = arith.mulf %mul3A_643, %mul3A_643 : vector<16xf32>
      %mul3A_645 = arith.mulf %mul3A_644, %mul3A_644 : vector<16xf32>
      %mul3A_646 = arith.mulf %mul3A_645, %mul3A_643 : vector<16xf32>
      %add3A_647 = arith.constant 1.000000e+00 : f32
      %add3A_648 = vector.broadcast %add3A_647 : f32 to vector<16xf32>
      %add3A_649 = arith.addf %add3A_648, %mul3A_646 : vector<16xf32>
      %sub3A_650 = vector.broadcast %squeeze3A_90 : f32 to vector<16xf32>
      %sub3A_651 = arith.subf %mul3A_630, %sub3A_650 : vector<16xf32>
      %mul3A_652 = arith.mulf %sub3A_651, %sub3A_651 : vector<16xf32>
      %mul3A_653 = arith.mulf %mul3A_652, %mul3A_652 : vector<16xf32>
      %mul3A_654 = arith.mulf %mul3A_653, %mul3A_653 : vector<16xf32>
      %mul3A_655 = arith.mulf %mul3A_654, %mul3A_654 : vector<16xf32>
      %mul3A_656 = arith.mulf %mul3A_655, %mul3A_653 : vector<16xf32>
      %add3A_657 = arith.constant 1.000000e+00 : f32
      %add3A_658 = vector.broadcast %add3A_657 : f32 to vector<16xf32>
      %add3A_659 = arith.addf %add3A_658, %mul3A_656 : vector<16xf32>
      %div3A_660 = arith.constant 1.000000e+00 : f32
      %div3A_661 = vector.broadcast %div3A_660 : f32 to vector<16xf32>
      %div3A_662 = arith.divf %div3A_661, %add3A_659 : vector<16xf32>
      %mul3A_663 = vector.broadcast %squeeze3A_69 : f32 to vector<16xf32>
      %mul3A_664 = arith.mulf %mul3A_663, %exp3A_636 : vector<16xf32>
      %div3A_665 = arith.divf %mul3A_664, %add3A_649 : vector<16xf32>
      %mul3A_666 = vector.broadcast %squeeze3A_76 : f32 to vector<16xf32>
      %mul3A_667 = arith.mulf %mul3A_666, %exp3A_639 : vector<16xf32>
      %mul3A_668 = arith.mulf %mul3A_667, %div3A_662 : vector<16xf32>
      %mul3A_669 = vector.broadcast %squeeze3A_83 : f32 to vector<16xf32>
      %mul3A_670 = arith.mulf %mul3A_669, %div3A_665 : vector<16xf32>
      %sub3A_671 = arith.subf %mul3A_668, %mul3A_670 : vector<16xf32>
      %mul3A_672 = arith.mulf %mul3A_628, %get3A_243 : vector<16xf32>
      %sub3A_673 = arith.constant 1.000000e+00 : f32
      %sub3A_674 = vector.broadcast %sub3A_673 : f32 to vector<16xf32>
      %sub3A_675 = arith.subf %sub3A_674, %mul3A_672 : vector<16xf32>
      %mul3A_676 = arith.mulf %sub3A_675, %get3A_248 : vector<16xf32>
      %exp3A_677 = math.exp %mul3A_676 : vector<16xf32>
      %mul3A_678 = arith.mulf %sub3A_675, %get3A_253 : vector<16xf32>
      %exp3A_679 = math.exp %mul3A_678 : vector<16xf32>
      %sub3A_680 = arith.subf %mul3A_672, %get3A_278 : vector<16xf32>
      %mul3A_681 = arith.mulf %sub3A_680, %sub3A_680 : vector<16xf32>
      %mul3A_682 = arith.mulf %mul3A_681, %mul3A_681 : vector<16xf32>
      %mul3A_683 = arith.mulf %mul3A_682, %mul3A_682 : vector<16xf32>
      %mul3A_684 = arith.mulf %mul3A_683, %mul3A_683 : vector<16xf32>
      %mul3A_685 = arith.mulf %mul3A_684, %mul3A_682 : vector<16xf32>
      %add3A_686 = arith.constant 1.000000e+00 : f32
      %add3A_687 = vector.broadcast %add3A_686 : f32 to vector<16xf32>
      %add3A_688 = arith.addf %add3A_687, %mul3A_685 : vector<16xf32>
      %sub3A_689 = arith.subf %mul3A_672, %get3A_273 : vector<16xf32>
      %mul3A_690 = arith.mulf %sub3A_689, %sub3A_689 : vector<16xf32>
      %mul3A_691 = arith.mulf %mul3A_690, %mul3A_690 : vector<16xf32>
      %mul3A_692 = arith.mulf %mul3A_691, %mul3A_691 : vector<16xf32>
      %mul3A_693 = arith.mulf %mul3A_692, %mul3A_692 : vector<16xf32>
      %mul3A_694 = arith.mulf %mul3A_693, %mul3A_691 : vector<16xf32>
      %add3A_695 = arith.constant 1.000000e+00 : f32
      %add3A_696 = vector.broadcast %add3A_695 : f32 to vector<16xf32>
      %add3A_697 = arith.addf %add3A_696, %mul3A_694 : vector<16xf32>
      %div3A_698 = arith.constant 1.000000e+00 : f32
      %div3A_699 = vector.broadcast %div3A_698 : f32 to vector<16xf32>
      %div3A_700 = arith.divf %div3A_699, %add3A_697 : vector<16xf32>
      %mul3A_701 = arith.mulf %get3A_258, %exp3A_677 : vector<16xf32>
      %div3A_702 = arith.divf %mul3A_701, %add3A_688 : vector<16xf32>
      %mul3A_703 = arith.mulf %get3A_263, %exp3A_679 : vector<16xf32>
      %mul3A_704 = arith.mulf %mul3A_703, %div3A_700 : vector<16xf32>
      %mul3A_705 = arith.mulf %get3A_268, %div3A_702 : vector<16xf32>
      %sub3A_706 = arith.subf %mul3A_704, %mul3A_705 : vector<16xf32>
      %div3A_707 = arith.divf %div3A_702, %div3A_665 : vector<16xf32>
      %mul3A_708 = arith.mulf %div3A_707, %sub3A_671 : vector<16xf32>
      %div3A_709 = arith.divf %div3A_665, %div3A_702 : vector<16xf32>
      %mul3A_710 = arith.mulf %div3A_709, %sub3A_706 : vector<16xf32>
      %add3A_711 = arith.addf %mul3A_708, %mul3A_710 : vector<16xf32>
      %le3A_712 = arith.constant 5.000000e+00 : f32
      %le3A_713 = vector.broadcast %le3A_712 : f32 to vector<16xf32>
      %le3A_714 = arith.cmpf ole, %mul3A_628, %le3A_713 : vector<16xf32>
      %jit3A_715 = arith.constant 0.000000e+00 : f32
      %broadcast_in_dim3A_716 = vector.broadcast %jit3A_715 : f32 to vector<16xf32>
      %select_n3A_717 = arith.select %le3A_714, %add3A_711, %broadcast_in_dim3A_716 : vector<16xi1>, vector<16xf32>
      %sub3A_718 = vector.broadcast %squeeze3A : f32 to vector<16xf32>
      %sub3A_719 = arith.subf %get3A_285, %sub3A_718 : vector<16xf32>
      %sub3A_720 = vector.broadcast %squeeze3A_34 : f32 to vector<16xf32>
      %sub3A_721 = arith.subf %get3A_290, %sub3A_720 : vector<16xf32>
      %sub3A_722 = vector.broadcast %squeeze3A_41 : f32 to vector<16xf32>
      %sub3A_723 = arith.subf %get3A_295, %sub3A_722 : vector<16xf32>
      %mul3A_724 = arith.mulf %sub3A_719, %sub3A_719 : vector<16xf32>
      %mul3A_725 = arith.mulf %sub3A_721, %sub3A_721 : vector<16xf32>
      %add3A_726 = arith.addf %mul3A_724, %mul3A_725 : vector<16xf32>
      %mul3A_727 = arith.mulf %sub3A_723, %sub3A_723 : vector<16xf32>
      %add3A_728 = arith.addf %add3A_726, %mul3A_727 : vector<16xf32>
      %bitcast_convert_type3A_729 = tpu.bitcast %add3A_728 : vector<16xf32> -> vector<16xi32>
      %shift_right_logical3A_730 = arith.constant 1 : i32
      %shift_right_logical3A_731 = vector.broadcast %shift_right_logical3A_730 : i32 to vector<16xi32>
      %shift_right_logical3A_732 = arith.shrui %bitcast_convert_type3A_729, %shift_right_logical3A_731 : vector<16xi32>
      %sub3A_733 = arith.constant 1597463007 : i32
      %sub3A_734 = vector.broadcast %sub3A_733 : i32 to vector<16xi32>
      %sub3A_735 = arith.subi %sub3A_734, %shift_right_logical3A_732 : vector<16xi32>
      %bitcast_convert_type3A_736 = tpu.bitcast %sub3A_735 : vector<16xi32> -> vector<16xf32>
      %mul3A_737 = arith.constant -5.000000e-01 : f32
      %mul3A_738 = vector.broadcast %mul3A_737 : f32 to vector<16xf32>
      %mul3A_739 = arith.mulf %mul3A_738, %add3A_728 : vector<16xf32>
      %mul3A_740 = arith.mulf %mul3A_739, %bitcast_convert_type3A_736 : vector<16xf32>
      %mul3A_741 = arith.mulf %mul3A_740, %bitcast_convert_type3A_736 : vector<16xf32>
      %add3A_742 = arith.constant 1.500000e+00 : f32
      %add3A_743 = vector.broadcast %add3A_742 : f32 to vector<16xf32>
      %add3A_744 = arith.addf %add3A_743, %mul3A_741 : vector<16xf32>
      %mul3A_745 = arith.mulf %bitcast_convert_type3A_736, %add3A_744 : vector<16xf32>
      %mul3A_746 = arith.mulf %mul3A_739, %mul3A_745 : vector<16xf32>
      %mul3A_747 = arith.mulf %mul3A_746, %mul3A_745 : vector<16xf32>
      %add3A_748 = arith.constant 1.500000e+00 : f32
      %add3A_749 = vector.broadcast %add3A_748 : f32 to vector<16xf32>
      %add3A_750 = arith.addf %add3A_749, %mul3A_747 : vector<16xf32>
      %mul3A_751 = arith.mulf %mul3A_745, %add3A_750 : vector<16xf32>
      %mul3A_752 = arith.mulf %mul3A_739, %mul3A_751 : vector<16xf32>
      %mul3A_753 = arith.mulf %mul3A_752, %mul3A_751 : vector<16xf32>
      %add3A_754 = arith.constant 1.500000e+00 : f32
      %add3A_755 = vector.broadcast %add3A_754 : f32 to vector<16xf32>
      %add3A_756 = arith.addf %add3A_755, %mul3A_753 : vector<16xf32>
      %mul3A_757 = arith.mulf %mul3A_751, %add3A_756 : vector<16xf32>
      %mul3A_758 = arith.mulf %add3A_728, %mul3A_757 : vector<16xf32>
      %mul3A_759 = vector.broadcast %squeeze3A_48 : f32 to vector<16xf32>
      %mul3A_760 = arith.mulf %mul3A_758, %mul3A_759 : vector<16xf32>
      %sub3A_761 = arith.constant 1.000000e+00 : f32
      %sub3A_762 = vector.broadcast %sub3A_761 : f32 to vector<16xf32>
      %sub3A_763 = arith.subf %sub3A_762, %mul3A_760 : vector<16xf32>
      %mul3A_764 = vector.broadcast %squeeze3A_55 : f32 to vector<16xf32>
      %mul3A_765 = arith.mulf %sub3A_763, %mul3A_764 : vector<16xf32>
      %exp3A_766 = math.exp %mul3A_765 : vector<16xf32>
      %mul3A_767 = vector.broadcast %squeeze3A_62 : f32 to vector<16xf32>
      %mul3A_768 = arith.mulf %sub3A_763, %mul3A_767 : vector<16xf32>
      %exp3A_769 = math.exp %mul3A_768 : vector<16xf32>
      %sub3A_770 = vector.broadcast %squeeze3A_97 : f32 to vector<16xf32>
      %sub3A_771 = arith.subf %mul3A_760, %sub3A_770 : vector<16xf32>
      %mul3A_772 = arith.mulf %sub3A_771, %sub3A_771 : vector<16xf32>
      %mul3A_773 = arith.mulf %mul3A_772, %mul3A_772 : vector<16xf32>
      %mul3A_774 = arith.mulf %mul3A_773, %mul3A_773 : vector<16xf32>
      %mul3A_775 = arith.mulf %mul3A_774, %mul3A_774 : vector<16xf32>
      %mul3A_776 = arith.mulf %mul3A_775, %mul3A_773 : vector<16xf32>
      %add3A_777 = arith.constant 1.000000e+00 : f32
      %add3A_778 = vector.broadcast %add3A_777 : f32 to vector<16xf32>
      %add3A_779 = arith.addf %add3A_778, %mul3A_776 : vector<16xf32>
      %sub3A_780 = vector.broadcast %squeeze3A_90 : f32 to vector<16xf32>
      %sub3A_781 = arith.subf %mul3A_760, %sub3A_780 : vector<16xf32>
      %mul3A_782 = arith.mulf %sub3A_781, %sub3A_781 : vector<16xf32>
      %mul3A_783 = arith.mulf %mul3A_782, %mul3A_782 : vector<16xf32>
      %mul3A_784 = arith.mulf %mul3A_783, %mul3A_783 : vector<16xf32>
      %mul3A_785 = arith.mulf %mul3A_784, %mul3A_784 : vector<16xf32>
      %mul3A_786 = arith.mulf %mul3A_785, %mul3A_783 : vector<16xf32>
      %add3A_787 = arith.constant 1.000000e+00 : f32
      %add3A_788 = vector.broadcast %add3A_787 : f32 to vector<16xf32>
      %add3A_789 = arith.addf %add3A_788, %mul3A_786 : vector<16xf32>
      %div3A_790 = arith.constant 1.000000e+00 : f32
      %div3A_791 = vector.broadcast %div3A_790 : f32 to vector<16xf32>
      %div3A_792 = arith.divf %div3A_791, %add3A_789 : vector<16xf32>
      %mul3A_793 = vector.broadcast %squeeze3A_69 : f32 to vector<16xf32>
      %mul3A_794 = arith.mulf %mul3A_793, %exp3A_766 : vector<16xf32>
      %div3A_795 = arith.divf %mul3A_794, %add3A_779 : vector<16xf32>
      %mul3A_796 = vector.broadcast %squeeze3A_76 : f32 to vector<16xf32>
      %mul3A_797 = arith.mulf %mul3A_796, %exp3A_769 : vector<16xf32>
      %mul3A_798 = arith.mulf %mul3A_797, %div3A_792 : vector<16xf32>
      %mul3A_799 = vector.broadcast %squeeze3A_83 : f32 to vector<16xf32>
      %mul3A_800 = arith.mulf %mul3A_799, %div3A_795 : vector<16xf32>
      %sub3A_801 = arith.subf %mul3A_798, %mul3A_800 : vector<16xf32>
      %mul3A_802 = arith.mulf %mul3A_758, %get3A_300 : vector<16xf32>
      %sub3A_803 = arith.constant 1.000000e+00 : f32
      %sub3A_804 = vector.broadcast %sub3A_803 : f32 to vector<16xf32>
      %sub3A_805 = arith.subf %sub3A_804, %mul3A_802 : vector<16xf32>
      %mul3A_806 = arith.mulf %sub3A_805, %get3A_305 : vector<16xf32>
      %exp3A_807 = math.exp %mul3A_806 : vector<16xf32>
      %mul3A_808 = arith.mulf %sub3A_805, %get3A_310 : vector<16xf32>
      %exp3A_809 = math.exp %mul3A_808 : vector<16xf32>
      %sub3A_810 = arith.subf %mul3A_802, %get3A_335 : vector<16xf32>
      %mul3A_811 = arith.mulf %sub3A_810, %sub3A_810 : vector<16xf32>
      %mul3A_812 = arith.mulf %mul3A_811, %mul3A_811 : vector<16xf32>
      %mul3A_813 = arith.mulf %mul3A_812, %mul3A_812 : vector<16xf32>
      %mul3A_814 = arith.mulf %mul3A_813, %mul3A_813 : vector<16xf32>
      %mul3A_815 = arith.mulf %mul3A_814, %mul3A_812 : vector<16xf32>
      %add3A_816 = arith.constant 1.000000e+00 : f32
      %add3A_817 = vector.broadcast %add3A_816 : f32 to vector<16xf32>
      %add3A_818 = arith.addf %add3A_817, %mul3A_815 : vector<16xf32>
      %sub3A_819 = arith.subf %mul3A_802, %get3A_330 : vector<16xf32>
      %mul3A_820 = arith.mulf %sub3A_819, %sub3A_819 : vector<16xf32>
      %mul3A_821 = arith.mulf %mul3A_820, %mul3A_820 : vector<16xf32>
      %mul3A_822 = arith.mulf %mul3A_821, %mul3A_821 : vector<16xf32>
      %mul3A_823 = arith.mulf %mul3A_822, %mul3A_822 : vector<16xf32>
      %mul3A_824 = arith.mulf %mul3A_823, %mul3A_821 : vector<16xf32>
      %add3A_825 = arith.constant 1.000000e+00 : f32
      %add3A_826 = vector.broadcast %add3A_825 : f32 to vector<16xf32>
      %add3A_827 = arith.addf %add3A_826, %mul3A_824 : vector<16xf32>
      %div3A_828 = arith.constant 1.000000e+00 : f32
      %div3A_829 = vector.broadcast %div3A_828 : f32 to vector<16xf32>
      %div3A_830 = arith.divf %div3A_829, %add3A_827 : vector<16xf32>
      %mul3A_831 = arith.mulf %get3A_315, %exp3A_807 : vector<16xf32>
      %div3A_832 = arith.divf %mul3A_831, %add3A_818 : vector<16xf32>
      %mul3A_833 = arith.mulf %get3A_320, %exp3A_809 : vector<16xf32>
      %mul3A_834 = arith.mulf %mul3A_833, %div3A_830 : vector<16xf32>
      %mul3A_835 = arith.mulf %get3A_325, %div3A_832 : vector<16xf32>
      %sub3A_836 = arith.subf %mul3A_834, %mul3A_835 : vector<16xf32>
      %div3A_837 = arith.divf %div3A_832, %div3A_795 : vector<16xf32>
      %mul3A_838 = arith.mulf %div3A_837, %sub3A_801 : vector<16xf32>
      %div3A_839 = arith.divf %div3A_795, %div3A_832 : vector<16xf32>
      %mul3A_840 = arith.mulf %div3A_839, %sub3A_836 : vector<16xf32>
      %add3A_841 = arith.addf %mul3A_838, %mul3A_840 : vector<16xf32>
      %le3A_842 = arith.constant 5.000000e+00 : f32
      %le3A_843 = vector.broadcast %le3A_842 : f32 to vector<16xf32>
      %le3A_844 = arith.cmpf ole, %mul3A_758, %le3A_843 : vector<16xf32>
      %jit3A_845 = arith.constant 0.000000e+00 : f32
      %broadcast_in_dim3A_846 = vector.broadcast %jit3A_845 : f32 to vector<16xf32>
      %select_n3A_847 = arith.select %le3A_844, %add3A_841, %broadcast_in_dim3A_846 : vector<16xi1>, vector<16xf32>
      %iota3A = tpu.iota {dimensions = array<i32: 0>} : vector<16xi32>
      %add3A_848 = arith.constant 1009 : i32
      %add3A_849 = vector.broadcast %add3A_848 : i32 to vector<16xi32>
      %add3A_850 = arith.addi %add3A_849, %iota3A : vector<16xi32>
      %eq3A = arith.constant 1024 : i32
      %eq3A_851 = vector.broadcast %eq3A : i32 to vector<16xi32>
      %eq3A_852 = arith.cmpi eq, %add3A_850, %eq3A_851 : vector<16xi32>
      %jit3A_853 = arith.constant 5.000000e-01 : f32
      %jit3A_854 = arith.constant 1.000000e+00 : f32
      %broadcast_in_dim3A_855 = vector.broadcast %jit3A_853 : f32 to vector<16xf32>
      %broadcast_in_dim3A_856 = vector.broadcast %jit3A_854 : f32 to vector<16xf32>
      %select_n3A_857 = arith.select %eq3A_852, %broadcast_in_dim3A_855, %broadcast_in_dim3A_856 : vector<16xi1>, vector<16xf32>
      %mul3A_858 = arith.constant 1.000000e+00 : f32
      %mul3A_859 = vector.broadcast %mul3A_858 : f32 to vector<16xf32>
      %mul3A_860 = arith.mulf %select_n3A, %mul3A_859 : vector<16xf32>
      %add3A_861 = arith.addf %scan3A_104#0, %mul3A_860 : vector<16xf32>
      %mul3A_862 = arith.constant 1.000000e+00 : f32
      %mul3A_863 = vector.broadcast %mul3A_862 : f32 to vector<16xf32>
      %mul3A_864 = arith.mulf %div3A_445, %mul3A_863 : vector<16xf32>
      %add3A_865 = arith.addf %scan3A_104#1, %mul3A_864 : vector<16xf32>
      %mul3A_866 = arith.constant 1.000000e+00 : f32
      %mul3A_867 = vector.broadcast %mul3A_866 : f32 to vector<16xf32>
      %mul3A_868 = arith.mulf %select_n3A_587, %mul3A_867 : vector<16xf32>
      %add3A_869 = arith.addf %add3A_861, %mul3A_868 : vector<16xf32>
      %mul3A_870 = arith.constant 1.000000e+00 : f32
      %mul3A_871 = vector.broadcast %mul3A_870 : f32 to vector<16xf32>
      %mul3A_872 = arith.mulf %div3A_572, %mul3A_871 : vector<16xf32>
      %add3A_873 = arith.addf %add3A_865, %mul3A_872 : vector<16xf32>
      %mul3A_874 = arith.constant 1.000000e+00 : f32
      %mul3A_875 = vector.broadcast %mul3A_874 : f32 to vector<16xf32>
      %mul3A_876 = arith.mulf %select_n3A_717, %mul3A_875 : vector<16xf32>
      %add3A_877 = arith.addf %add3A_869, %mul3A_876 : vector<16xf32>
      %mul3A_878 = arith.constant 1.000000e+00 : f32
      %mul3A_879 = vector.broadcast %mul3A_878 : f32 to vector<16xf32>
      %mul3A_880 = arith.mulf %div3A_702, %mul3A_879 : vector<16xf32>
      %add3A_881 = arith.addf %add3A_873, %mul3A_880 : vector<16xf32>
      %mul3A_882 = arith.mulf %select_n3A_847, %select_n3A_857 : vector<16xf32>
      %add3A_883 = arith.addf %add3A_877, %mul3A_882 : vector<16xf32>
      %mul3A_884 = arith.mulf %div3A_832, %select_n3A_857 : vector<16xf32>
      %add3A_885 = arith.addf %add3A_881, %mul3A_884 : vector<16xf32>
      %add3A_886 = arith.constant 0 : i32
      %add3A_887 = arith.addi %add3A_107, %add3A_886 : i32
      %mul3A_888 = arith.constant 1.000000e+00 : f32
      %mul3A_889 = vector.broadcast %mul3A_888 : f32 to vector<16xf32>
      %mul3A_890 = arith.mulf %div3A_408, %mul3A_889 : vector<16xf32>
      %swap3A_891 = arith.index_cast %add3A_887 : i32 to index
      %swap3A_892 = tpu.vector_load %arg8[%swap3A_891] {strides = array<i32>} : memref<4096xf32, #tpu.memory_space<vmem>>, vector<16xf32>,
      %swap3A_893 = vector.shape_cast %swap3A_892 : vector<16xf32> to vector<16xf32>
      %swap3A_894 = vector.shape_cast %mul3A_890 : vector<16xf32> to vector<16xf32>
      tpu.vector_store %arg8[%swap3A_891], %swap3A_894 {add = true, strides = array<i32>} : memref<4096xf32, #tpu.memory_space<vmem>>, vector<16xf32>,
      %add3A_895 = arith.constant 16 : i32
      %add3A_896 = arith.addi %add3A_107, %add3A_895 : i32
      %mul3A_897 = arith.constant 1.000000e+00 : f32
      %mul3A_898 = vector.broadcast %mul3A_897 : f32 to vector<16xf32>
      %mul3A_899 = arith.mulf %div3A_535, %mul3A_898 : vector<16xf32>
      %swap3A_900 = arith.index_cast %add3A_896 : i32 to index
      %swap3A_901 = tpu.vector_load %arg8[%swap3A_900] {strides = array<i32>} : memref<4096xf32, #tpu.memory_space<vmem>>, vector<16xf32>,
      %swap3A_902 = vector.shape_cast %swap3A_901 : vector<16xf32> to vector<16xf32>
      %swap3A_903 = vector.shape_cast %mul3A_899 : vector<16xf32> to vector<16xf32>
      tpu.vector_store %arg8[%swap3A_900], %swap3A_903 {add = true, strides = array<i32>} : memref<4096xf32, #tpu.memory_space<vmem>>, vector<16xf32>,
      %add3A_904 = arith.constant 32 : i32
      %add3A_905 = arith.addi %add3A_107, %add3A_904 : i32
      %mul3A_906 = arith.constant 1.000000e+00 : f32
      %mul3A_907 = vector.broadcast %mul3A_906 : f32 to vector<16xf32>
      %mul3A_908 = arith.mulf %div3A_665, %mul3A_907 : vector<16xf32>
      %swap3A_909 = arith.index_cast %add3A_905 : i32 to index
      %swap3A_910 = tpu.vector_load %arg8[%swap3A_909] {strides = array<i32>} : memref<4096xf32, #tpu.memory_space<vmem>>, vector<16xf32>,
      %swap3A_911 = vector.shape_cast %swap3A_910 : vector<16xf32> to vector<16xf32>
      %swap3A_912 = vector.shape_cast %mul3A_908 : vector<16xf32> to vector<16xf32>
      tpu.vector_store %arg8[%swap3A_909], %swap3A_912 {add = true, strides = array<i32>} : memref<4096xf32, #tpu.memory_space<vmem>>, vector<16xf32>,
      %add3A_913 = arith.constant 48 : i32
      %add3A_914 = arith.addi %add3A_107, %add3A_913 : i32
      %mul3A_915 = arith.mulf %div3A_795, %select_n3A_857 : vector<16xf32>
      %swap3A_916 = arith.index_cast %add3A_914 : i32 to index
      %swap3A_917 = tpu.vector_load %arg8[%swap3A_916] {strides = array<i32>} : memref<4096xf32, #tpu.memory_space<vmem>>, vector<16xf32>,
      %swap3A_918 = vector.shape_cast %swap3A_917 : vector<16xf32> to vector<16xf32>
      %swap3A_919 = vector.shape_cast %mul3A_915 : vector<16xf32> to vector<16xf32>
      tpu.vector_store %arg8[%swap3A_916], %swap3A_919 {add = true, strides = array<i32>} : memref<4096xf32, #tpu.memory_space<vmem>>, vector<16xf32>,
      %mul3A_920 = arith.constant 16 : i32
      %mul3A_921 = arith.muli %scan3A_21, %mul3A_920 : i32
      %swap3A_922 = arith.index_cast %mul3A_921 : i32 to index
      %swap3A_923 = tpu.vector_load %arg7[%swap3A_922] {strides = array<i32>} : memref<1024xf32, #tpu.memory_space<vmem>>, vector<16xf32>,
      %swap3A_924 = vector.shape_cast %swap3A_923 : vector<16xf32> to vector<16xf32>
      %swap3A_925 = vector.shape_cast %add3A_885 : vector<16xf32> to vector<16xf32>
      tpu.vector_store %arg7[%swap3A_922], %swap3A_925 {strides = array<i32>} : memref<1024xf32, #tpu.memory_space<vmem>>, vector<16xf32>,
      %add3A_926 = arith.addf %scan3A_22, %add3A_883 : vector<16xf32>
      scf.yield %add3A_926 : vector<16xf32>
    }
    %scan3A_15 = arith.constant 64 : i32
    %swap3A = arith.constant 0 : index
    %swap3A_16 = tpu.vector_load %arg9[%swap3A] {strides = array<i32>} : memref<16xf32, #tpu.memory_space<vmem>>, vector<16xf32>,
    %swap3A_17 = vector.shape_cast %swap3A_16 : vector<16xf32> to vector<16xf32>
    %swap3A_18 = vector.shape_cast %scan3A_14 : vector<16xf32> to vector<16xf32>
    tpu.vector_store %arg9[%swap3A], %swap3A_18 {strides = array<i32>} : memref<16xf32, #tpu.memory_space<vmem>>, vector<16xf32>,
    %mul3A_19 = arith.constant 16 : i32
    %mul3A_20 = arith.muli %mul3A_2, %mul3A_19 : i32
    "tpu.region"() ({
      %run_scoped3A = tpu.sem_alloc : memref<!tpu.dma_semaphore, #tpu.memory_space<semaphore_mem>>
      %dma_start3A = tpu.memref_slice %arg3[%mul3A_20] : memref<32768xf32, #tpu.memory_space<hbm>> -> memref<1024xf32, #tpu.memory_space<hbm>>
      %dma_start3A_21 = tpu.memref_slice %arg3[%mul3A_20] : memref<32768xf32, #tpu.memory_space<hbm>> -> memref<1024xf32, #tpu.memory_space<hbm>>
      tpu.enqueue_dma source(%arg7 : memref<1024xf32, #tpu.memory_space<vmem>>) target(%dma_start3A_21 : memref<1024xf32, #tpu.memory_space<hbm>>) target_semaphore(%run_scoped3A : memref<!tpu.dma_semaphore, #tpu.memory_space<semaphore_mem>>)
      %dma_wait3A = tpu.memref_slice %arg3[%mul3A_20] : memref<32768xf32, #tpu.memory_space<hbm>> -> memref<1024xf32, #tpu.memory_space<hbm>>
      %dma_wait3A_22 = tpu.memref_slice %arg3[%mul3A_20] : memref<32768xf32, #tpu.memory_space<hbm>> -> memref<1024xf32, #tpu.memory_space<hbm>>
      tpu.wait_dma2 semaphore(%run_scoped3A : memref<!tpu.dma_semaphore, #tpu.memory_space<semaphore_mem>>) src(%arg7 : memref<1024xf32, #tpu.memory_space<vmem>>) dst(%dma_wait3A_22 : memref<1024xf32, #tpu.memory_space<hbm>>)
      tpu.yield
    }) : () -> ()
    "tpu.region"() ({
      %run_scoped3A = tpu.sem_alloc : memref<!tpu.dma_semaphore, #tpu.memory_space<semaphore_mem>>
      %dma_start3A = arith.constant 0 : i32
      %dma_start3A_21 = tpu.memref_slice %arg4[%add3A, %dma_start3A] : memref<32x4096xf32, #tpu.memory_space<hbm>> -> memref<1x4096xf32, #tpu.memory_space<hbm>>
      %dma_start3A_22 = tpu.memref_squeeze %dma_start3A_21 : memref<1x4096xf32, #tpu.memory_space<hbm>> -> memref<4096xf32, #tpu.memory_space<hbm>>
      %dma_start3A_23 = arith.constant 0 : i32
      %dma_start3A_24 = tpu.memref_slice %arg4[%add3A, %dma_start3A_23] : memref<32x4096xf32, #tpu.memory_space<hbm>> -> memref<1x4096xf32, #tpu.memory_space<hbm>>
      %dma_start3A_25 = tpu.memref_squeeze %dma_start3A_24 : memref<1x4096xf32, #tpu.memory_space<hbm>> -> memref<4096xf32, #tpu.memory_space<hbm>>
      tpu.enqueue_dma source(%arg8 : memref<4096xf32, #tpu.memory_space<vmem>>) target(%dma_start3A_25 : memref<4096xf32, #tpu.memory_space<hbm>>) target_semaphore(%run_scoped3A : memref<!tpu.dma_semaphore, #tpu.memory_space<semaphore_mem>>)
      %dma_wait3A = arith.constant 0 : i32
      %dma_wait3A_26 = tpu.memref_slice %arg4[%add3A, %dma_wait3A] : memref<32x4096xf32, #tpu.memory_space<hbm>> -> memref<1x4096xf32, #tpu.memory_space<hbm>>
      %dma_wait3A_27 = tpu.memref_squeeze %dma_wait3A_26 : memref<1x4096xf32, #tpu.memory_space<hbm>> -> memref<4096xf32, #tpu.memory_space<hbm>>
      %dma_wait3A_28 = arith.constant 0 : i32
      %dma_wait3A_29 = tpu.memref_slice %arg4[%add3A, %dma_wait3A_28] : memref<32x4096xf32, #tpu.memory_space<hbm>> -> memref<1x4096xf32, #tpu.memory_space<hbm>>
      %dma_wait3A_30 = tpu.memref_squeeze %dma_wait3A_29 : memref<1x4096xf32, #tpu.memory_space<hbm>> -> memref<4096xf32, #tpu.memory_space<hbm>>
      tpu.wait_dma2 semaphore(%run_scoped3A : memref<!tpu.dma_semaphore, #tpu.memory_space<semaphore_mem>>) src(%arg8 : memref<4096xf32, #tpu.memory_space<vmem>>) dst(%dma_wait3A_30 : memref<4096xf32, #tpu.memory_space<hbm>>)
      tpu.yield
    }) : () -> ()
    "tpu.region"() ({
      %run_scoped3A = tpu.sem_alloc : memref<!tpu.dma_semaphore, #tpu.memory_space<semaphore_mem>>
      %dma_start3A = arith.constant 0 : i32
      %dma_start3A_21 = tpu.memref_slice %arg5[%add3A, %dma_start3A] : memref<32x16xf32, #tpu.memory_space<hbm>> -> memref<1x16xf32, #tpu.memory_space<hbm>>
      %dma_start3A_22 = tpu.memref_squeeze %dma_start3A_21 : memref<1x16xf32, #tpu.memory_space<hbm>> -> memref<16xf32, #tpu.memory_space<hbm>>
      %dma_start3A_23 = arith.constant 0 : i32
      %dma_start3A_24 = tpu.memref_slice %arg5[%add3A, %dma_start3A_23] : memref<32x16xf32, #tpu.memory_space<hbm>> -> memref<1x16xf32, #tpu.memory_space<hbm>>
      %dma_start3A_25 = tpu.memref_squeeze %dma_start3A_24 : memref<1x16xf32, #tpu.memory_space<hbm>> -> memref<16xf32, #tpu.memory_space<hbm>>
      tpu.enqueue_dma source(%arg9 : memref<16xf32, #tpu.memory_space<vmem>>) target(%dma_start3A_25 : memref<16xf32, #tpu.memory_space<hbm>>) target_semaphore(%run_scoped3A : memref<!tpu.dma_semaphore, #tpu.memory_space<semaphore_mem>>)
      %dma_wait3A = arith.constant 0 : i32
      %dma_wait3A_26 = tpu.memref_slice %arg5[%add3A, %dma_wait3A] : memref<32x16xf32, #tpu.memory_space<hbm>> -> memref<1x16xf32, #tpu.memory_space<hbm>>
      %dma_wait3A_27 = tpu.memref_squeeze %dma_wait3A_26 : memref<1x16xf32, #tpu.memory_space<hbm>> -> memref<16xf32, #tpu.memory_space<hbm>>
      %dma_wait3A_28 = arith.constant 0 : i32
      %dma_wait3A_29 = tpu.memref_slice %arg5[%add3A, %dma_wait3A_28] : memref<32x16xf32, #tpu.memory_space<hbm>> -> memref<1x16xf32, #tpu.memory_space<hbm>>
      %dma_wait3A_30 = tpu.memref_squeeze %dma_wait3A_29 : memref<1x16xf32, #tpu.memory_space<hbm>> -> memref<16xf32, #tpu.memory_space<hbm>>
      tpu.wait_dma2 semaphore(%run_scoped3A : memref<!tpu.dma_semaphore, #tpu.memory_space<semaphore_mem>>) src(%arg9 : memref<16xf32, #tpu.memory_space<vmem>>) dst(%dma_wait3A_30 : memref<16xf32, #tpu.memory_space<hbm>>)
      tpu.yield
    }) : () -> ()
    return
  }
}

module attributes {stable_mosaic.version = 14 : i64} {
  func.func @_tc_tail_kernel(%arg0: memref<16x2048xf32, #tpu.memory_space<vmem>>, %arg1: memref<32x4096xf32, #tpu.memory_space<vmem>>, %arg2: memref<22x2048xf32, #tpu.memory_space<vmem>>, %arg3: memref<32x16xf32, #tpu.memory_space<vmem>>, %arg4: memref<1x1xf32, #tpu.memory_space<vmem>>) attributes {dimension_semantics = [], scalar_prefetch = 0 : i64, scratch_operands = 0 : i64, tpu.core_type = #tpu.core_type<tc>} {
    %get3A = arith.constant 0 : index
    %get3A_0 = arith.constant 0 : index
    %get3A_1 = vector.load %arg1[%get3A, %get3A_0] : memref<32x4096xf32, #tpu.memory_space<vmem>>, vector<32x4096xf32>
    %reduce_sum3A = arith.constant dense<0.000000e+00> : vector<4096xf32>
    %reduce_sum3A_2 = vector.multi_reduction <add>, %get3A_1, %reduce_sum3A [0] : vector<32x4096xf32> to vector<4096xf32>
    %broadcast_in_dim3A = vector.shape_cast %reduce_sum3A_2 : vector<4096xf32> to vector<1x4096xf32>
    %get3A_3 = arith.constant 0 : index
    %get3A_4 = arith.constant 0 : index
    %get3A_5 = vector.load %arg0[%get3A_3, %get3A_4] : memref<16x2048xf32, #tpu.memory_space<vmem>>, vector<16x2048xf32>
    %reduce_sum3A_6 = arith.constant dense<0.000000e+00> : vector<2048xf32>
    %reduce_sum3A_7 = vector.multi_reduction <add>, %get3A_5, %reduce_sum3A_6 [0] : vector<16x2048xf32> to vector<2048xf32>
    %broadcast_in_dim3A_8 = vector.shape_cast %reduce_sum3A_7 : vector<2048xf32> to vector<1x2048xf32>
    %slice3A = vector.extract_strided_slice %broadcast_in_dim3A {offsets = [0, 0], sizes = [1, 2048], strides = [1, 1]} : vector<1x4096xf32> to vector<1x2048xf32>
    %add3A = arith.addf %broadcast_in_dim3A_8, %slice3A : vector<1x2048xf32>
    %slice3A_9 = vector.extract_strided_slice %broadcast_in_dim3A {offsets = [0, 2048], sizes = [1, 2048], strides = [1, 1]} : vector<1x4096xf32> to vector<1x2048xf32>
    %add3A_10 = arith.addf %add3A, %slice3A_9 : vector<1x2048xf32>
    %get3A_11 = arith.constant 10 : index
    %get3A_12 = arith.constant 0 : index
    %get3A_13 = vector.load %arg2[%get3A_11, %get3A_12] : memref<22x2048xf32, #tpu.memory_space<vmem>>, vector<1x2048xf32>
    %get3A_14 = arith.constant 11 : index
    %get3A_15 = arith.constant 0 : index
    %get3A_16 = vector.load %arg2[%get3A_14, %get3A_15] : memref<22x2048xf32, #tpu.memory_space<vmem>>, vector<1x2048xf32>
    %get3A_17 = arith.constant 12 : index
    %get3A_18 = arith.constant 0 : index
    %get3A_19 = vector.load %arg2[%get3A_17, %get3A_18] : memref<22x2048xf32, #tpu.memory_space<vmem>>, vector<1x2048xf32>
    %get3A_20 = arith.constant 13 : index
    %get3A_21 = arith.constant 0 : index
    %get3A_22 = vector.load %arg2[%get3A_20, %get3A_21] : memref<22x2048xf32, #tpu.memory_space<vmem>>, vector<1x2048xf32>
    %get3A_23 = arith.constant 14 : index
    %get3A_24 = arith.constant 0 : index
    %get3A_25 = vector.load %arg2[%get3A_23, %get3A_24] : memref<22x2048xf32, #tpu.memory_space<vmem>>, vector<1x2048xf32>
    %get3A_26 = arith.constant 15 : index
    %get3A_27 = arith.constant 0 : index
    %get3A_28 = vector.load %arg2[%get3A_26, %get3A_27] : memref<22x2048xf32, #tpu.memory_space<vmem>>, vector<1x2048xf32>
    %get3A_29 = arith.constant 16 : index
    %get3A_30 = arith.constant 0 : index
    %get3A_31 = vector.load %arg2[%get3A_29, %get3A_30] : memref<22x2048xf32, #tpu.memory_space<vmem>>, vector<1x2048xf32>
    %get3A_32 = arith.constant 17 : index
    %get3A_33 = arith.constant 0 : index
    %get3A_34 = vector.load %arg2[%get3A_32, %get3A_33] : memref<22x2048xf32, #tpu.memory_space<vmem>>, vector<1x2048xf32>
    %get3A_35 = arith.constant 19 : index
    %get3A_36 = arith.constant 0 : index
    %get3A_37 = vector.load %arg2[%get3A_35, %get3A_36] : memref<22x2048xf32, #tpu.memory_space<vmem>>, vector<1x2048xf32>
    %get3A_38 = arith.constant 20 : index
    %get3A_39 = arith.constant 0 : index
    %get3A_40 = vector.load %arg2[%get3A_38, %get3A_39] : memref<22x2048xf32, #tpu.memory_space<vmem>>, vector<1x2048xf32>
    %get3A_41 = arith.constant 2 : index
    %get3A_42 = arith.constant 0 : index
    %get3A_43 = vector.load %arg2[%get3A_41, %get3A_42] : memref<22x2048xf32, #tpu.memory_space<vmem>>, vector<1x2048xf32>
    %get3A_44 = arith.constant 21 : index
    %get3A_45 = arith.constant 0 : index
    %get3A_46 = vector.load %arg2[%get3A_44, %get3A_45] : memref<22x2048xf32, #tpu.memory_space<vmem>>, vector<1x2048xf32>
    %get3A_47 = arith.constant 3 : index
    %get3A_48 = arith.constant 0 : index
    %get3A_49 = vector.load %arg2[%get3A_47, %get3A_48] : memref<22x2048xf32, #tpu.memory_space<vmem>>, vector<1x2048xf32>
    %get3A_50 = arith.constant 18 : index
    %get3A_51 = arith.constant 0 : index
    %get3A_52 = vector.load %arg2[%get3A_50, %get3A_51] : memref<22x2048xf32, #tpu.memory_space<vmem>>, vector<1x2048xf32>
    %div3A = arith.divf %add3A_10, %get3A_40 : vector<1x2048xf32>
    %sub3A = arith.constant 1.000000e+00 : f32
    %sub3A_53 = vector.broadcast %sub3A : f32 to vector<1x2048xf32>
    %sub3A_54 = arith.subf %div3A, %sub3A_53 : vector<1x2048xf32>
    %mul3A = arith.mulf %get3A_22, %sub3A_54 : vector<1x2048xf32>
    %add3A_55 = arith.addf %get3A_19, %mul3A : vector<1x2048xf32>
    %mul3A_56 = arith.mulf %add3A_55, %sub3A_54 : vector<1x2048xf32>
    %add3A_57 = arith.addf %get3A_16, %mul3A_56 : vector<1x2048xf32>
    %mul3A_58 = arith.mulf %add3A_57, %sub3A_54 : vector<1x2048xf32>
    %add3A_59 = arith.addf %get3A_13, %mul3A_58 : vector<1x2048xf32>
    %div3A_60 = arith.divf %add3A_10, %get3A_43 : vector<1x2048xf32>
    %sub3A_61 = arith.constant 1.000000e+00 : f32
    %sub3A_62 = vector.broadcast %sub3A_61 : f32 to vector<1x2048xf32>
    %sub3A_63 = arith.subf %div3A_60, %sub3A_62 : vector<1x2048xf32>
    %mul3A_64 = arith.mulf %get3A_34, %sub3A_63 : vector<1x2048xf32>
    %add3A_65 = arith.addf %get3A_31, %mul3A_64 : vector<1x2048xf32>
    %mul3A_66 = arith.mulf %add3A_65, %sub3A_63 : vector<1x2048xf32>
    %add3A_67 = arith.addf %get3A_28, %mul3A_66 : vector<1x2048xf32>
    %mul3A_68 = arith.mulf %add3A_67, %sub3A_63 : vector<1x2048xf32>
    %add3A_69 = arith.addf %get3A_25, %mul3A_68 : vector<1x2048xf32>
    %div3A_70 = arith.divf %add3A_10, %get3A_49 : vector<1x2048xf32>
    %log3A = math.log %div3A_70 : vector<1x2048xf32>
    %mul3A_71 = arith.mulf %get3A_52, %log3A : vector<1x2048xf32>
    %exp3A = math.exp %mul3A_71 : vector<1x2048xf32>
    %sub3A_72 = arith.constant 1.000000e+00 : f32
    %sub3A_73 = vector.broadcast %sub3A_72 : f32 to vector<1x2048xf32>
    %sub3A_74 = arith.subf %sub3A_73, %mul3A_71 : vector<1x2048xf32>
    %mul3A_75 = arith.mulf %get3A_37, %sub3A_74 : vector<1x2048xf32>
    %mul3A_76 = arith.mulf %mul3A_75, %exp3A : vector<1x2048xf32>
    %lt3A = arith.cmpf olt, %add3A_10, %get3A_40 : vector<1x2048xf32>
    %lt3A_77 = arith.cmpf olt, %add3A_10, %get3A_46 : vector<1x2048xf32>
    %select_n3A = arith.select %lt3A_77, %add3A_69, %mul3A_76 : vector<1x2048xi1>, vector<1x2048xf32>
    %select_n3A_78 = arith.select %lt3A, %add3A_59, %select_n3A : vector<1x2048xi1>, vector<1x2048xf32>
    %reduce_sum3A_79 = vector.shape_cast %select_n3A_78 : vector<1x2048xf32> to vector<1x1x2048xf32>
    %reduce_sum3A_80 = arith.constant dense<0.000000e+00> : vector<1xf32>
    %reduce_sum3A_81 = vector.multi_reduction <add>, %reduce_sum3A_79, %reduce_sum3A_80 [1, 2] : vector<1x1x2048xf32> to vector<1xf32>
    %reduce_sum3A_82 = vector.shape_cast %reduce_sum3A_81 : vector<1xf32> to vector<1x1x1xf32>
    %reduce_sum3A_83 = vector.extract %reduce_sum3A_82[0, 0, 0] : f32 from vector<1x1x1xf32>
    %broadcast_in_dim3A_84 = vector.broadcast %reduce_sum3A_83 : f32 to vector<1x1xf32>
    %get3A_85 = arith.constant 0 : index
    %get3A_86 = arith.constant 0 : index
    %get3A_87 = vector.load %arg3[%get3A_85, %get3A_86] : memref<32x16xf32, #tpu.memory_space<vmem>>, vector<32x16xf32>
    %reduce_sum3A_88 = vector.shape_cast %get3A_87 : vector<32x16xf32> to vector<1x32x16xf32>
    %reduce_sum3A_89 = arith.constant dense<0.000000e+00> : vector<1xf32>
    %reduce_sum3A_90 = vector.multi_reduction <add>, %reduce_sum3A_88, %reduce_sum3A_89 [1, 2] : vector<1x32x16xf32> to vector<1xf32>
    %reduce_sum3A_91 = vector.shape_cast %reduce_sum3A_90 : vector<1xf32> to vector<1x1x1xf32>
    %reduce_sum3A_92 = vector.extract %reduce_sum3A_91[0, 0, 0] : f32 from vector<1x1x1xf32>
    %broadcast_in_dim3A_93 = vector.broadcast %reduce_sum3A_92 : f32 to vector<1x1xf32>
    %mul3A_94 = arith.constant 5.000000e-01 : f32
    %mul3A_95 = vector.broadcast %mul3A_94 : f32 to vector<1x1xf32>
    %mul3A_96 = arith.mulf %mul3A_95, %broadcast_in_dim3A_93 : vector<1x1xf32>
    %add3A_97 = arith.addf %broadcast_in_dim3A_84, %mul3A_96 : vector<1x1xf32>
    %swap3A = arith.constant 0 : index
    %swap3A_98 = arith.constant 0 : index
    %swap3A_99 = vector.load %arg4[%swap3A, %swap3A_98] : memref<1x1xf32, #tpu.memory_space<vmem>>, vector<1x1xf32>
    tpu.vector_store %arg4[%swap3A, %swap3A_98], %add3A_97 {strides = array<i32>} : memref<1x1xf32, #tpu.memory_space<vmem>>, vector<1x1xf32>,
    return
  }
}

</mosaic_0001>

<sc_bundles>
// kernel: kernel.4.cloned.1.call-start
scs
__scs_entry_jumppad:
0x0: {  	(pc) =	sbr.rel $0x88, $3  }
0x1: {  	(tag) =	ssettag $0x0;
	lr =	simm.s32 $0x1  }
0x2: {  	[smem:$0x3F9F] =	sst lr;
	_ =	strace $0xD0000000  }
0x3: {  	_ = 	snop  }
0x4: {  	_ = 	snop  }
0x5: {  	_ = 	snop  }
0x6: {  	_ = 	snop  }
0x7: {  	_ = 	snop  }
__scs_overlays_trampoline_lowered:
0x8: {  	[smem:$0x3FAE] =	sst s0  }
0x9: {  	[smem:$0x3FAF] =	sst s1  }
0xa: {  	[smem:$0x3FB0] =	sst s2  }
0xb: {  	[smem:$0x3FB1] =	sst s3  }
0xc: {  	[smem:$0x3FB2] =	sst s4  }
0xd: {  	[smem:$0x3FB3] =	sst s5  }
0xe: {  	[smem:$0x3FB4] =	sst s6  }
0xf: {  	[smem:$0x3FB5] =	sst s7  }
0x10: {  	[smem:$0x3FB6] =	sst s8  }
0x11: {  	[smem:$0x3FB7] =	sst s9;
	s0 =	simm.s32 @!p0 $0x0  }
0x12: {  	s1 =	sld [smem:$0x3F9D];
	s0 =	simm.s32 @p0 $0x1  }
0x13: {  	[smem:$0x3FB8] =	sst s0;
	s0 =	simm.s32 @!p1 $0x0  }
0x14: {  	s2 =	sld [smem:$0x3F9C];
	s0 =	simm.s32 @p1 $0x1  }
0x15: {  	[smem:$0x3FB9] =	sst s0;
	s0 =	simm.s32 @!p2 $0x0  }
0x16: {  	s3 =	sld [smem:$0x3FDB];
	s0 =	simm.s32 @p2 $0x1  }
0x17: {  	s4 =	simm.s32 $0x1BF5;
	[smem:$0x3FBB] =	sst s0  }
0x18: {  	s0 =	sld [smem:$0x3F9E];
	_ =	swait.ge [sflag:s4], $0x0  }
0x19: {  	s7 =	sld [smem:$0x3F9F]  }
0x1a: {  	s8 =	sadd.s32 $0xFFFFE003, lr  }
0x1b: {  	s9 =	sadd.s32 $0xFFFFFEF7, lr;
	s5 =	simm.s32 $0xFFFFFFFF;
	p2 =	slt.u32 s8, $0xFFFFF086  }
0x1c: {  	p1 =	slt.u32 s9, $0xF7A;
	s5 =	simm.s32 @!p2 $0x0  }
0x1d: {  	s5 =	simm.s32 @p1 $0x1;
	p0 =	seq.s32 s7, s2  }
0x1e: {  	s7 =	smul.u32 @!p0 $0xF7A, s2;
	p2 =	seq.s32 @!p0 s5, $0x0  }
0x1f: {  	s9 =	smul.u32 $0xF7A, s1;
	s8 =	simm.s32 @!p0 $0x1BF5;
	p2 =	por !p2, p0  }
0x20: {  	[sflag:s8] =	ssyncset.s32 @!p0 $0xFFFFF086;
	s6 =	sadd.s32 @!p0 s3, s7;
	s7 =	simm.s32 @!p0 $0x108  }
0x21: {  	s3 =	sadd.s32 s3, s9;
	s6 =	sadd.s32 @!p0 $0x88, s6;
	s7 =	simm.s32 @p2 $0x1082  }
0x22: {  	[simem:s7], [sflag:s8] =	dma.local @!p0 [hbm:s6], $0xF7A  }
0x23: {  	s9 =	sor.u32 $0xD0000000, s2;
	s6 =	simm.s32 $0x108;
	_ =	swait.ge @!p0 [sflag:s8], $0x0  }
0x24: {  	s3 =	sadd.s32 $0x88, s3;
	s6 =	simm.s32 @!p1 $0x1082;
	[sflag:s4] =	ssyncset.s32 $0xFFFFF086  }
0x25: {  	[simem:s6], [sflag:s4] =	dma.local [hbm:s3], $0xF7A  }
0x26: {  	[smem:$0x3F9F] =	sst s1;
	(tag) =	ssettag s2;
	_ =	strace s9  }
0x27: {  	s1 =	sld [smem:$0x3FAF]  }
0x28: {  	s2 =	sld [smem:$0x3FB0]  }
0x29: {  	s4 =	sld [smem:$0x3FB2]  }
0x2a: {  	p0 =	seq.s32 s5, $0x0;
	s5 =	sld [smem:$0x3FB3]  }
0x2b: {  	s6 =	sld [smem:$0x3FB4]  }
0x2c: {  	s7 =	sld [smem:$0x3FB5]  }
0x2d: {  	s3 =	simm.s32 $0x108;
	s8 =	sld [smem:$0x3FB6]  }
0x2e: {  	s3 =	simm.s32 @!p0 $0x1082;
	s9 =	sld [smem:$0x3FB7]  }
0x2f: {  	lr =	sadd.s32 s0, s3;
	s0 =	sld [smem:$0x3FAE]  }
0x30: {  	s3 =	sld [smem:$0x3FB1]  }
0x31: {  	[smem:$0x3FBA] =	sst s10  }
0x32: {  	s10 =	sld [smem:$0x3FB8];
	_ =	sdelay $0x3  }
0x33: {  	p0 =	seq.s32 s10, $0x1;
	s10 =	sld [smem:$0x3FBA];
	_ =	sdelay $0x3  }
0x34: {  	[smem:$0x3FBA] =	sst s10  }
0x35: {  	s10 =	sld [smem:$0x3FB9];
	_ =	sdelay $0x3  }
0x36: {  	p1 =	seq.s32 s10, $0x1;
	s10 =	sld [smem:$0x3FBA];
	_ =	sdelay $0x3  }
0x37: {  	[smem:$0x3FBA] =	sst s10  }
0x38: {  	s10 =	sld [smem:$0x3FBB]  }
0x39: {  	_ = 	snop;
	(pc) =	sbr.ind lr, $3  }
0x3a: {  	_ = 	snop  }
0x3b: {  	_ = 	snop  }
0x3c: {  	p2 =	seq.s32 s10, $0x1;
	s10 =	sld [smem:$0x3FBA]  }
0x3d: {  	_ =	shalt  }
0x3e: {  	_ =	shalt  }
0x3f: {  	_ =	shalt  }
0x40: {  	_ =	shalt  }
0x41: {  	_ =	shalt  }
0x42: {  	_ =	shalt  }
0x43: {  	_ =	shalt  }
0x44: {  	_ =	shalt  }
0x45: {  	_ =	shalt  }
0x46: {  	_ =	shalt  }
0x47: {  	_ =	shalt  }
0x48: {  	_ =	shalt  }
0x49: {  	_ =	shalt  }
0x4a: {  	_ =	shalt  }
0x4b: {  	_ =	shalt  }
0x4c: {  	_ =	shalt  }
0x4d: {  	_ =	shalt  }
0x4e: {  	_ =	shalt  }
0x4f: {  	_ =	shalt  }
0x50: {  	_ =	shalt  }
0x51: {  	_ =	shalt  }
0x52: {  	_ =	shalt  }
0x53: {  	_ =	shalt  }
0x54: {  	_ =	shalt  }
0x55: {  	_ =	shalt  }
0x56: {  	_ =	shalt  }
0x57: {  	_ =	shalt  }
0x58: {  	_ =	shalt  }
0x59: {  	_ =	shalt  }
0x5a: {  	_ =	shalt  }
0x5b: {  	_ =	shalt  }
0x5c: {  	_ =	shalt  }
0x5d: {  	_ =	shalt  }
0x5e: {  	_ =	shalt  }
0x5f: {  	_ =	shalt  }
0x60: {  	_ =	shalt  }
0x61: {  	_ =	shalt  }
0x62: {  	_ =	shalt  }
0x63: {  	_ =	shalt  }
0x64: {  	_ =	shalt  }
0x65: {  	_ =	shalt  }
0x66: {  	_ =	shalt  }
0x67: {  	_ =	shalt  }
0x68: {  	_ =	shalt  }
0x69: {  	_ =	shalt  }
0x6a: {  	_ =	shalt  }
0x6b: {  	_ =	shalt  }
0x6c: {  	_ =	shalt  }
0x6d: {  	_ =	shalt  }
0x6e: {  	_ =	shalt  }
0x6f: {  	_ =	shalt  }
0x70: {  	_ =	shalt  }
0x71: {  	_ =	shalt  }
0x72: {  	_ =	shalt  }
0x73: {  	_ =	shalt  }
0x74: {  	_ =	shalt  }
0x75: {  	_ =	shalt  }
0x76: {  	_ =	shalt  }
0x77: {  	_ =	shalt  }
0x78: {  	_ =	shalt  }
0x79: {  	_ =	shalt  }
0x7a: {  	_ =	shalt  }
0x7b: {  	_ =	shalt  }
0x7c: {  	_ =	shalt  }
0x7d: {  	_ =	shalt  }
0x7e: {  	_ =	shalt  }
0x7f: {  	_ =	shalt  }
0x80: {  	_ =	shalt  }
0x81: {  	_ =	shalt  }
0x82: {  	_ =	shalt  }
0x83: {  	_ =	shalt  }
0x84: {  	_ =	shalt  }
0x85: {  	_ =	shalt  }
0x86: {  	_ =	shalt  }
0x87: {  	_ =	shalt  }
.Lfunc_end0:
.L_simem_size_0:
called_computation_lowered:
.L_overlay_start_0:
0x88: {  	s2 =	sld [smem:$0x3FD9]  }
0x89: {  	s3 =	sld [smem:$0x3FFE];
	_ =	sdelay $0x1  }
0x8a: {  	s1 =	srdreg.scid  }
0x8b: {  	s0 =	sand.u32 $0x1, s1  }
0x8c: {  	s16 =	sshll.u32 s0, $0xA;
	s2 =	sadd.s32 s3, s2  }
0x8d: {  	s2 =	sadd.s32 s2, s16  }
0x8e: {  	[smem:$0x3FC6] =	sst s2  }
0x8f: {  	_ = 	snop  }
0x90: {  	(tm) =	ssettm $0x1  }
0x91: {  	s17 =	sld [smem:$0x3FFB];
	_ =	sdelay $0x3  }
0x92: {  	_ =	strace s17  }
0x93: {  	s2 =	sld [smem:$0x3FFC];
	_ =	sdelay $0x3  }
0x94: {  	_ =	strace s2  }
0x95: {  	s2 =	sld [smem:$0x3FFD];
	_ =	sdelay $0x3  }
0x96: {  	_ =	strace s2  }
0x97: {  	_ =	strace $0x8FFFFFFF  }
0x98: {  	s18 =	sld [smem:$0x3FDB];
	_ =	sdelay $0x1  }
0x99: {  	s19 =	simm.s32 $_scs_section_size  }
0x9a: {  	s4 =	simm.s32 $_size__tile_overlayer_lowered;
	s5 =	simm.s32 $_tile_overlayer_lowered  }
0x9b: {  	s22 =	simm.s32 $0x1BFF;
	s21 =	sshll.u32 s5, $0x1;
	s2 =	sadd.s32 s19, s18  }
0x9c: {  	s6 =	simm.s32 $0x0;
	s20 =	sshll.u32 s4, $0x1;
	s4 =	sadd.s32 s21, s2  }
0x9d: {  	[timem:s6], [sflag:s22] =	dma.local [hbm:s4], s20  }
0x9e: {  	_ =	swait.ge [sflag:s22], s20  }
0x9f: {  	s3 =	ssub.s32 $0x0, s20;
	[sflag:s22] =	ssyncset.done $0x0  }
0xa0: {  	[sflag:s22] =	ssyncadd.s32 s3;
	_ =	sdelay $0x1  }
0xa1: {  	s23 =	simm.s32 $0x1B8B  }
0xa2: {  	_ =	swait.ge [sflag:s23], $0x1  }
0xa3: {  	[sflag:s23] =	ssyncset.done $0x0  }
0xa4: {  	s25 =	simm.s32 $0x1B8E;
	s24 =	sld [smem:$0x3FFE];
	[sflag:s23] =	ssyncadd.s32 $0xFFFFFFFF  }
0xa5: {  	s26 =	simm.s32 $execute0_lowered;
	[smem:$0x3FD2] =	sst s25  }
0xa6: {  	s4 =	sshll.u32 s26, $0x1;
	_ =	strace $0x80000046;
	[dreg:$0x1] =	wrdreg $0xFFFFFFFF  }
0xa7: {  	s28 =	simm.s32 $_size_execute0_lowered;
	s2 =	sadd.s32 s2, s4;
	[dreg:$0x0] =	wrdreg $0x0  }
0xa8: {  	s4 =	sshll.u32 s28, $0x1;
	[dreg:$0x2] =	wrdreg s2  }
0xa9: {  	[dreg:$0x3] =	wrdreg s4  }
0xaa: {  	[dreg:$0x4] =	wrdreg $0xC0  }
0xab: {  	_ =	task [dreg:s6], $0x5FFFF  }
0xac: {  	[dreg:$0x1] =	wrdreg $0xFFFFFFFF  }
0xad: {  	[dreg:$0x0] =	wrdreg $0x60  }
0xae: {  	[dreg:$0x2] =	wrdreg s24  }
0xaf: {  	[dreg:$0x3] =	wrdreg $0x9  }
0xb0: {  	_ =	task.clear_ibuf [dreg:s6], $0x4FFFF;
	_ =	strace $0x90000046  }
0xb1: {  	s29 =	simm.s32 $0x9;
	_ =	strace $0x80000048  }
0xb2: {  	_ =	swait.ge [sflag:s29], $0x1  }
0xb3: {  	[sflag:s29] =	ssyncadd.s32 $0xFFFFFFFF  }
0xb4: {  	_ =	strace $0x90000048  }
0xb5: {  	_ =	sfence  }
0xb6: {  	s30 =	sld [smem:$0x0];
	_ =	sdelay $0x2  }
0xb7: {  	s31 =	sshll.u32 s1, $0xD;
	s1 =	sshrl.u32 s1, $0x2  }
0xb8: {  	s3 =	sand.u32 $0x4000, s31;
	s1 =	sadd.s32 s1, s30  }
0xb9: {  	s0 =	sor.u32 s3, s0;
	s1 =	sshll.u32 s1, $0x11  }
0xba: {  	s0 =	sor.u32 s1, s0  }
0xbb: {  	s0 =	sadd.s32 $0x8F2B, s0  }
0xbc: {  	[sflag:s0] =	ssyncadd.remote.s32 $0x1  }
0xbd: {  	_ =	sfence.sel $0xFFFF  }
0xbe: {  	[dreg:$0x0] =	wrdreg $0xFFFFFFFF;
	(pc) =	sbr.abs _section_cstart, $3  }
0xbf: {  	[dreg:$0x1] =	wrdreg $0xFFFFFFFF  }
0xc0: {  	_ =	task.clear_ibuf [dreg:s6], $0x2FFFF;
	_ =	strace $0x9FFFFFFF  }
0xc1: {  	(tm) =	ssettm $0x7FFFFFFF  }
tec
execute0_lowered:
.L_overlay_start_1:
0x0: {  	(tag) =	ssettag $0x1  }
0x1: {  	s1 =	srdreg.scid  }
0x2: {  	s0 =	stileid.u32;
	s2 =	rddreg [dreg:$0x0]  }
0x3: {  	s15 =	simm.s32 $0x80;
	s16 =	simm.s32 $0x400;
	s17 =	simm.s32 $0x8900  }
0x4: {  	s18 =	simm.s32 $0x9900;
	s19 =	simm.s32 $0x0;
	s9 =	sand.u32 $0x1, s1  }
0x5: {  	s3 =	sshll.u32 s0, $0x1;
	s1 =	rddreg [dreg:$0x1];
	s6 =	sshrl.u32 s0, $0x2  }
0x6: {  	s29 =	sshll.u32 s0, $0x9;
	s13 =	sshll.u32 s0, $0x7;
	s4 =	sor.u32 s9, s3  }
0x7: {  	s3 =	simm.s32 $0x0;
	s7 =	sshll.u32 s6, $0xF;
	s6 =	sshll.u32 s6, $0xA  }
0x8: {  	s25 =	ssub.s32 $0x2, s9;
	s30 =	sshll.u32 s9, $0x8;
	s14 =	sshll.u32 s9, $0x6  }
0x9: {  	s5 =	sshll.u32 s4, $0x7;
	[smem:$0x7FF] =	sst s3;
	s26 =	sshrl.u32 s25, $0x1  }
0xa: {  	s4 =	sshll.u32 s4, $0x6;
	s31 =	sor.u32 s14, s13;
	s13 =	simm.s32 $0x1  }
0xb: {  	s14 =	simm.s32 $0x8500;
	s8 =	sand.u32 $0x380, s5;
	_ =	strace $0x80000047  }
0xc: {  	s10 =	sadd.s32 s5, s2;
	s12 =	ssub.s32 s25, s26;
	s28 =	sand.u32 $0x780, s4  }
0xd: {  	s7 =	sor.u32 s7, s8;
	s24 =	sor.u32 s6, s8;
	s6 =	sadd.s32 $0x1200, s10  }
0xe: {  	s10 =	sor.u32 s30, s29;
	s9 =	smax.u32 s12, $0x1;
	s23 =	sshrl.u32 s7, $0x3  }
0xf: {  	s5 =	sshrl.u32 s24, $0x3;
	s10 =	sshrl.u32 s10, $0x2;
	s7 =	sadd.s32 s23, s2  }
0x10: {  	v0 =	vimm.f32 $5.000000000e-01;
	vm0 =	vcmask $0x3B00;
	s11 =	sadd.s32 s5, s2;
	s5 =	sadd.s32 $0x6080, s28;
	s12 =	sadd.s32 $0x8900, s10  }
0x11: {  	v1 =	vimm.f32 $0.0e+00;
	v0 =	vsel vm0, $0x3F800000, v0;
	s7 =	sadd.s32 $0x2200, s7;
	s8 =	sadd.s32 $0x6200, s11;
	s11 =	sor.u32 $0x1, s31  }
.LBB2_1:
0x12: {  	[tilespmem:s3], [sflag:$0x1] =	stream.linear.gather [hbm4b:s2+s3], $0x8500, $0x38;
	[tilespmem:$0x9980] =	vst v63  }
0x13: {  	_ =	swait.ge [sflag:s13], $0x8500  }
0x14: {  	[sflag:s13] =	ssyncset.done $0x0  }
0x15: {  	s20 =	simm.s32 $0x40;
	s21 =	simm.s32 $0x0;
	[sflag:s13] =	ssyncadd.s32 $0xFFFF7B00  }
.LBB2_2:
0x16: {  	p0 =	sne.s32 s20, $0x3FC0;
	[tilespmem:s21+$0x8900] =	vst v1;
	s21 =	smov.u32 s20;
	s20 =	sadd.s32 $0x40, s20  }
.Ltmp0:
0x17: {  	(pc) =	sbr.rel @p0 .LBB2_2-.Ltmp0, $2  }
0x18: {  	_ =	sdelay $0x2  }
0x19: {  	s21 =	sshra.s32 s21, $0x2  }
0x1a: {  	s20 =	simm.s32 $0x0  }
0x1b: {  	[tilespmem:s21+$0x8900] =	vst v1;
	s21 =	smov.u32 s12;
	s22 =	smov.u32 s10;
	s23 =	smov.u32 s11;
	v2 =	vmov v1  }
.LBB2_4:
0x1c: {  	s24 =	sor.u32 s4, s20  }
0x1d: {  	v14 =	vld.msk [tilespmem:s24+$0x0 ss:$0x0], $0xffff  }
0x1e: {  	v15 =	vld.msk [tilespmem:s24+$0xC10 ss:$0x0], $0xffff  }
0x1f: {  	v13 =	vld.msk [tilespmem:s24+$0x1820 ss:$0x0], $0xffff  }
0x20: {  	v12 =	vld.msk [tilespmem:s24+$0x2430 ss:$0x0], $0xffff  }
0x21: {  	v9 =	vld.msk [tilespmem:s24+$0x3040 ss:$0x0], $0xffff  }
0x22: {  	v8 =	vld.msk [tilespmem:s24+$0x3C50 ss:$0x0], $0xffff  }
0x23: {  	v10 =	vld.msk [tilespmem:s24+$0x78A0 ss:$0x0], $0xffff  }
0x24: {  	v16 =	vmov s22;
	v11 =	vld.msk [tilespmem:s24+$0x6C90 ss:$0x0], $0xffff  }
0x25: {  	s25 =	sand.u32 $0x7F, s24;
	v7 =	vld.msk [tilespmem:s24+$0x4860 ss:$0x0], $0xffff  }
0x26: {  	v4 =	vld.msk [tilespmem:s24+$0x5470 ss:$0x0], $0xffff;
	s25 =	sadd.s32 s25, s5  }
0x27: {  	s26 =	simm.s32 $0x0;
	v5 =	vmov v1;
	v6 =	vmov v1;
	v3 =	vld.msk [tilespmem:s25+$0x0 ss:$0x0], $0xffff;
	s25 =	smov.u32 s23  }
.LBB2_5:
0x28: {  	s28 =	sshra.s32 s26, $0x2  }
0x29: {  	v17 =	vld.idx.msk [tilespmem:v16+s28+$0x1 ss:$0x1], $0xffff  }
0x2a: {  	v18 =	vld.idx.msk [tilespmem:v16+s28+$0xC11 ss:$0x1], $0xffff;
	_ =	sdelay $0x1  }
0x2b: {  	v19 =	vld.idx.msk [tilespmem:v16+s28+$0x1821 ss:$0x1], $0xffff;
	_ =	sdelay $0x2  }
0x2c: {  	v17 =	vsub.f32 v17, v14;
	v18 =	vsub.f32 v18, v15;
	_ =	sdelay $0x1  }
0x2d: {  	v19 =	vsub.f32 v19, v13;
	v17 =	vmul.f32 v17, v17;
	v18 =	vmul.f32 v18, v18;
	_ =	sdelay $0x1  }
0x2e: {  	v17 =	vadd.f32 v18, v17;
	v18 =	vmul.f32 v19, v19;
	_ =	sdelay $0x1  }
0x2f: {  	v17 =	vadd.f32 v18, v17;
	_ =	sdelay $0x1  }
0x30: {  	v18 =	vshrl.u32 v17, $0x1;
	v19 =	vmul.f32 $-5.000000000e-01, v17  }
0x31: {  	v18 =	vsub.s32 $0x5F3759DF, v18  }
0x32: {  	v20 =	vmul.f32 v18, v19;
	_ =	sdelay $0x1  }
0x33: {  	v20 =	vmul.f32 v18, v20;
	_ =	sdelay $0x1  }
0x34: {  	v20 =	vadd.f32 $1.500000000e+00, v20;
	_ =	sdelay $0x1  }
0x35: {  	v18 =	vmul.f32 v18, v20;
	_ =	sdelay $0x1  }
0x36: {  	v20 =	vmul.f32 v18, v19;
	_ =	sdelay $0x1  }
0x37: {  	v20 =	vmul.f32 v20, v18;
	_ =	sdelay $0x1  }
0x38: {  	v20 =	vadd.f32 $1.500000000e+00, v20;
	_ =	sdelay $0x1  }
0x39: {  	v18 =	vmul.f32 v20, v18;
	_ =	sdelay $0x1  }
0x3a: {  	v19 =	vmul.f32 v18, v19  }
0x3b: {  	v35 =	vld.idx.msk [tilespmem:v16+s28+$0x11 ss:$0x1], $0xffff  }
0x3c: {  	v21 =	vld.idx.msk [tilespmem:v16+s28+$0xC21 ss:$0x1], $0xffff;
	v19 =	vmul.f32 v19, v18;
	_ =	sdelay $0x1  }
0x3d: {  	v22 =	vld.idx.msk [tilespmem:v16+s28+$0x1831 ss:$0x1], $0xffff;
	v19 =	vadd.f32 $1.500000000e+00, v19;
	_ =	sdelay $0x1  }
0x3e: {  	v18 =	vmul.f32 v19, v18  }
0x3f: {  	v36 =	vsub.f32 v21, v15;
	v19 =	vsub.f32 v35, v14  }
0x40: {  	v17 =	vmul.f32 v18, v17  }
0x41: {  	v25 =	vld.idx.msk [tilespmem:v16+s28+$0x2431 ss:$0x1], $0xffff;
	v20 =	vmul.f32 v36, v36;
	v18 =	vsub.f32 v22, v13;
	v19 =	vmul.f32 v19, v19  }
0x42: {  	v37 =	vmul.f32 v17, v12  }
0x43: {  	v19 =	vadd.f32 v20, v19;
	v18 =	vmul.f32 v18, v18  }
0x44: {  	v38 =	vsub.f32 $1.000000000e+00, v37  }
0x45: {  	v39 =	vsub.f32 v37, v11;
	v18 =	vadd.f32 v18, v19  }
0x46: {  	v41 =	vmul.f32 v17, v25;
	v21 =	vsub.f32 v37, v10;
	v19 =	vmul.f32 v38, v9  }
0x47: {  	v28 =	vld.idx.msk [tilespmem:v16+s28+$0x6C91 ss:$0x1], $0xffff;
	v22 =	vmul.f32 v39, v39;
	v24 =	vmul.f32 $-5.000000000e-01, v18  }
0x48: {  	v23 =	vshrl.u32 v18, $0x1;
	v21 =	vmul.f32 v21, v21;
	v20 =	vmul.f32 v38, v8  }
0x49: {  	v23 =	vsub.s32 $0x5F3759DF, v23;
	v19 =	vmul.f32 $1.442695020e+00, v19;
	v22 =	vmul.f32 v22, v22  }
0x4a: {  	v26 =	vmul.f32 v23, v24;
	v21 =	vmul.f32 v21, v21  }
0x4b: {  	v29 =	vld.idx.msk [tilespmem:v16+s28+$0x78A1 ss:$0x1], $0xffff;
	v20 =	vmul.f32 $1.442695020e+00, v20;
	v27 =	vmul.f32 v22, v22  }
0x4c: {  	v43 =	vsub.f32 v41, v28;
	v26 =	vmul.f32 v23, v26;
	(erf) = vpow2.f32 v19  }
0x4d: {  	v40 =	vmul.f32 v21, v21;
	(erf) = vpow2.f32 v20  }
0x4e: {  	v20 =	vmul.f32 v43, v43;
	v19 =	vmul.f32 v27, v27  }
0x4f: {  	v26 =	vadd.f32 $1.500000000e+00, v26;
	v27 =	vmul.f32 v40, v40  }
0x50: {  	v44 =	vsub.f32 v41, v29;
	v20 =	vmul.f32 v20, v20;
	v19 =	vmul.f32 v19, v22  }
0x51: {  	v23 =	vmul.f32 v23, v26;
	v21 =	vmul.f32 v27, v21  }
0x52: {  	v42 =	vld.idx.msk [tilespmem:v16+s28+$0x3041 ss:$0x1], $0xffff;
	v26 =	vmul.f32 v44, v44;
	v49 =	vmul.f32 v20, v20  }
0x53: {  	v46 =	vld.idx.msk [tilespmem:v16+s28+$0x3C51 ss:$0x1], $0xffff;
	v19 =	vadd.f32 $1.000000000e+00, v19;
	v45 =	vmul.f32 v23, v24  }
0x54: {  	v21 =	vadd.f32 $1.000000000e+00, v21;
	v47 =	vmul.f32 v26, v26;
	v51 =	vmul.f32 v49, v49  }
0x55: {  	(erf) = vrcp.f32 v19;
	v19 =	vsub.f32 $1.000000000e+00, v41;
	v27 =	vmul.f32 v45, v23  }
0x56: {  	v50 =	vmul.f32 v47, v47;
	(erf) = vrcp.f32 v21  }
0x57: {  	v20 =	vmul.f32 v51, v20;
	v25 =	vmul.f32 v19, v42;
	v48 =	vadd.f32 $1.500000000e+00, v27  }
0x58: {  	v55 =	vld.idx.msk [tilespmem:v16+s28+$0x21 ss:$0x1], $0xffff;
	v19 =	vmul.f32 v19, v46;
	v52 =	vmul.f32 v50, v50  }
0x59: {  	v56 =	vld.idx.msk [tilespmem:v16+s28+$0xC31 ss:$0x1], $0xffff;
	v25 =	vmul.f32 $1.442695020e+00, v25;
	v23 =	vmul.f32 v48, v23  }
0x5a: {  	v19 =	vmul.f32 $1.442695020e+00, v19;
	v21 =	vmul.f32 v52, v47  }
0x5b: {  	v59 =	vld.idx.msk [tilespmem:v16+s28+$0x1841 ss:$0x1], $0xffff;
	v20 =	vadd.f32 $1.000000000e+00, v20;
	v24 =	vmul.f32 v23, v24;
	(erf) = vpow2.f32 v25  }
0x5c: {  	(erf) = vpow2.f32 v19;
	v19 =	vadd.f32 $1.000000000e+00, v21  }
0x5d: {  	v53 =	vmul.f32 v24, v23;
	(erf) = vrcp.f32 v20  }
0x5e: {  	v21 =	vsub.f32 v56, v15;
	v20 =	vsub.f32 v55, v14;
	(erf) = vrcp.f32 v19  }
0x5f: {  	v54 =	vadd.f32 $1.500000000e+00, v53  }
0x60: {  	v57 =	vpop (erf);
	v24 =	vsub.f32 v59, v13;
	v21 =	vmul.f32 v21, v21;
	v37 =	vmul.f32 v20, v20  }
0x61: {  	v58 =	vld.idx.msk [tilespmem:v16+s28+$0x4861 ss:$0x1], $0xffff;
	v38 =	vpop (erf);
	v19 =	vmul.f32 v54, v23  }
0x62: {  	v35 =	vpop (erf);
	v24 =	vmul.f32 v24, v24;
	v21 =	vadd.f32 v21, v37  }
0x63: {  	v61 =	vpop (erf);
	v19 =	vmul.f32 v19, v18;
	v18 =	vmul.f32 v57, v7  }
0x64: {  	v21 =	vadd.f32 v24, v21;
	v62 =	vpop (erf)  }
0x65: {  	v60 =	vmul.f32 v19, v12;
	v18 =	vmul.f32 v61, v18;
	v30 =	vpop (erf)  }
0x66: {  	v33 =	vmul.f32 v62, v58;
	v43 =	vshrl.u32 v21, $0x1;
	v44 =	vmul.f32 $-5.000000000e-01, v21;
	v25 =	vpop (erf)  }
0x67: {  	v27 =	vsub.s32 $0x5F3759DF, v43;
	v63 =	vsub.f32 $1.000000000e+00, v60;
	v36 =	vpop (erf);
	(erf) = vrcp.f32 v18  }
0x68: {  	v39 =	vsub.f32 v60, v11;
	v26 =	vsub.f32 v60, v10;
	v20 =	vmul.f32 v36, v33  }
0x69: {  	v33 =	vmul.f32 v27, v44;
	v34 =	vmul.f32 v63, v9  }
0x6a: {  	v40 =	vld.idx.msk [tilespmem:v16+s28+$0x2441 ss:$0x1], $0xffff;
	v22 =	vmul.f32 v39, v39;
	v41 =	vmul.f32 v26, v26  }
0x6b: {  	v42 =	vmul.f32 v63, v8;
	(erf) = vrcp.f32 v20  }
0x6c: {  	v45 =	vld.idx.msk [tilespmem:v16+s28+$0x6CA1 ss:$0x1], $0xffff;
	v33 =	vmul.f32 v27, v33;
	v23 =	vmul.f32 $1.442695020e+00, v34  }
0x6d: {  	v32 =	vld.idx.msk [tilespmem:v16+s28+$0x78B1 ss:$0x1], $0xffff;
	v22 =	vmul.f32 v22, v22;
	v24 =	vmul.f32 v41, v41  }
0x6e: {  	v26 =	vmul.f32 $1.442695020e+00, v42;
	v48 =	vadd.f32 $1.500000000e+00, v33;
	(erf) = vpow2.f32 v23  }
0x6f: {  	v31 =	vmul.f32 v22, v22;
	v23 =	vmul.f32 v19, v40  }
0x70: {  	v46 =	vld.idx.msk [tilespmem:v16+s28+$0x3051 ss:$0x1], $0xffff;
	v34 =	vmul.f32 v24, v24;
	v27 =	vmul.f32 v27, v48  }
0x71: {  	(erf) = vpow2.f32 v26;
	v31 =	vmul.f32 v31, v31;
	v47 =	vsub.f32 v23, v45  }
0x72: {  	v34 =	vmul.f32 v34, v34;
	v32 =	vsub.f32 v23, v32;
	v52 =	vmul.f32 v27, v44  }
0x73: {  	v49 =	vsub.f32 $1.000000000e+00, v23;
	v22 =	vmul.f32 v31, v22;
	v26 =	vmul.f32 v47, v47  }
0x74: {  	v51 =	vld.idx.msk [tilespmem:v16+s28+$0x3C61 ss:$0x1], $0xffff;
	v24 =	vmul.f32 v34, v24;
	v50 =	vmul.f32 v32, v32  }
0x75: {  	v31 =	vmul.f32 v49, v46;
	v26 =	vmul.f32 v26, v26  }
0x76: {  	v32 =	vmul.f32 v52, v27;
	v22 =	vadd.f32 $1.000000000e+00, v22;
	v23 =	vmul.f32 v50, v50  }
0x77: {  	v31 =	vmul.f32 $1.442695020e+00, v31;
	v53 =	vmul.f32 v26, v26  }
0x78: {  	v24 =	vadd.f32 $1.000000000e+00, v24;
	(erf) = vrcp.f32 v22;
	v54 =	vmul.f32 v23, v23  }
0x79: {  	v32 =	vadd.f32 $1.500000000e+00, v32;
	v22 =	vmul.f32 v49, v51;
	v33 =	vmul.f32 v53, v53  }
0x7a: {  	(erf) = vrcp.f32 v24;
	v24 =	vmul.f32 v54, v54  }
0x7b: {  	v27 =	vmul.f32 v32, v27;
	v26 =	vmul.f32 v33, v26  }
0x7c: {  	v22 =	vmul.f32 $1.442695020e+00, v22;
	v23 =	vmul.f32 v24, v23  }
0x7d: {  	(erf) = vpow2.f32 v31;
	v56 =	vmul.f32 v27, v44;
	v55 =	vadd.f32 $1.000000000e+00, v26  }
0x7e: {  	(erf) = vpow2.f32 v22;
	v57 =	vadd.f32 $1.000000000e+00, v23  }
0x7f: {  	v37 =	vld.idx.msk [tilespmem:v16+s28+$0x1851 ss:$0x1], $0xffff;
	v58 =	vmul.f32 v56, v27;
	(erf) = vrcp.f32 v55  }
0x80: {  	v63 =	vld.idx.msk [tilespmem:v16+s28+$0xC41 ss:$0x1], $0xffff;
	v33 =	vpop (erf);
	(erf) = vrcp.f32 v57  }
0x81: {  	v32 =	vpop (erf);
	v59 =	vadd.f32 $1.500000000e+00, v58  }
0x82: {  	v61 =	vld.idx.msk [tilespmem:v16+s28+$0x4871 ss:$0x1], $0xffff;
	v60 =	vpop (erf)  }
0x83: {  	v62 =	vld.idx.msk [tilespmem:v16+s28+$0x31 ss:$0x1], $0xffff;
	v29 =	vpop (erf);
	v22 =	vmul.f32 v59, v27  }
0x84: {  	v37 =	vsub.f32 v37, v13;
	v49 =	vld.idx.msk [tilespmem:v16+s28+$0x2451 ss:$0x1], $0xffff;
	v28 =	vpop (erf)  }
0x85: {  	v46 =	vsub.f32 v63, v15;
	v36 =	vpop (erf);
	v22 =	vmul.f32 v22, v21  }
0x86: {  	v41 =	vld.idx.msk [tilespmem:v16+s28+$0x78C1 ss:$0x1], $0xffff;
	v48 =	vmul.f32 v37, v37;
	v23 =	vmul.f32 v60, v7;
	v42 =	vpop (erf)  }
0x87: {  	v26 =	vmul.f32 v46, v46;
	v34 =	vpop (erf);
	v39 =	vmul.f32 v22, v12  }
0x88: {  	v45 =	vsub.f32 v62, v14;
	v21 =	vmul.f32 v36, v23;
	v24 =	vmul.f32 v42, v61;
	v31 =	vpop (erf)  }
0x89: {  	v54 =	vld.idx.msk [tilespmem:v16+s28+$0x3061 ss:$0x1], $0xffff;
	v37 =	vmul.f32 v22, v49;
	v44 =	vsub.f32 $1.000000000e+00, v39;
	v40 =	vsub.f32 v39, v11;
	v43 =	vpop (erf)  }
0x8a: {  	v39 =	vsub.f32 v39, v10;
	v23 =	vmul.f32 v43, v24;
	v24 =	vmul.f32 v45, v45  }
0x8b: {  	v41 =	vsub.f32 v37, v41;
	v58 =	vsub.f32 $1.000000000e+00, v37;
	v47 =	vmul.f32 v44, v9  }
0x8c: {  	v40 =	vmul.f32 v40, v40;
	v39 =	vmul.f32 v39, v39;
	v24 =	vadd.f32 v26, v24  }
0x8d: {  	v36 =	vmul.f32 v44, v8;
	v56 =	vmul.f32 v41, v41  }
0x8e: {  	v62 =	vmul.f32 v58, v54;
	(erf) = vrcp.f32 v21;
	v24 =	vadd.f32 v48, v24  }
0x8f: {  	v27 =	vmul.f32 $1.442695020e+00, v47;
	v40 =	vmul.f32 v40, v40  }
0x90: {  	v50 =	vld.idx.msk [tilespmem:v16+s28+$0x6CB1 ss:$0x1], $0xffff;
	v51 =	vmul.f32 v39, v39;
	v42 =	vshrl.u32 v24, $0x1;
	v43 =	vmul.f32 $-5.000000000e-01, v24  }
0x91: {  	v36 =	vmul.f32 $1.442695020e+00, v36;
	v59 =	vmul.f32 v56, v56;
	v42 =	vsub.s32 $0x5F3759DF, v42  }
0x92: {  	v52 =	vmul.f32 v40, v40;
	v45 =	vmul.f32 v42, v43  }
0x93: {  	(erf) = vrcp.f32 v23;
	v44 =	vmul.f32 v51, v51  }
0x94: {  	v39 =	vmul.f32 v52, v52;
	v53 =	vmul.f32 v42, v45  }
0x95: {  	v26 =	vsub.f32 v37, v50;
	v63 =	vmul.f32 v59, v59;
	v44 =	vmul.f32 v44, v44  }
0x96: {  	(erf) = vpow2.f32 v27;
	v39 =	vmul.f32 v39, v40;
	v55 =	vadd.f32 $1.500000000e+00, v53  }
0x97: {  	v57 =	vld.idx.msk [tilespmem:v16+s28+$0x3C71 ss:$0x1], $0xffff;
	v26 =	vmul.f32 v26, v26;
	v27 =	vmul.f32 v44, v51  }
0x98: {  	(erf) = vpow2.f32 v36;
	v39 =	vadd.f32 $1.000000000e+00, v39;
	v36 =	vmul.f32 v42, v55  }
0x99: {  	v48 =	vmul.f32 v63, v63;
	v26 =	vmul.f32 v26, v26;
	v27 =	vadd.f32 $1.000000000e+00, v27  }
0x9a: {  	v52 =	vld.idx.msk [tilespmem:v16+s28+$0x41 ss:$0x1], $0xffff;
	(erf) = vrcp.f32 v39;
	v61 =	vmul.f32 v36, v43  }
0x9b: {  	v60 =	vmul.f32 v26, v26;
	(erf) = vrcp.f32 v27;
	v53 =	vld.idx.msk [tilespmem:v16+s28+$0xC51 ss:$0x1], $0xffff  }
0x9c: {  	v56 =	vld.idx.msk [tilespmem:v16+s28+$0x1861 ss:$0x1], $0xffff;
	v27 =	vmul.f32 v58, v57;
	v41 =	vmul.f32 v61, v36  }
0x9d: {  	v39 =	vmul.f32 v60, v60;
	v42 =	vmul.f32 $1.442695020e+00, v62  }
0x9e: {  	v37 =	vmul.f32 v48, v59;
	v27 =	vmul.f32 $1.442695020e+00, v27;
	v49 =	vadd.f32 $1.500000000e+00, v41  }
0x9f: {  	v48 =	vsub.f32 v52, v14;
	v26 =	vmul.f32 v39, v26;
	(erf) = vpow2.f32 v42  }
0xa0: {  	(erf) = vpow2.f32 v27;
	v27 =	vsub.f32 v53, v15;
	v39 =	vmul.f32 v49, v36  }
0xa1: {  	v45 =	vsub.f32 v56, v13;
	v58 =	vmul.f32 v48, v48;
	v26 =	vadd.f32 $1.000000000e+00, v26  }
0xa2: {  	v50 =	vadd.f32 $1.000000000e+00, v37;
	v37 =	vpop (erf);
	v59 =	vmul.f32 v27, v27;
	v51 =	vmul.f32 v39, v43  }
0xa3: {  	s29 =	sand.u32 $0x7FFFFFFF, s25;
	v45 =	vmul.f32 v45, v45;
	(erf) = vrcp.f32 v26;
	v36 =	vpop (erf)  }
0xa4: {  	v54 =	vld [tilespmem:s29+$0x4880];
	(erf) = vrcp.f32 v50;
	v62 =	vadd.f32 v59, v58;
	v55 =	vpop (erf);
	v26 =	vmul.f32 v51, v39  }
0xa5: {  	v43 =	vpop (erf)  }
0xa6: {  	v48 =	vadd.f32 v45, v62;
	v41 =	vpop (erf);
	v26 =	vadd.f32 $1.500000000e+00, v26  }
0xa7: {  	v46 =	vpop (erf)  }
0xa8: {  	v56 =	vshrl.u32 v48, $0x1;
	v49 =	vmul.f32 $-5.000000000e-01, v48;
	v47 =	vpop (erf);
	v26 =	vmul.f32 v26, v39  }
0xa9: {  	v44 =	vmul.f32 v47, v54;
	v47 =	vsub.s32 $0x5F3759DF, v56  }
0xaa: {  	v50 =	vld.idx.msk [tilespmem:v16+s28+$0x2461 ss:$0x1], $0xffff;
	v51 =	vmul.f32 v47, v49;
	v26 =	vmul.f32 v26, v24  }
0xab: {  	v57 =	vmul.f32 v55, v7;
	v42 =	vpop (erf)  }
0xac: {  	v40 =	vpop (erf);
	v51 =	vmul.f32 v47, v51;
	v61 =	vmul.f32 v26, v12  }
0xad: {  	v60 =	vpop (erf);
	v24 =	vmul.f32 v46, v57  }
0xae: {  	v27 =	vmul.f32 v60, v44;
	v51 =	vadd.f32 $1.500000000e+00, v51;
	v53 =	vsub.f32 v61, v11  }
0xaf: {  	(erf) = vrcp.f32 v24;
	v59 =	vmul.f32 v26, v50;
	v39 =	vsub.f32 v61, v10  }
0xb0: {  	v60 =	vld.idx.msk [tilespmem:v16+s28+$0x3071 ss:$0x1], $0xffff;
	(erf) = vrcp.f32 v27;
	v63 =	vsub.f32 $1.000000000e+00, v61;
	v55 =	vmul.f32 v53, v53  }
0xb1: {  	v47 =	vmul.f32 v47, v51;
	v39 =	vmul.f32 v39, v39;
	v53 =	vld.idx.msk [tilespmem:v16+s28+$0x6CC1 ss:$0x1], $0xffff  }
0xb2: {  	v54 =	vmul.f32 v63, v9;
	v45 =	vmul.f32 v55, v55  }
0xb3: {  	v46 =	vmul.f32 v63, v8;
	v39 =	vmul.f32 v39, v39  }
0xb4: {  	v56 =	vsub.f32 $1.000000000e+00, v59;
	v44 =	vmul.f32 $1.442695020e+00, v54;
	v54 =	vld.idx.msk [tilespmem:v16+s28+$0x78D1 ss:$0x1], $0xffff;
	v52 =	vmul.f32 v45, v45  }
0xb5: {  	v63 =	vmul.f32 v47, v49;
	v58 =	vmul.f32 v39, v39  }
0xb6: {  	v50 =	vmul.f32 v56, v60;
	v61 =	vsub.f32 v59, v53;
	v57 =	vmul.f32 v52, v52  }
0xb7: {  	(erf) = vpow2.f32 v44;
	v52 =	vmul.f32 v58, v58  }
0xb8: {  	v44 =	vmul.f32 v57, v45;
	v57 =	vmul.f32 v61, v61  }
0xb9: {  	v62 =	vsub.f32 v59, v54;
	v39 =	vmul.f32 v52, v39;
	v52 =	vmul.f32 v63, v47  }
0xba: {  	v46 =	vmul.f32 $1.442695020e+00, v46;
	v45 =	vmul.f32 v57, v57  }
0xbb: {  	v50 =	vmul.f32 $1.442695020e+00, v50;
	v58 =	vld [tilespmem:s29+$0x3C80];
	v51 =	vmul.f32 v62, v62;
	v60 =	vadd.f32 $1.500000000e+00, v52  }
0xbc: {  	(erf) = vpow2.f32 v46;
	v44 =	vadd.f32 $1.000000000e+00, v44;
	v61 =	vmul.f32 v45, v45  }
0xbd: {  	v59 =	vmul.f32 v51, v51;
	v47 =	vmul.f32 v60, v47  }
0xbe: {  	(erf) = vrcp.f32 v44;
	v63 =	vmul.f32 v61, v61  }
0xbf: {  	v62 =	vmul.f32 v59, v59;
	v49 =	vmul.f32 v47, v49  }
0xc0: {  	v39 =	vadd.f32 $1.000000000e+00, v39;
	v44 =	vmul.f32 v56, v58;
	v45 =	vmul.f32 v63, v45  }
0xc1: {  	v54 =	vmul.f32 v62, v62;
	v55 =	vmul.f32 v49, v47  }
0xc2: {  	(erf) = vrcp.f32 v39;
	v44 =	vmul.f32 $1.442695020e+00, v44;
	v45 =	vadd.f32 $1.000000000e+00, v45  }
0xc3: {  	v57 =	vld.idx.msk [tilespmem:v16+s28+$0x51 ss:$0x1], $0xffff;
	(erf) = vpow2.f32 v50;
	v39 =	vmul.f32 v54, v59;
	v56 =	vadd.f32 $1.500000000e+00, v55  }
0xc4: {  	v58 =	vld.idx.msk [tilespmem:v16+s28+$0xC61 ss:$0x1], $0xffff  }
0xc5: {  	(erf) = vpow2.f32 v44;
	v39 =	vadd.f32 $1.000000000e+00, v39;
	v60 =	vmul.f32 v56, v47  }
0xc6: {  	(erf) = vrcp.f32 v45;
	v45 =	vpop (erf)  }
0xc7: {  	v61 =	vld.idx.msk [tilespmem:v16+s28+$0x1871 ss:$0x1], $0xffff;
	(erf) = vrcp.f32 v39;
	v39 =	vmul.f32 v60, v48;
	v44 =	vpop (erf)  }
0xc8: {  	v29 =	vmul.f32 v29, v4;
	v43 =	vmul.f32 v43, v4;
	v63 =	vld.idx.msk [tilespmem:v16+s28+$0x4891 ss:$0x1], $0xffff;
	v62 =	vpop (erf)  }
0xc9: {  	v49 =	vsub.f32 v57, v14;
	v50 =	vsub.f32 v58, v15;
	v53 =	vmul.f32 v39, v12;
	v46 =	vpop (erf)  }
0xca: {  	v59 =	vmul.f32 v38, v4;
	v54 =	vld.idx.msk [tilespmem:v16+s28+$0x5471 ss:$0x1], $0xffff;
	v60 =	vmul.f32 v62, v7;
	v38 =	vpop (erf)  }
0xcb: {  	v49 =	vmul.f32 v49, v49;
	v50 =	vmul.f32 v50, v50;
	v58 =	vsub.f32 $1.000000000e+00, v53;
	v55 =	vpop (erf)  }
0xcc: {  	v51 =	vsub.f32 v61, v13;
	v56 =	vmul.f32 v35, v59;
	v57 =	vpop (erf);
	v35 =	vmul.f32 v55, v60  }
0xcd: {  	v62 =	vmul.f32 v58, v9;
	v55 =	vld.idx.msk [tilespmem:v16+s28+$0x2471 ss:$0x1], $0xffff;
	v52 =	vmul.f32 v57, v63  }
0xce: {  	v49 =	vadd.f32 v50, v49;
	v47 =	vpop (erf);
	v63 =	vmul.f32 v51, v51;
	v57 =	vmul.f32 v58, v8  }
0xcf: {  	v59 =	vsub.f32 v53, v11;
	v51 =	vmul.f32 v30, v54;
	v48 =	vpop (erf);
	v60 =	vmul.f32 $1.442695020e+00, v62  }
0xd0: {  	v61 =	vpop (erf);
	(erf) = vrcp.f32 v35;
	v49 =	vadd.f32 v63, v49;
	v57 =	vmul.f32 $1.442695020e+00, v57  }
0xd1: {  	v30 =	vmul.f32 v61, v52;
	v61 =	vsub.f32 v53, v10;
	v52 =	vmul.f32 v59, v59  }
0xd2: {  	v59 =	vld.idx.msk [tilespmem:v16+s28+$0x6CD1 ss:$0x1], $0xffff;
	v62 =	vshrl.u32 v49, $0x1;
	v54 =	vmul.f32 $-5.000000000e-01, v49;
	v55 =	vmul.f32 v39, v55  }
0xd3: {  	(erf) = vrcp.f32 v30;
	v52 =	vmul.f32 v52, v52;
	v53 =	vsub.s32 $0x5F3759DF, v62  }
0xd4: {  	v50 =	vmul.f32 v61, v61;
	v58 =	vmul.f32 v53, v54  }
0xd5: {  	(erf) = vpow2.f32 v60;
	v60 =	vmul.f32 v52, v52  }
0xd6: {  	v61 =	vld.idx.msk [tilespmem:v16+s28+$0x78E1 ss:$0x1], $0xffff;
	v50 =	vmul.f32 v50, v50;
	v58 =	vmul.f32 v53, v58  }
0xd7: {  	v25 =	vmul.f32 v25, v51;
	v59 =	vsub.f32 v55, v59;
	v60 =	vmul.f32 v60, v60  }
0xd8: {  	(erf) = vpow2.f32 v57;
	v62 =	vmul.f32 v50, v50;
	v57 =	vadd.f32 $1.500000000e+00, v58  }
0xd9: {  	v63 =	vmul.f32 v59, v59;
	v52 =	vmul.f32 v60, v52  }
0xda: {  	v58 =	vmul.f32 v62, v62;
	v60 =	vld [tilespmem:s29+$0x3080];
	v53 =	vmul.f32 v53, v57  }
0xdb: {  	v62 =	vmul.f32 v18, v3;
	v57 =	vsub.f32 v55, v61;
	v52 =	vadd.f32 $1.000000000e+00, v52  }
0xdc: {  	v50 =	vmul.f32 v58, v50;
	v61 =	vmul.f32 v53, v54  }
0xdd: {  	(erf) = vrcp.f32 v52;
	v52 =	vsub.f32 $1.000000000e+00, v55;
	v55 =	vmul.f32 v57, v57  }
0xde: {  	v58 =	vmul.f32 v63, v63;
	v57 =	vld.idx.msk [tilespmem:v16+s28+$0x3C91 ss:$0x1], $0xffff;
	v50 =	vadd.f32 $1.000000000e+00, v50;
	v59 =	vmul.f32 v61, v53  }
0xdf: {  	v60 =	vmul.f32 v52, v60;
	v55 =	vmul.f32 v55, v55  }
0xe0: {  	(erf) = vrcp.f32 v50;
	v50 =	vmul.f32 v58, v58;
	v59 =	vadd.f32 $1.500000000e+00, v59  }
0xe1: {  	v60 =	vmul.f32 $1.442695020e+00, v60;
	v61 =	vmul.f32 v55, v55  }
0xe2: {  	v63 =	vld [tilespmem:s29+$0x6080];
	v50 =	vmul.f32 v50, v50;
	v53 =	vmul.f32 v59, v53  }
0xe3: {  	v52 =	vmul.f32 v52, v57;
	v61 =	vmul.f32 v61, v61  }
0xe4: {  	v50 =	vmul.f32 v50, v58;
	v54 =	vmul.f32 v53, v54  }
0xe5: {  	v52 =	vmul.f32 $1.442695020e+00, v52;
	v55 =	vmul.f32 v61, v55  }
0xe6: {  	(erf) = vpow2.f32 v60;
	v50 =	vadd.f32 $1.000000000e+00, v50;
	v54 =	vmul.f32 v54, v53  }
0xe7: {  	(erf) = vpow2.f32 v52;
	v52 =	vld [tilespmem:s29+$0x5480];
	v51 =	vadd.f32 $1.000000000e+00, v55;
	v55 =	vmul.f32 v20, v63  }
0xe8: {  	v60 =	vsub.f32 v56, v62;
	v62 =	vmul.f32 v32, v18;
	v63 =	vadd.f32 $1.500000000e+00, v54  }
0xe9: {  	v61 =	vmul.f32 v33, v20;
	(erf) = vrcp.f32 v50;
	v25 =	vsub.f32 v25, v55  }
0xea: {  	v33 =	vpop (erf);
	(erf) = vrcp.f32 v51;
	v50 =	vmul.f32 v63, v53  }
0xeb: {  	v32 =	vpop (erf);
	v54 =	vmul.f32 v60, v61;
	v61 =	vld.idx.msk [tilespmem:v16+s28+$0x48A1 ss:$0x1], $0xffff;
	v51 =	vmul.f32 v25, v62  }
0xec: {  	v60 =	vpop (erf);
	v63 =	vld.idx.msk [tilespmem:v16+s28+$0x5491 ss:$0x1], $0xffff;
	v34 =	vmul.f32 v34, v52;
	v25 =	vmul.f32 v50, v49  }
0xed: {  	v58 =	vmul.f32 v28, v29;
	v57 =	vpop (erf);
	v29 =	vmul.f32 v60, v7  }
0xee: {  	v49 =	vpop (erf);
	v31 =	vmul.f32 v31, v34;
	v34 =	vld [tilespmem:s29+$0x2480];
	v52 =	vmul.f32 v25, v12  }
0xef: {  	v37 =	vmul.f32 v37, v23;
	v36 =	vmul.f32 v36, v21;
	v50 =	vpop (erf)  }
0xf0: {  	v41 =	vmul.f32 v41, v43;
	v62 =	vpop (erf);
	v28 =	vmul.f32 v50, v29;
	v55 =	vsub.f32 $1.000000000e+00, v52  }
0xf1: {  	v42 =	vmul.f32 v42, v63;
	v43 =	vpop (erf);
	v56 =	vmul.f32 v62, v61;
	v59 =	vsub.f32 v52, v11  }
0xf2: {  	v60 =	vld.idx.msk [tilespmem:v16+s28+$0x6CE1 ss:$0x1], $0xffff;
	v52 =	vsub.f32 v52, v10;
	v53 =	vpop (erf);
	(erf) = vrcp.f32 v28;
	v61 =	vmul.f32 v55, v9  }
0xf3: {  	v63 =	vpop (erf);
	v62 =	vmul.f32 v59, v59;
	v59 =	vld.idx.msk [tilespmem:v16+s28+$0x78F1 ss:$0x1], $0xffff;
	v34 =	vmul.f32 v25, v34  }
0xf4: {  	v52 =	vmul.f32 v52, v52;
	v29 =	vmul.f32 v63, v56  }
0xf5: {  	v50 =	vmul.f32 $1.442695020e+00, v61;
	v56 =	vmul.f32 v62, v62  }
0xf6: {  	v55 =	vmul.f32 v55, v8;
	(erf) = vrcp.f32 v29  }
0xf7: {  	v60 =	vsub.f32 v34, v60;
	(erf) = vpow2.f32 v50;
	v50 =	vmul.f32 v56, v56  }
0xf8: {  	v52 =	vmul.f32 v52, v52;
	v55 =	vmul.f32 $1.442695020e+00, v55;
	v59 =	vsub.f32 v34, v59  }
0xf9: {  	v60 =	vmul.f32 v60, v60;
	v50 =	vmul.f32 v50, v50  }
0xfa: {  	v62 =	vld.idx.msk [tilespmem:v16+s28+$0x3091 ss:$0x1], $0xffff;
	v61 =	vmul.f32 v52, v52;
	v59 =	vmul.f32 v59, v59  }
0xfb: {  	v50 =	vmul.f32 v50, v56;
	v56 =	vmul.f32 v60, v60;
	v60 =	vld.idx.msk [tilespmem:v16+s28+$0x3CA1 ss:$0x1], $0xffff  }
0xfc: {  	v61 =	vmul.f32 v61, v61;
	v59 =	vmul.f32 v59, v59  }
0xfd: {  	(erf) = vpow2.f32 v55;
	v50 =	vadd.f32 $1.000000000e+00, v50;
	v63 =	vmul.f32 v56, v56  }
0xfe: {  	v34 =	vsub.f32 $1.000000000e+00, v34;
	v52 =	vmul.f32 v61, v52;
	v61 =	vmul.f32 v59, v59  }
0xff: {  	(erf) = vrcp.f32 v50;
	v50 =	vmul.f32 v63, v63  }
0x100: {  	v55 =	vmul.f32 v34, v62;
	v52 =	vadd.f32 $1.000000000e+00, v52;
	v34 =	vmul.f32 v34, v60  }
0x101: {  	v60 =	vmul.f32 v61, v61;
	v61 =	vld.idx.msk [tilespmem:v16+s28+$0x60A1 ss:$0x1], $0xffff;
	v50 =	vmul.f32 v50, v56  }
0x102: {  	v55 =	vmul.f32 $1.442695020e+00, v55;
	(erf) = vrcp.f32 v52  }
0x103: {  	v34 =	vmul.f32 $1.442695020e+00, v34;
	v60 =	vmul.f32 v60, v59;
	v50 =	vadd.f32 $1.000000000e+00, v50  }
0x104: {  	v62 =	vmul.f32 v21, v3;
	v56 =	vld.idx.msk [tilespmem:v16+s28+$0x6091 ss:$0x1], $0xffff;
	(erf) = vpow2.f32 v55  }
0x105: {  	v44 =	vmul.f32 v44, v24;
	v59 =	vld.idx.msk [tilespmem:v16+s28+$0x54A1 ss:$0x1], $0xffff;
	(erf) = vpow2.f32 v34;
	v63 =	vadd.f32 $1.000000000e+00, v60  }
0x106: {  	v34 =	vsub.f32 v58, v62;
	(erf) = vrcp.f32 v50;
	v55 =	vmul.f32 v27, v61  }
0x107: {  	v40 =	vmul.f32 v40, v42;
	(erf) = vrcp.f32 v63;
	v50 =	vpop (erf)  }
0x108: {  	v45 =	vmul.f32 v45, v27;
	v61 =	vld.idx.msk [tilespmem:v16+s28+$0x54B1 ss:$0x1], $0xffff;
	v34 =	vmul.f32 v34, v37;
	v37 =	vpop (erf)  }
0x109: {  	v46 =	vmul.f32 v46, v4;
	v60 =	vmul.f32 v24, v3;
	v40 =	vsub.f32 v40, v55;
	v62 =	vpop (erf)  }
0x10a: {  	vm0 =	vle.f32 v17, $5.000000000e+00;
	v56 =	vmul.f32 v23, v56;
	v63 =	vld.idx.msk [tilespmem:v16+s28+$0x48B1 ss:$0x1], $0xffff;
	v47 =	vmul.f32 v47, v59;
	v55 =	vpop (erf)  }
0x10b: {  	v41 =	vsub.f32 v41, v60;
	v60 =	vmul.f32 v57, v4;
	v40 =	vmul.f32 v40, v44;
	v44 =	vpop (erf)  }
0x10c: {  	v38 =	vmul.f32 v38, v46;
	v31 =	vsub.f32 v31, v56;
	v47 =	vmul.f32 v48, v47;
	v52 =	vpop (erf)  }
0x10d: {  	vm11 =	vle.f32 v19, $5.000000000e+00;
	v46 =	vld.idx.msk [tilespmem:v16+s28+$0x60B1 ss:$0x1], $0xffff;
	v48 =	vmul.f32 v49, v60;
	v42 =	vmul.f32 v43, v61;
	v61 =	vpop (erf)  }
0x10e: {  	v5 =	vadd.f32 v20, v5;
	v31 =	vmul.f32 v31, v36;
	v36 =	vmul.f32 v62, v7;
	v49 =	vpop (erf)  }
0x10f: {  	vm12 =	vle.f32 v22, $5.000000000e+00;
	v41 =	vmul.f32 v41, v45;
	v43 =	vmul.f32 v61, v63;
	v45 =	vpop (erf)  }
0x110: {  	v5 =	vadd.f32 v23, v5;
	v33 =	vmul.f32 v33, v30;
	v36 =	vmul.f32 v52, v36;
	v57 =	vpop (erf)  }
0x111: {  	v32 =	vmul.f32 v32, v35;
	v51 =	vadd.f32 v51, v54;
	v17 =	vmul.f32 v57, v43  }
0x112: {  	v5 =	vadd.f32 v27, v5;
	v58 =	vmul.f32 v30, v46;
	v62 =	vld.idx.msk [tilespmem:v16+s28+$0x60C1 ss:$0x1], $0xffff;
	(erf) = vrcp.f32 v36  }
0x113: {  	v59 =	vld.idx.msk [tilespmem:v16+s28+$0x54C1 ss:$0x1], $0xffff;
	v56 =	vnsel vm0, $0x0, v51;
	v60 =	vmul.f32 v28, v3;
	(erf) = vrcp.f32 v17  }
0x114: {  	v37 =	vmul.f32 v37, v28;
	v31 =	vadd.f32 v31, v34;
	v63 =	vmul.f32 v35, v3  }
0x115: {  	v6 =	vadd.f32 v56, v6;
	v40 =	vadd.f32 v40, v41;
	v42 =	vmul.f32 v53, v42  }
0x116: {  	v52 =	vmul.f32 v55, v4;
	v31 =	vnsel vm11, $0x0, v31;
	v38 =	vsub.f32 v38, v63;
	v63 =	vld.idx.msk [tilespmem:v16+s28+$0x60D1 ss:$0x1], $0xffff  }
0x117: {  	v61 =	vmul.f32 v29, v62;
	v62 =	vsub.f32 v48, v60;
	v48 =	vmul.f32 v50, v29  }
0x118: {  	v50 =	vmul.f32 v49, v59;
	v54 =	vmul.f32 v44, v52;
	v43 =	vsub.f32 v47, v58  }
0x119: {  	v6 =	vadd.f32 v31, v6;
	v53 =	vmul.f32 v62, v48;
	v57 =	vmul.f32 v36, v3  }
0x11a: {  	v34 =	vsub.f32 v42, v61;
	v33 =	vmul.f32 v38, v33;
	v32 =	vmul.f32 v43, v32  }
0x11b: {  	v55 =	vmul.f32 v45, v50;
	v62 =	vnsel vm12, $0x0, v40;
	v58 =	vmul.f32 v17, v63;
	v60 =	vpop (erf)  }
0x11c: {  	v34 =	vmul.f32 v34, v37;
	v19 =	vsub.f32 v54, v57;
	v32 =	vadd.f32 v32, v33;
	v61 =	vpop (erf)  }
0x11d: {  	v59 =	vsub.f32 v55, v58;
	v63 =	vmul.f32 v60, v17;
	v22 =	vmul.f32 v61, v36  }
0x11e: {  	vm13 =	vle.f32 v26, $5.000000000e+00;
	s28 =	sadd.s32 s28, s21;
	v6 =	vadd.f32 v62, v6;
	v33 =	vadd.f32 v34, v53  }
0x11f: {  	p0 =	sne.s32 s26, $0xD80;
	[tilespmem:s28+$0x1] =	vst.add.f32.msk $0xffff, v18;
	v18 =	vnsel vm13, $0x0, v32;
	v19 =	vmul.f32 v19, v63;
	v20 =	vmul.f32 v59, v22  }
.Ltmp1:
0x120: {  	vm14 =	vle.f32 v39, $5.000000000e+00;
	v5 =	vadd.f32 v30, v5;
	[tilespmem:s28+$0x11] =	vst.add.f32.msk $0xffff, v21;
	v6 =	vadd.f32 v18, v6;
	(pc) =	sbr.rel @p0 .LBB2_5-.Ltmp1, $4  }
0x121: {  	[tilespmem:s28+$0x21] =	vst.add.f32.msk $0xffff, v24;
	v18 =	vadd.f32 v20, v19;
	v19 =	vnsel vm14, $0x0, v33  }
0x122: {  	vm15 =	vle.f32 v25, $5.000000000e+00;
	v5 =	vadd.f32 v29, v5;
	[tilespmem:s28+$0x31] =	vst.add.f32.msk $0xffff, v35;
	v6 =	vadd.f32 v19, v6  }
0x123: {  	[tilespmem:s28+$0x41] =	vst.add.f32.msk $0xffff, v28;
	v18 =	vnsel vm15, $0x0, v18  }
0x124: {  	s25 =	sadd.s32 $0x60, s25;
	s26 =	sadd.s32 $0x180, s26;
	[tilespmem:s28+$0x51] =	vst.add.f32.msk $0xffff, v36;
	v5 =	vadd.f32 v17, v5;
	v6 =	vadd.f32 v18, v6  }
0x125: {  	v16 =	vld [tilespmem:s24+$0x3C1]  }
0x126: {  	v17 =	vld [tilespmem:s24+$0xFD1];
	_ =	sdelay $0x1  }
0x127: {  	v18 =	vld [tilespmem:s24+$0x1BE1];
	_ =	sdelay $0x2  }
0x128: {  	v16 =	vsub.f32 v16, v14;
	v17 =	vsub.f32 v17, v15;
	_ =	sdelay $0x1  }
0x129: {  	v18 =	vsub.f32 v18, v13;
	v16 =	vmul.f32 v16, v16;
	v17 =	vmul.f32 v17, v17;
	_ =	sdelay $0x1  }
0x12a: {  	v45 =	vmul.f32 v18, v18;
	v16 =	vadd.f32 v17, v16;
	_ =	sdelay $0x1  }
0x12b: {  	v16 =	vadd.f32 v45, v16;
	_ =	sdelay $0x1  }
0x12c: {  	v17 =	vshrl.u32 v16, $0x1;
	v46 =	vmul.f32 $-5.000000000e-01, v16  }
0x12d: {  	v17 =	vsub.s32 $0x5F3759DF, v17  }
0x12e: {  	v19 =	vmul.f32 v17, v46;
	_ =	sdelay $0x1  }
0x12f: {  	v19 =	vmul.f32 v17, v19;
	_ =	sdelay $0x1  }
0x130: {  	v19 =	vadd.f32 $1.500000000e+00, v19;
	_ =	sdelay $0x1  }
0x131: {  	v17 =	vmul.f32 v17, v19;
	_ =	sdelay $0x1  }
0x132: {  	v19 =	vmul.f32 v17, v46;
	_ =	sdelay $0x1  }
0x133: {  	v19 =	vmul.f32 v19, v17;
	_ =	sdelay $0x1  }
0x134: {  	v19 =	vadd.f32 $1.500000000e+00, v19;
	_ =	sdelay $0x1  }
0x135: {  	v17 =	vmul.f32 v19, v17;
	_ =	sdelay $0x1  }
0x136: {  	v18 =	vmul.f32 v17, v46  }
0x137: {  	v47 =	vld [tilespmem:s24+$0x3D1]  }
0x138: {  	v48 =	vld [tilespmem:s24+$0xFE1];
	v18 =	vmul.f32 v18, v17;
	_ =	sdelay $0x1  }
0x139: {  	v49 =	vld [tilespmem:s24+$0x1BF1];
	v18 =	vadd.f32 $1.500000000e+00, v18;
	_ =	sdelay $0x1  }
0x13a: {  	v17 =	vmul.f32 v18, v17  }
0x13b: {  	v19 =	vsub.f32 v48, v15;
	v18 =	vsub.f32 v47, v14  }
0x13c: {  	v52 =	vld [tilespmem:s24+$0x27F1];
	v16 =	vmul.f32 v17, v16  }
0x13d: {  	v19 =	vmul.f32 v19, v19;
	v17 =	vsub.f32 v49, v13;
	v18 =	vmul.f32 v18, v18  }
0x13e: {  	v20 =	vmul.f32 v16, v12  }
0x13f: {  	v18 =	vadd.f32 v19, v18;
	v17 =	vmul.f32 v17, v17  }
0x140: {  	v21 =	vsub.f32 $1.000000000e+00, v20;
	v23 =	vsub.f32 v20, v11  }
0x141: {  	v50 =	vsub.f32 v20, v10;
	v17 =	vadd.f32 v17, v18;
	v18 =	vmul.f32 v16, v52  }
0x142: {  	v22 =	vmul.f32 v21, v9;
	v51 =	vmul.f32 v23, v23  }
0x143: {  	v24 =	vld [tilespmem:s24+$0x7051];
	v19 =	vmul.f32 v50, v50;
	v21 =	vmul.f32 v21, v8  }
0x144: {  	v22 =	vmul.f32 $1.442695020e+00, v22;
	v20 =	vmul.f32 v51, v51  }
0x145: {  	v26 =	vld [tilespmem:s24+$0x7C61];
	v53 =	vshrl.u32 v17, $0x1;
	v54 =	vmul.f32 $-5.000000000e-01, v17;
	v19 =	vmul.f32 v19, v19  }
0x146: {  	(erf) = vpow2.f32 v22;
	v25 =	vmul.f32 v20, v20;
	v22 =	vsub.s32 $0x5F3759DF, v53  }
0x147: {  	v21 =	vmul.f32 $1.442695020e+00, v21;
	v27 =	vmul.f32 v22, v54  }
0x148: {  	v56 =	vsub.f32 v18, v24;
	v28 =	vmul.f32 v19, v19;
	v25 =	vmul.f32 v25, v25  }
0x149: {  	v55 =	vld [tilespmem:s24+$0x3401];
	(erf) = vpow2.f32 v21;
	v27 =	vmul.f32 v22, v27  }
0x14a: {  	v26 =	vsub.f32 v18, v26;
	v21 =	vmul.f32 v56, v56;
	v20 =	vmul.f32 v25, v20  }
0x14b: {  	v59 =	vld [tilespmem:s24+$0x4011];
	v18 =	vsub.f32 $1.000000000e+00, v18;
	v28 =	vmul.f32 v28, v28;
	v57 =	vadd.f32 $1.500000000e+00, v27  }
0x14c: {  	v58 =	vmul.f32 v26, v26;
	v21 =	vmul.f32 v21, v21;
	v20 =	vadd.f32 $1.000000000e+00, v20  }
0x14d: {  	v19 =	vmul.f32 v28, v19;
	v22 =	vmul.f32 v22, v57  }
0x14e: {  	v25 =	vmul.f32 v18, v55;
	(erf) = vrcp.f32 v20  }
0x14f: {  	v20 =	vmul.f32 v58, v58;
	v60 =	vmul.f32 v22, v54  }
0x150: {  	v18 =	vmul.f32 v18, v59;
	v61 =	vmul.f32 v21, v21  }
0x151: {  	v19 =	vadd.f32 $1.000000000e+00, v19;
	v62 =	vmul.f32 v20, v20;
	v26 =	vmul.f32 v60, v22  }
0x152: {  	v25 =	vmul.f32 $1.442695020e+00, v25;
	v27 =	vmul.f32 v61, v61  }
0x153: {  	(erf) = vrcp.f32 v19;
	v19 =	vmul.f32 v62, v62;
	v26 =	vadd.f32 $1.500000000e+00, v26  }
0x154: {  	v18 =	vmul.f32 $1.442695020e+00, v18;
	v21 =	vmul.f32 v27, v21  }
0x155: {  	v19 =	vmul.f32 v19, v20;
	v63 =	vmul.f32 v26, v22  }
0x156: {  	(erf) = vpow2.f32 v25;
	v27 =	vadd.f32 $1.000000000e+00, v21  }
0x157: {  	(erf) = vpow2.f32 v18;
	v29 =	vadd.f32 $1.000000000e+00, v19;
	v28 =	vmul.f32 v63, v54  }
0x158: {  	(erf) = vrcp.f32 v27  }
0x159: {  	v33 =	vld [tilespmem:s24+$0x4C21];
	(erf) = vrcp.f32 v29;
	v30 =	vmul.f32 v28, v63  }
0x15a: {  	v34 =	vld [tilespmem:s24+$0x3E1]  }
0x15b: {  	v38 =	vld [tilespmem:s24+$0x1C01];
	v32 =	vpop (erf);
	v31 =	vadd.f32 $1.500000000e+00, v30  }
0x15c: {  	v22 =	vpop (erf)  }
0x15d: {  	v35 =	vld [tilespmem:s24+$0xFF1];
	v20 =	vpop (erf);
	v18 =	vmul.f32 v31, v63  }
0x15e: {  	v36 =	vpop (erf)  }
0x15f: {  	v19 =	vmul.f32 v32, v7;
	v37 =	vpop (erf);
	v18 =	vmul.f32 v18, v17  }
0x160: {  	v45 =	vld [tilespmem:s24+$0x2801];
	v24 =	vsub.f32 v34, v14;
	v28 =	vsub.f32 v38, v13;
	v23 =	vpop (erf);
	v25 =	vmul.f32 v37, v33  }
0x161: {  	v21 =	vpop (erf);
	v17 =	vmul.f32 v36, v19;
	v29 =	vmul.f32 v18, v12  }
0x162: {  	v41 =	vsub.f32 v35, v15;
	v24 =	vmul.f32 v24, v24;
	v43 =	vmul.f32 v28, v28;
	v39 =	vpop (erf)  }
0x163: {  	(erf) = vrcp.f32 v17;
	v19 =	vmul.f32 v39, v25;
	v40 =	vsub.f32 $1.000000000e+00, v29  }
0x164: {  	v34 =	vld [tilespmem:s24+$0x7C71];
	v25 =	vmul.f32 v41, v41;
	v42 =	vsub.f32 v29, v10;
	v29 =	vsub.f32 v29, v11  }
0x165: {  	v48 =	vmul.f32 v18, v45;
	(erf) = vrcp.f32 v19  }
0x166: {  	v24 =	vadd.f32 v25, v24;
	v30 =	vmul.f32 v40, v9;
	v29 =	vmul.f32 v29, v29  }
0x167: {  	v26 =	vmul.f32 v42, v42;
	v27 =	vmul.f32 v40, v8  }
0x168: {  	v24 =	vadd.f32 v43, v24;
	v44 =	vmul.f32 $1.442695020e+00, v30;
	v29 =	vmul.f32 v29, v29  }
0x169: {  	v51 =	vsub.f32 v48, v34;
	v26 =	vmul.f32 v26, v26;
	v27 =	vmul.f32 $1.442695020e+00, v27  }
0x16a: {  	v47 =	vld [tilespmem:s24+$0x7061];
	v32 =	vshrl.u32 v24, $0x1;
	v33 =	vmul.f32 $-5.000000000e-01, v24;
	(erf) = vpow2.f32 v44  }
0x16b: {  	v50 =	vld [tilespmem:s24+$0x3411];
	v46 =	vmul.f32 v29, v29;
	v31 =	vmul.f32 v26, v26;
	v32 =	vsub.s32 $0x5F3759DF, v32  }
0x16c: {  	v35 =	vmul.f32 v32, v33;
	(erf) = vpow2.f32 v27  }
0x16d: {  	v27 =	vmul.f32 v51, v51;
	v25 =	vmul.f32 v46, v46  }
0x16e: {  	v54 =	vsub.f32 $1.000000000e+00, v48;
	v31 =	vmul.f32 v31, v31;
	v49 =	vmul.f32 v32, v35  }
0x16f: {  	v27 =	vmul.f32 v27, v27;
	v25 =	vmul.f32 v25, v29  }
0x170: {  	v28 =	vsub.f32 v48, v47;
	v26 =	vmul.f32 v31, v26;
	v31 =	vmul.f32 v54, v50  }
0x171: {  	v53 =	vld [tilespmem:s24+$0x4021];
	v30 =	vadd.f32 $1.500000000e+00, v49;
	v57 =	vmul.f32 v27, v27  }
0x172: {  	v52 =	vmul.f32 v28, v28;
	v40 =	vld [tilespmem:s24+$0x1001];
	v25 =	vadd.f32 $1.000000000e+00, v25;
	v31 =	vmul.f32 $1.442695020e+00, v31  }
0x173: {  	v63 =	vld [tilespmem:s24+$0x3F1];
	v26 =	vadd.f32 $1.000000000e+00, v26;
	v30 =	vmul.f32 v32, v30;
	v59 =	vmul.f32 v57, v57  }
0x174: {  	(erf) = vrcp.f32 v25;
	v25 =	vmul.f32 v52, v52  }
0x175: {  	v43 =	vld [tilespmem:s24+$0x1C11];
	(erf) = vrcp.f32 v26;
	v55 =	vmul.f32 v30, v33  }
0x176: {  	v26 =	vmul.f32 v54, v53;
	v27 =	vmul.f32 v59, v27  }
0x177: {  	v46 =	vsub.f32 v40, v15;
	v56 =	vmul.f32 v25, v25;
	v29 =	vmul.f32 v55, v30  }
0x178: {  	(erf) = vpow2.f32 v31;
	v31 =	vsub.f32 v63, v14;
	v26 =	vmul.f32 $1.442695020e+00, v26  }
0x179: {  	v58 =	vmul.f32 v56, v56;
	v29 =	vadd.f32 $1.500000000e+00, v29  }
0x17a: {  	v35 =	vsub.f32 v43, v13;
	v15 =	vmul.f32 v46, v46;
	v31 =	vmul.f32 v31, v31  }
0x17b: {  	v60 =	vadd.f32 $1.000000000e+00, v27;
	v27 =	vpop (erf);
	v25 =	vmul.f32 v58, v25;
	v30 =	vmul.f32 v29, v30  }
0x17c: {  	v52 =	vmul.f32 v35, v35;
	(erf) = vpow2.f32 v26;
	v26 =	vpop (erf)  }
0x17d: {  	v42 =	vld [tilespmem:s24+$0x4C31];
	v15 =	vadd.f32 v15, v31;
	v25 =	vadd.f32 $1.000000000e+00, v25;
	v41 =	vpop (erf);
	v61 =	vmul.f32 v30, v33  }
0x17e: {  	v29 =	vpop (erf)  }
0x17f: {  	v15 =	vadd.f32 v52, v15;
	(erf) = vrcp.f32 v25;
	v28 =	vpop (erf);
	v62 =	vmul.f32 v61, v30  }
0x180: {  	(erf) = vrcp.f32 v60;
	v45 =	vpop (erf)  }
0x181: {  	v56 =	vshrl.u32 v15, $0x1;
	v37 =	vmul.f32 $-5.000000000e-01, v15;
	v36 =	vpop (erf);
	v25 =	vadd.f32 $1.500000000e+00, v62  }
0x182: {  	v47 =	vmul.f32 v36, v42;
	v36 =	vsub.s32 $0x5F3759DF, v56  }
0x183: {  	v40 =	vmul.f32 v36, v37;
	v25 =	vmul.f32 v25, v30  }
0x184: {  	v55 =	vld [tilespmem:s24+$0x2811]  }
0x185: {  	v40 =	vmul.f32 v36, v40;
	v25 =	vmul.f32 v25, v24  }
0x186: {  	v44 =	vmul.f32 v41, v7  }
0x187: {  	v30 =	vpop (erf);
	v40 =	vadd.f32 $1.500000000e+00, v40;
	v48 =	vmul.f32 v25, v12  }
0x188: {  	v24 =	vmul.f32 v45, v44;
	v14 =	vpop (erf)  }
0x189: {  	v39 =	vld [tilespmem:s24+$0x7071];
	v35 =	vmul.f32 v25, v55;
	v49 =	vpop (erf);
	v36 =	vmul.f32 v36, v40;
	v50 =	vsub.f32 $1.000000000e+00, v48  }
0x18a: {  	(erf) = vrcp.f32 v24;
	v13 =	vmul.f32 v49, v47;
	v51 =	vsub.f32 v48, v11  }
0x18b: {  	v33 =	vsub.f32 v48, v10;
	v44 =	vmul.f32 v36, v37;
	v53 =	vmul.f32 v50, v9  }
0x18c: {  	v34 =	vmul.f32 v51, v51;
	(erf) = vrcp.f32 v13  }
0x18d: {  	v33 =	vmul.f32 v33, v33;
	v32 =	vmul.f32 v50, v8  }
0x18e: {  	v63 =	vld [tilespmem:s24+$0x4031];
	v60 =	vsub.f32 v35, v39;
	v39 =	vmul.f32 v44, v36;
	v34 =	vmul.f32 v34, v34  }
0x18f: {  	v54 =	vmul.f32 $1.442695020e+00, v53;
	v33 =	vmul.f32 v33, v33  }
0x190: {  	v41 =	vld [tilespmem:s24+$0x7C81];
	v62 =	vsub.f32 $1.000000000e+00, v35;
	v32 =	vmul.f32 $1.442695020e+00, v32;
	v38 =	vmul.f32 v34, v34  }
0x191: {  	v39 =	vadd.f32 $1.500000000e+00, v39;
	v42 =	vmul.f32 v33, v33;
	(erf) = vpow2.f32 v54  }
0x192: {  	v57 =	vld [tilespmem:s24+$0x3421];
	(erf) = vpow2.f32 v32;
	v38 =	vmul.f32 v38, v38  }
0x193: {  	v32 =	vmul.f32 v62, v63;
	v36 =	vmul.f32 v39, v36  }
0x194: {  	v58 =	vmul.f32 v42, v42;
	v34 =	vmul.f32 v38, v34  }
0x195: {  	v61 =	vsub.f32 v35, v41;
	v32 =	vmul.f32 $1.442695020e+00, v32;
	v48 =	vmul.f32 v36, v37  }
0x196: {  	v31 =	vmul.f32 v58, v33;
	v59 =	vadd.f32 $1.000000000e+00, v34;
	v34 =	vmul.f32 v60, v60  }
0x197: {  	v33 =	vmul.f32 v61, v61;
	v38 =	vmul.f32 v62, v57  }
0x198: {  	v50 =	vmul.f32 v48, v36;
	v34 =	vmul.f32 v34, v34  }
0x199: {  	v31 =	vadd.f32 $1.000000000e+00, v31;
	v33 =	vmul.f32 v33, v33;
	v38 =	vmul.f32 $1.442695020e+00, v38  }
0x19a: {  	(erf) = vrcp.f32 v59;
	v45 =	vmul.f32 v34, v34  }
0x19b: {  	v46 =	vmul.f32 v33, v33;
	(erf) = vrcp.f32 v31  }
0x19c: {  	v51 =	vadd.f32 $1.500000000e+00, v50;
	(erf) = vpow2.f32 v38;
	v31 =	vmul.f32 v45, v45  }
0x19d: {  	v47 =	vmul.f32 v46, v46;
	(erf) = vpow2.f32 v32  }
0x19e: {  	v32 =	vmul.f32 v51, v36;
	v31 =	vmul.f32 v31, v34;
	_ =	sdelay $0x1  }
0x19f: {  	v33 =	vmul.f32 v47, v33;
	v15 =	vmul.f32 v32, v15;
	v31 =	vadd.f32 $1.000000000e+00, v31;
	_ =	sdelay $0x1  }
0x1a0: {  	v49 =	vadd.f32 $1.000000000e+00, v33;
	v55 =	vmul.f32 v15, v12  }
0x1a1: {  	(erf) = vrcp.f32 v31  }
0x1a2: {  	v57 =	vld [tilespmem:s24+$0x2821];
	v56 =	vsub.f32 v55, v11;
	v31 =	vpop (erf);
	(erf) = vrcp.f32 v49  }
0x1a3: {  	v33 =	vpop (erf)  }
0x1a4: {  	v12 =	vsub.f32 $1.000000000e+00, v55;
	v60 =	vmul.f32 v56, v56;
	v52 =	vpop (erf)  }
0x1a5: {  	v53 =	vld [tilespmem:s24+$0x4C41];
	v36 =	vpop (erf)  }
0x1a6: {  	v62 =	vld [tilespmem:s24+$0x7C91];
	v63 =	vmul.f32 v12, v9;
	v32 =	vmul.f32 v60, v60;
	v37 =	vpop (erf)  }
0x1a7: {  	v61 =	vld [tilespmem:s24+$0x7081];
	v41 =	vmul.f32 v15, v57;
	v46 =	vmul.f32 v12, v8;
	v54 =	vpop (erf)  }
0x1a8: {  	v9 =	vmul.f32 $1.442695020e+00, v63;
	v45 =	vmul.f32 v32, v32;
	v38 =	vpop (erf)  }
0x1a9: {  	v59 =	vsub.f32 v55, v10;
	v8 =	vmul.f32 $1.442695020e+00, v46;
	v34 =	vmul.f32 v52, v7;
	v39 =	vpop (erf)  }
0x1aa: {  	v48 =	vld [tilespmem:s24+$0x3431];
	v42 =	vmul.f32 v45, v45;
	v35 =	vmul.f32 v38, v53;
	v40 =	vpop (erf)  }
0x1ab: {  	v11 =	vmul.f32 v54, v34;
	v34 =	vmul.f32 v59, v59;
	v38 =	vsub.f32 v41, v62;
	v58 =	vpop (erf)  }
0x1ac: {  	v32 =	vmul.f32 v42, v32;
	v10 =	vmul.f32 v58, v35;
	v35 =	vsub.f32 v41, v61  }
0x1ad: {  	v55 =	vsub.f32 $1.000000000e+00, v41;
	v34 =	vmul.f32 v34, v34;
	(erf) = vrcp.f32 v11  }
0x1ae: {  	v50 =	vld [tilespmem:s24+$0x4041];
	v49 =	vmul.f32 v38, v38;
	v35 =	vmul.f32 v35, v35  }
0x1af: {  	v47 =	vmul.f32 v34, v34;
	v58 =	vmul.f32 v55, v48  }
0x1b0: {  	v54 =	vmul.f32 v49, v49;
	v52 =	vmul.f32 v35, v35  }
0x1b1: {  	(erf) = vrcp.f32 v10;
	v12 =	vmul.f32 v47, v47  }
0x1b2: {  	(erf) = vpow2.f32 v9;
	v56 =	vmul.f32 v52, v52  }
0x1b3: {  	v57 =	vmul.f32 v54, v54;
	v9 =	vmul.f32 v55, v50  }
0x1b4: {  	v12 =	vmul.f32 v12, v34;
	v34 =	vmul.f32 v56, v56  }
0x1b5: {  	v51 =	vadd.f32 $1.000000000e+00, v32;
	(erf) = vpow2.f32 v8;
	v8 =	vmul.f32 v57, v57  }
0x1b6: {  	v35 =	vmul.f32 $1.442695020e+00, v58;
	v53 =	vadd.f32 $1.000000000e+00, v12;
	v32 =	vmul.f32 v34, v52  }
0x1b7: {  	(erf) = vrcp.f32 v51;
	v8 =	vmul.f32 v8, v54  }
0x1b8: {  	v9 =	vmul.f32 $1.442695020e+00, v9;
	(erf) = vrcp.f32 v53;
	v32 =	vadd.f32 $1.000000000e+00, v32  }
0x1b9: {  	(erf) = vpow2.f32 v35;
	v8 =	vadd.f32 $1.000000000e+00, v8  }
0x1ba: {  	v59 =	vld [tilespmem:s24+$0x5831];
	(erf) = vpow2.f32 v9  }
0x1bb: {  	(erf) = vrcp.f32 v32  }
0x1bc: {  	v29 =	vmul.f32 v29, v4;
	v61 =	vld [tilespmem:s24+$0x6441];
	v32 =	vpop (erf);
	(erf) = vrcp.f32 v8  }
0x1bd: {  	v63 =	vld [tilespmem:s24+$0x5841];
	v8 =	vpop (erf)  }
0x1be: {  	v28 =	vmul.f32 v28, v29;
	v60 =	vmul.f32 v22, v4;
	v62 =	vpop (erf)  }
0x1bf: {  	v46 =	vld [tilespmem:s24+$0x4C51];
	v43 =	vmul.f32 v36, v4;
	v12 =	vmul.f32 v23, v59;
	v23 =	vpop (erf)  }
0x1c0: {  	v45 =	vmul.f32 v17, v3;
	v38 =	vmul.f32 v33, v24;
	v41 =	vpop (erf)  }
0x1c1: {  	v47 =	vmul.f32 v27, v19;
	v50 =	vld [tilespmem:s24+$0x6451];
	v22 =	vmul.f32 v19, v61;
	v48 =	vpop (erf)  }
0x1c2: {  	v51 =	vmul.f32 v26, v17;
	v54 =	vmul.f32 v30, v63;
	v49 =	vpop (erf)  }
0x1c3: {  	v12 =	vmul.f32 v21, v12;
	v53 =	vmul.f32 v62, v7;
	v52 =	vpop (erf)  }
0x1c4: {  	v59 =	vld [tilespmem:s24+$0x5851];
	v14 =	vmul.f32 v14, v54;
	v56 =	vmul.f32 v49, v46;
	v55 =	vpop (erf)  }
0x1c5: {  	v9 =	vmul.f32 v20, v60;
	v7 =	vmul.f32 v48, v53;
	v58 =	vpop (erf)  }
0x1c6: {  	v12 =	vsub.f32 v12, v22;
	v60 =	vmul.f32 v13, v50;
	v20 =	vmul.f32 v58, v56  }
0x1c7: {  	v57 =	vmul.f32 v24, v3;
	v9 =	vsub.f32 v9, v45;
	(erf) = vrcp.f32 v7  }
0x1c8: {  	v61 =	vld [tilespmem:s24+$0x6461];
	v12 =	vmul.f32 v12, v51;
	v14 =	vsub.f32 v14, v60;
	(erf) = vrcp.f32 v20  }
0x1c9: {  	v63 =	vld [tilespmem:s24+$0x5861];
	v45 =	vmul.f32 v39, v59;
	v9 =	vmul.f32 v9, v47  }
0x1ca: {  	v28 =	vsub.f32 v28, v57;
	v14 =	vmul.f32 v14, v38;
	v62 =	vmul.f32 v31, v13  }
0x1cb: {  	v44 =	vld [tilespmem:s24+$0x6471];
	v47 =	vmul.f32 v40, v45;
	v8 =	vmul.f32 v8, v11  }
0x1cc: {  	v42 =	vmul.f32 v28, v62;
	v28 =	vmul.f32 v37, v43  }
0x1cd: {  	v48 =	vmul.f32 v23, v4;
	v46 =	vmul.f32 v11, v3  }
0x1ce: {  	vm0 =	vle.f32 v16, $5.000000000e+00;
	v49 =	vmul.f32 v10, v61;
	v50 =	vmul.f32 v52, v63  }
0x1cf: {  	v9 =	vadd.f32 v12, v9;
	v4 =	vmul.f32 v41, v48;
	v3 =	vmul.f32 v7, v3  }
0x1d0: {  	v51 =	vsub.f32 v28, v46;
	v53 =	vmul.f32 v55, v50;
	v54 =	vmul.f32 v20, v44;
	v52 =	vpop (erf)  }
0x1d1: {  	v12 =	vsub.f32 v47, v49;
	v55 =	vmul.f32 v32, v10;
	v3 =	vsub.f32 v4, v3;
	v56 =	vpop (erf)  }
0x1d2: {  	v16 =	vsub.f32 v53, v54;
	v57 =	vmul.f32 v52, v20;
	v4 =	vmul.f32 v56, v7  }
0x1d3: {  	v9 =	vnsel vm0, $0x0, v9;
	v8 =	vmul.f32 v12, v8;
	v23 =	vmul.f32 v51, v55  }
0x1d4: {  	v58 =	vadd.f32 v14, v42;
	v3 =	vmul.f32 v3, v57;
	v4 =	vmul.f32 v16, v4  }
0x1d5: {  	vm13 =	vle.f32 v18, $5.000000000e+00;
	v5 =	vadd.f32 v19, v5;
	v6 =	vadd.f32 v9, v6  }
0x1d6: {  	v59 =	vnsel vm13, $0x0, v58;
	v8 =	vadd.f32 v8, v23;
	v3 =	vadd.f32 v4, v3  }
0x1d7: {  	s25 =	sshll.u32 s20, $0x4;
	s20 =	sadd.s32 $0x1, s20;
	vm14 =	vle.f32 v25, $5.000000000e+00;
	v5 =	vadd.f32 v13, v5;
	v60 =	vadd.f32 v59, v6  }
0x1d8: {  	p0 =	sne.s32 s20, $0x40;
	vm15 =	vle.f32 v15, $5.000000000e+00;
	v61 =	vnsel vm14, $0x0, v8;
	v3 =	vmul.f32 v0, v3  }
.Ltmp2:
0x1d9: {  	[tilespmem:s24+$0x8CC1] =	vst.add.f32.msk $0xffff, v17;
	v5 =	vadd.f32 v10, v5;
	v62 =	vmul.f32 v0, v20;
	v4 =	vadd.f32 v61, v60;
	(pc) =	sbr.rel @p0 .LBB2_4-.Ltmp2, $4  }
0x1da: {  	[tilespmem:s24+$0x8CD1] =	vst.add.f32.msk $0xffff, v24;
	v7 =	vmul.f32 v0, v7;
	v3 =	vnsel vm15, $0x0, v3  }
0x1db: {  	[tilespmem:s24+$0x8CE1] =	vst.add.f32.msk $0xffff, v11;
	v63 =	vadd.f32 v62, v5;
	v3 =	vadd.f32 v3, v4  }
0x1dc: {  	s31 =	sand.u32 $0x3FFFFFF0, s25;
	[tilespmem:s24+$0x8CF1] =	vst.add.f32.msk $0xffff, v7  }
0x1dd: {  	s23 =	sadd.s32 $0x1, s23;
	s22 =	sadd.s32 $0x1, s22;
	s21 =	sadd.s32 $0x1, s21;
	[tilespmem:s31+$0x8500] =	vst v63;
	v2 =	vadd.f32 v3, v2  }
0x1de: {  	_ = 	snop  }
0x1df: {  	[tilespmem:$0x9900] =	vst v2  }
0x1e0: {  	[hbm4b:s6+s3] =	stream.linear.scatter [tilespmem:s14], [sflag:$0x1], $0x400, $0x38;
	[tilespmem:$0x9980] =	vst v63  }
0x1e1: {  	_ =	swait.ge [sflag:s13], $0x400  }
0x1e2: {  	[sflag:s13] =	ssyncset.done $0x0  }
0x1e3: {  	[sflag:s13] =	ssyncadd.s32 $0xFFFFFC00  }
0x1e4: {  	[hbm4b:s7+s15] =	stream.strided.scatter [tilespmem:s17], [sflag:$0x1], $0x1000, s16, s15, $0x38;
	[tilespmem:$0x9980] =	vst v63  }
0x1e5: {  	s19 =	sadd.s32 $0x1, s19;
	_ =	swait.ge [sflag:s13], $0x1000  }
0x1e6: {  	p0 =	sne.s32 s19, s9;
	[sflag:s13] =	ssyncset.done $0x0  }
.Ltmp3:
0x1e7: {  	[sflag:s13] =	ssyncadd.s32 $0xFFFFF000;
	(pc) =	sbr.rel @p0 .LBB2_1-.Ltmp3, $4  }
0x1e8: {  	[hbm4b:s8+s3] =	stream.linear.scatter [tilespmem:s18], [sflag:$0x1], $0x80, $0x38;
	[tilespmem:$0x9980] =	vst v63  }
0x1e9: {  	_ =	swait.ge [sflag:s13], $0x80  }
0x1ea: {  	[sflag:s13] =	ssyncset.done $0x0  }
0x1eb: {  	[sflag:s13] =	ssyncadd.s32 $0xFFFFFF80  }
0x1ec: {  	_ =	sfence.sel $0x180000  }
0x1ed: {  	[bflag:$0x0] =	sbarrier.arrive $0xFFFF  }
0x1ee: {  	p0 =	sne.s32 s0, $0x0;
	_ =	strace $0x90000047  }
0x1ef: {  	s0 =	sadd.s32 @!p0 $0x100000, s1;
	[bflag:$0x2] =	sbarrier.arrive $0xFFFF  }
0x1f0: {  	[sflag:s0] =	ssyncadd.tile.s32 @!p0 $0x1;
	_ =	shalt  }
.Lfunc_end2:
_tile_overlayer_lowered:
.L_overlay_start_2:
0x1f1: {  	(tag) =	ssettag $0x2  }
0x1f2: {  	s0 =	rddreg [dreg:$0x0];
	s2 =	stileid.u32  }
0x1f3: {  	s1 =	rddreg [dreg:$0x1];
	p0 =	sne.s32 s2, $0x0  }
0x1f4: {  	s3 =	rddreg [dreg:$0x2];
	[bflag:$0x3] =	sbarrier.arrive $0xFFFF;
	s2 =	simm.s32 @!p0 $0x1C01  }
0x1f5: {  	[timem:s3], [sflag:s2] =	dma.local @!p0 [hbm:s0], s1  }
0x1f6: {  	s0 =	simm.s32 @!p0 $0x1  }
0x1f7: {  	_ =	swait.ge @!p0 [sflag:s0], s1  }
0x1f8: {  	s1 =	ssub.s32 @!p0 $0x0, s1;
	[sflag:s0] =	ssyncset.done @!p0 $0x0  }
0x1f9: {  	[sflag:s0] =	ssyncadd.s32 @!p0 s1  }
0x1fa: {  	[bflag:$0x3] =	sbarrier.arrive $0xFFFF  }
0x1fb: {  	_ =	shalt  }

</sc_bundles>
